<compile_context>
chip_gen: v7x
topology: tpu7x:2x2x1
jax: 0.10.2.dev20260603
libtpu: 0.0.44.dev20260713+nightly
codegen_flags: <defaults>
</compile_context>

<pallas_src>
import jax
import jax.numpy as jnp
import numpy as np
from jax import lax
from jax.experimental import pallas as pl
from jax.experimental.pallas import tpu as pltpu
from jax.experimental.pallas import tpu_sc as plsc

NC = 2
NS = 16
NW = NC * NS
CH = 2048
NPAD = 240


def _mesh():
  return plsc.VectorSubcoreMesh(
      core_axis_name="c", subcore_axis_name="s",
      num_cores=NC, num_subcores=NS)


def _sc_params():
  return pltpu.CompilerParams(
      use_tc_tiling_on_sc=False, needs_layout_passes=False)


def _slice_split(n):
  for k in range(NS, 0, -1):
    if n % k == 0 and (n // k) % 8 == 0:
      return k, n // k
  raise ValueError(n)


def _make_scatter(n, np_, f, ep, with_deg, interpret=False):
  kz, rpt = _slice_split(np_)
  cpt = ep // (NW * CH)

  out_type = [jax.ShapeDtypeStruct((NC, np_, f), jnp.float32)]
  scratch = [
      pltpu.VMEM((2, 2, CH), jnp.int32),
      pltpu.VMEM((2, CH, f), jnp.float32),
      pltpu.VMEM_SHARED((np_, f), jnp.float32),
      pltpu.SemaphoreType.DMA,
      pltpu.SemaphoreType.DMA,
  ]
  if with_deg:
    out_type.append(jax.ShapeDtypeStruct((NC, np_, f), jnp.float32))
    scratch += [
        pltpu.VMEM((CH, f), jnp.float32),
        pltpu.VMEM_SHARED((np_, f), jnp.float32),
    ]

  def body(*refs):
    if with_deg:
      (feat, srcp, dstp, zf, ones_h,
       agg_out, deg_out,
       idx_v, rows_v, acc_sh, gsem, ssem, ones_v, deg_sh) = refs
    else:
      (feat, srcp, dstp, zf,
       agg_out,
       idx_v, rows_v, acc_sh, gsem, ssem) = refs

    cid = lax.axis_index("c")
    sid = lax.axis_index("s")
    wid = cid * NS + sid
    r0 = sid * rpt

    @pl.when(sid < kz)
    def _zero():
      pltpu.sync_copy(zf, acc_sh.at[pl.ds(r0, rpt), :])
      if with_deg:
        pltpu.sync_copy(zf, deg_sh.at[pl.ds(r0, rpt), :])

    if with_deg:
      pltpu.sync_copy(ones_h, ones_v)
    plsc.subcore_barrier()

    c0 = wid * cpt

    def idx_copy(s, b):
      pltpu.sync_copy(srcp.at[pl.ds((c0 + s) * CH, CH)], idx_v.at[b, 0])
      pltpu.sync_copy(dstp.at[pl.ds((c0 + s) * CH, CH)], idx_v.at[b, 1])

    def fire_gather(b):
      pltpu.async_copy(feat.at[idx_v.at[b, 0]], rows_v.at[b], gsem)

    def wait_gather():
      pltpu.make_async_copy(feat.at[pl.ds(0, CH), :],
                            rows_v.at[0], gsem).wait()

    def fire_scatter(b):
      pltpu.async_copy(rows_v.at[b], acc_sh.at[idx_v.at[b, 1]],
                       ssem, add=True)
      if with_deg:
        pltpu.async_copy(ones_v, deg_sh.at[idx_v.at[b, 1]], ssem, add=True)

    def wait_scatter():
      for _ in range(2 if with_deg else 1):
        pltpu.make_async_copy(feat.at[pl.ds(0, CH), :],
                              rows_v.at[0], ssem).wait()

    idx_copy(0, 0)
    fire_gather(0)
    for s in range(cpt):
      b = s % 2
      wait_gather()
      if s >= 1:
        wait_scatter()
      if s + 1 < cpt:
        idx_copy(s + 1, 1 - b)
        fire_gather(1 - b)
      fire_scatter(b)
    wait_scatter()
    plsc.subcore_barrier()

    @pl.when(sid < kz)
    def _writeout():
      pltpu.sync_copy(acc_sh.at[pl.ds(r0, rpt), :],
                      agg_out.at[cid, pl.ds(r0, rpt), :])
      if with_deg:
        pltpu.sync_copy(deg_sh.at[pl.ds(r0, rpt), :],
                        deg_out.at[cid, pl.ds(r0, rpt), :])

  return pl.kernel(body, out_type=tuple(out_type), mesh=_mesh(),
                   scratch_types=tuple(scratch), interpret=interpret,
                   compiler_params=_sc_params())


def _make_score(np_, ep, interpret=False):
  cpt = ep // (NW * CH)
  out_type = jax.ShapeDtypeStruct((ep,), jnp.float32)
  scratch = (
      pltpu.VMEM((np_,), jnp.float32),
      pltpu.VMEM((np_,), jnp.float32),
      pltpu.VMEM((2, CH), jnp.int32),
      pltpu.VMEM((CH,), jnp.float32),
  )

  def body(s0_h, s1_h, srcp, dstp, out_h, s0_v, s1_v, idx_v, out_v):
    cid = lax.axis_index("c")
    sid = lax.axis_index("s")
    wid = cid * NS + sid
    pltpu.sync_copy(s0_h, s0_v)
    pltpu.sync_copy(s1_h, s1_v)
    c0 = wid * cpt

    def chunk(c, carry):
      pltpu.sync_copy(srcp.at[pl.ds(c * CH, CH)], idx_v.at[0])
      pltpu.sync_copy(dstp.at[pl.ds(c * CH, CH)], idx_v.at[1])

      def grp(i, carry2):
        sv = idx_v[0, pl.ds(i * 16, 16)]
        dv = idx_v[1, pl.ds(i * 16, 16)]
        out_v[pl.ds(i * 16, 16)] = (plsc.load_gather(s0_v, [sv])
                                    + plsc.load_gather(s1_v, [dv]))
        return carry2

      lax.fori_loop(0, CH // 16, grp, 0)
      pltpu.sync_copy(out_v, out_h.at[pl.ds(c * CH, CH)])
      return carry

    lax.fori_loop(c0, c0 + cpt, chunk, 0)

  return pl.kernel(body, out_type=out_type, mesh=_mesh(),
                   scratch_types=scratch, interpret=interpret,
                   compiler_params=_sc_params())


def _tc_project(h, w1):
  n, d = h.shape
  f = w1.shape[1]
  bn = 2000

  def body(h_ref, w_ref, o_ref):
    o_ref[...] = jnp.dot(h_ref[...], w_ref[...],
                         preferred_element_type=jnp.float32,
                         precision=jax.lax.Precision.HIGHEST)

  return pl.pallas_call(
      body,
      grid=(n // bn,),
      in_specs=[pl.BlockSpec((bn, d), lambda i: (i, 0)),
                pl.BlockSpec((d, f), lambda i: (0, 0))],
      out_specs=pl.BlockSpec((bn, f), lambda i: (i, 0)),
      out_shape=jax.ShapeDtypeStruct((n, f), jnp.float32),
  )(h, w1)


def _tc_layer1(aggp, degp, p1, b1):
  n, f = p1.shape

  def body(aggp_ref, degp_ref, p1_ref, b1_ref, hh_ref):
    deg = degp_ref[0, :n, 0:1] + degp_ref[1, :n, 0:1]
    inv = 1.0 / (deg + 1.0)
    hn = (aggp_ref[0, :n, :] + aggp_ref[1, :n, :] + p1_ref[...]) * inv
    hh_ref[...] = jnp.maximum(hn + b1_ref[...], 0.0)

  return pl.pallas_call(
      body,
      out_shape=jax.ShapeDtypeStruct((n, f), jnp.float32),
  )(aggp, degp, p1, b1)


def _tc_layer2(agg2p, degp, hh, w2, wm, b2, bm):
  n, f = hh.shape
  d = w2.shape[1]

  def body(agg2p_ref, degp_ref, hh_ref, w2_ref, wm_ref, b2_ref, bm_ref,
           s0_ref, s1_ref):
    deg = degp_ref[0, :n, 0:1] + degp_ref[1, :n, 0:1]
    inv = 1.0 / (deg + 1.0)
    hn2 = (agg2p_ref[0, :n, :] + agg2p_ref[1, :n, :] + hh_ref[...]) * inv
    hh2 = jnp.dot(hn2, w2_ref[...],
                  preferred_element_type=jnp.float32) + b2_ref[...]
    zpad = jnp.zeros((NPAD,), jnp.float32)
    s0 = jnp.dot(hh2, wm_ref[:d, :],
                 preferred_element_type=jnp.float32)[:, 0] + bm_ref[0, 0]
    s1 = jnp.dot(hh2, wm_ref[d:, :],
                 preferred_element_type=jnp.float32)[:, 0]
    s0_ref[...] = jnp.concatenate([s0, zpad])
    s1_ref[...] = jnp.concatenate([s1, zpad])

  return pl.pallas_call(
      body,
      out_shape=(jax.ShapeDtypeStruct((n + NPAD,), jnp.float32),
                 jax.ShapeDtypeStruct((n + NPAD,), jnp.float32)),
  )(agg2p, degp, hh, w2, wm, b2, bm)


@jax.jit
def kernel(h, edge_index, W1, b1, W2, b2, Wm, bm):
  n, d = h.shape
  e = edge_index.shape[1]
  f = W1.shape[1]
  np_ = n + NPAD
  step = NW * CH
  ep = ((e + step - 1) // step) * step

  pad_block = np.stack([np.zeros((ep - e,), np.int32),
                        n + (np.arange(ep - e, dtype=np.int32) % NPAD)])
  eip = jnp.concatenate([edge_index, jnp.asarray(pad_block)], axis=1)
  srcp = eip[0]
  dstp = eip[1]
  _, rpt = _slice_split(np_)
  zf = jnp.asarray(np.zeros((rpt, f), np.float32))
  ones = jnp.asarray(np.ones((CH, f), np.float32))

  p1 = _tc_project(h, W1)
  aggp, degp = _make_scatter(n, np_, f, ep, True)(p1, srcp, dstp, zf, ones)
  hh = _tc_layer1(aggp, degp, p1, b1.reshape(1, f))
  (agg2p,) = _make_scatter(n, np_, f, ep, False)(hh, srcp, dstp, zf)
  s0p, s1p = _tc_layer2(agg2p, degp, hh, W2, Wm,
                        b2.reshape(1, d), bm.reshape(1, 1))
  score = _make_score(np_, ep)(s0p, s1p, srcp, dstp)
  return score[:e].reshape(e, 1)

# --- scband reference (transcript-rebuilt; emitter-appended) ---
"""Pipeline reference for scband-sagemlp-70033736728588 (READ-ONLY COPY).

The authoritative reference and input builder live on the scoring server;
editing this copy changes nothing except your own understanding.
"""

import jax, jax.numpy as jnp
import numpy as np

N = 10000
E = 320000
D = 128
H = 16
C = 1

def setup_inputs(seed: int = 0) -> dict:
    key = jax.random.key(seed)
    ks = jax.random.split(key, 8)
    x = jax.random.normal(ks[0], (N, D), dtype=jnp.float32)
    edge_index = jax.random.randint(ks[1], (2, E), 0, N, dtype=jnp.int32)
    # SAGEConv layer 1 (gcn aggregator): in 128 -> hid 16
    W1 = jax.random.normal(ks[2], (D, H), dtype=jnp.float32) * 0.05
    b1 = jnp.zeros((H,), dtype=jnp.float32)
    # SAGEConv layer 2 (gcn aggregator): hid 16 -> out 128
    W2 = jax.random.normal(ks[3], (H, D), dtype=jnp.float32) * 0.05
    b2 = jnp.zeros((D,), dtype=jnp.float32)
    # MLPPredictor: Linear(2*D -> C) applied per-edge on concat(h_src, h_dst)
    Wm = jax.random.normal(ks[4], (2 * D, C), dtype=jnp.float32) * 0.05
    bm = jnp.zeros((C,), dtype=jnp.float32)
    return {"h": x, "edge_index": edge_index, "W1": W1, "b1": b1, "W2": W2, "b2": b2, "Wm": Wm, "bm": bm}

def reference(h, edge_index, W1, b1, W2, b2, Wm, bm):
    # Dropout layers are identity in eval mode.
    src = edge_index[0]
    dst = edge_index[1]
    # in-degree per destination node
    deg = jax.ops.segment_sum(jnp.ones((E,), dtype=jnp.float32), dst, num_segments=N)
    denom = (deg + 1.0)[:, None]

    def sage_gcn_layer(feat, W, b):
        # DGL SAGEConv 'gcn': h_v = fc_neigh((sum_{u in N(v)} h_u + h_v) / (deg(v)+1)) + bias
        agg = jax.ops.segment_sum(feat[src], dst, num_segments=N)
        hn = (agg + feat) / denom
        return hn @ W + b

    hh = sage_gcn_layer(h, W1, b1)
    hh = jax.nn.relu(hh)
    hh = sage_gcn_layer(hh, W2, b2)
    # MLPPredictor.apply_edges: score = W([h_src ; h_dst])
    score = jnp.concatenate([hh[src], hh[dst]], axis=1) @ Wm + bm
    return score

if __name__ == "__main__":
    import jax
    _d = setup_inputs()
    print(jax.jit(kernel)(*tuple(_d.values())))

</pallas_src>

<mosaic_0001>
#map = affine_map<(d0, d1) -> (0)>
module attributes {stable_mosaic.version = 14 : i64} {
  func.func @body(%arg0: i32, %arg1: i32, %arg2: memref<10240xf32, #tpu.memory_space<hbm>>, %arg3: memref<10240xf32, #tpu.memory_space<hbm>>, %arg4: memref<327680xi32, #tpu.memory_space<hbm>>, %arg5: memref<327680xi32, #tpu.memory_space<hbm>>, %arg6: memref<327680xf32, #tpu.memory_space<hbm>>, %arg7: memref<10240xf32, #tpu.memory_space<vmem>>, %arg8: memref<10240xf32, #tpu.memory_space<vmem>>, %arg9: memref<2x2048xi32, #tpu.memory_space<vmem>>, %arg10: memref<2048xf32, #tpu.memory_space<vmem>>) attributes {dimension_semantics = [#tpu.dimension_semantics<core_parallel>, #tpu.dimension_semantics<subcore_parallel>], iteration_bounds = array<i64: 2, 16>, scalar_prefetch = 0 : i64, scratch_operands = 4 : i64, tpu.core_type = #tpu.core_type<sc_vector_subcore>, window_params = [{transform_indices = #map}, {transform_indices = #map}, {transform_indices = #map}, {transform_indices = #map}, {transform_indices = #map}]} {
    %mul3A = arith.constant 16 : i32
    %mul3A_0 = arith.muli %arg0, %mul3A : i32
    %add3A = arith.addi %mul3A_0, %arg1 : i32
    "tpu.region"() ({
      %run_scoped3A = tpu.sem_alloc : memref<!tpu.dma_semaphore, #tpu.memory_space<semaphore_mem>>
      tpu.enqueue_dma source(%arg2 : memref<10240xf32, #tpu.memory_space<hbm>>) target(%arg7 : memref<10240xf32, #tpu.memory_space<vmem>>) target_semaphore(%run_scoped3A : memref<!tpu.dma_semaphore, #tpu.memory_space<semaphore_mem>>)
      tpu.wait_dma2 semaphore(%run_scoped3A : memref<!tpu.dma_semaphore, #tpu.memory_space<semaphore_mem>>) src(%arg2 : memref<10240xf32, #tpu.memory_space<hbm>>) dst(%arg7 : memref<10240xf32, #tpu.memory_space<vmem>>)
      tpu.yield
    }) : () -> ()
    "tpu.region"() ({
      %run_scoped3A = tpu.sem_alloc : memref<!tpu.dma_semaphore, #tpu.memory_space<semaphore_mem>>
      tpu.enqueue_dma source(%arg3 : memref<10240xf32, #tpu.memory_space<hbm>>) target(%arg8 : memref<10240xf32, #tpu.memory_space<vmem>>) target_semaphore(%run_scoped3A : memref<!tpu.dma_semaphore, #tpu.memory_space<semaphore_mem>>)
      tpu.wait_dma2 semaphore(%run_scoped3A : memref<!tpu.dma_semaphore, #tpu.memory_space<semaphore_mem>>) src(%arg3 : memref<10240xf32, #tpu.memory_space<hbm>>) dst(%arg8 : memref<10240xf32, #tpu.memory_space<vmem>>)
      tpu.yield
    }) : () -> ()
    %mul3A_1 = arith.constant 5 : i32
    %mul3A_2 = arith.muli %add3A, %mul3A_1 : i32
    %add3A_3 = arith.constant 5 : i32
    %add3A_4 = arith.addi %mul3A_2, %add3A_3 : i32
    %while3A = arith.constant 0 : i32
    %while3A_5 = arith.subi %add3A_4, %mul3A_2 : i32
    %while3A_6 = arith.addi %mul3A_2, %while3A_5 : i32
    %while3A_7 = arith.constant 1 : i32
    %while3A_8 = arith.divsi %while3A_5, %while3A_7 : i32
    %while3A_9 = arith.muli %while3A_8, %while3A_7 : i32
    %while3A_10 = arith.addi %mul3A_2, %while3A_9 : i32
    %while3A_11 = arith.constant 1 : i32
    scf.for %while3A_13 = %mul3A_2 to %while3A_10 step %while3A_11  : i32 {
      %mul3A_14 = arith.constant 2048 : i32
      %mul3A_15 = arith.muli %while3A_13, %mul3A_14 : i32
      %run_scoped3A = arith.constant 0 : i32
      "tpu.region"() ({
        %run_scoped3A_26 = tpu.sem_alloc : memref<!tpu.dma_semaphore, #tpu.memory_space<semaphore_mem>>
        %dma_start3A = arith.constant 0 : i32
        %dma_start3A_27 = tpu.memref_slice %arg9[%run_scoped3A, %dma_start3A] : memref<2x2048xi32, #tpu.memory_space<vmem>> -> memref<1x2048xi32, #tpu.memory_space<vmem>>
        %dma_start3A_28 = tpu.memref_squeeze %dma_start3A_27 : memref<1x2048xi32, #tpu.memory_space<vmem>> -> memref<2048xi32, #tpu.memory_space<vmem>>
        %dma_start3A_29 = tpu.memref_slice %arg4[%mul3A_15] : memref<327680xi32, #tpu.memory_space<hbm>> -> memref<2048xi32, #tpu.memory_space<hbm>>
        %dma_start3A_30 = arith.constant 0 : i32
        %dma_start3A_31 = tpu.memref_slice %arg9[%run_scoped3A, %dma_start3A_30] : memref<2x2048xi32, #tpu.memory_space<vmem>> -> memref<1x2048xi32, #tpu.memory_space<vmem>>
        %dma_start3A_32 = tpu.memref_squeeze %dma_start3A_31 : memref<1x2048xi32, #tpu.memory_space<vmem>> -> memref<2048xi32, #tpu.memory_space<vmem>>
        %dma_start3A_33 = tpu.memref_slice %arg4[%mul3A_15] : memref<327680xi32, #tpu.memory_space<hbm>> -> memref<2048xi32, #tpu.memory_space<hbm>>
        tpu.enqueue_dma source(%dma_start3A_33 : memref<2048xi32, #tpu.memory_space<hbm>>) target(%dma_start3A_32 : memref<2048xi32, #tpu.memory_space<vmem>>) target_semaphore(%run_scoped3A_26 : memref<!tpu.dma_semaphore, #tpu.memory_space<semaphore_mem>>)
        %dma_wait3A = arith.constant 0 : i32
        %dma_wait3A_34 = tpu.memref_slice %arg9[%run_scoped3A, %dma_wait3A] : memref<2x2048xi32, #tpu.memory_space<vmem>> -> memref<1x2048xi32, #tpu.memory_space<vmem>>
        %dma_wait3A_35 = tpu.memref_squeeze %dma_wait3A_34 : memref<1x2048xi32, #tpu.memory_space<vmem>> -> memref<2048xi32, #tpu.memory_space<vmem>>
        %dma_wait3A_36 = tpu.memref_slice %arg4[%mul3A_15] : memref<327680xi32, #tpu.memory_space<hbm>> -> memref<2048xi32, #tpu.memory_space<hbm>>
        %dma_wait3A_37 = arith.constant 0 : i32
        %dma_wait3A_38 = tpu.memref_slice %arg9[%run_scoped3A, %dma_wait3A_37] : memref<2x2048xi32, #tpu.memory_space<vmem>> -> memref<1x2048xi32, #tpu.memory_space<vmem>>
        %dma_wait3A_39 = tpu.memref_squeeze %dma_wait3A_38 : memref<1x2048xi32, #tpu.memory_space<vmem>> -> memref<2048xi32, #tpu.memory_space<vmem>>
        %dma_wait3A_40 = tpu.memref_slice %arg4[%mul3A_15] : memref<327680xi32, #tpu.memory_space<hbm>> -> memref<2048xi32, #tpu.memory_space<hbm>>
        tpu.wait_dma2 semaphore(%run_scoped3A_26 : memref<!tpu.dma_semaphore, #tpu.memory_space<semaphore_mem>>) src(%dma_wait3A_40 : memref<2048xi32, #tpu.memory_space<hbm>>) dst(%dma_wait3A_39 : memref<2048xi32, #tpu.memory_space<vmem>>)
        tpu.yield
      }) : () -> ()
      %mul3A_16 = arith.constant 2048 : i32
      %mul3A_17 = arith.muli %while3A_13, %mul3A_16 : i32
      %run_scoped3A_18 = arith.constant 1 : i32
      "tpu.region"() ({
        %run_scoped3A_26 = tpu.sem_alloc : memref<!tpu.dma_semaphore, #tpu.memory_space<semaphore_mem>>
        %dma_start3A = arith.constant 0 : i32
        %dma_start3A_27 = tpu.memref_slice %arg9[%run_scoped3A_18, %dma_start3A] : memref<2x2048xi32, #tpu.memory_space<vmem>> -> memref<1x2048xi32, #tpu.memory_space<vmem>>
        %dma_start3A_28 = tpu.memref_squeeze %dma_start3A_27 : memref<1x2048xi32, #tpu.memory_space<vmem>> -> memref<2048xi32, #tpu.memory_space<vmem>>
        %dma_start3A_29 = tpu.memref_slice %arg5[%mul3A_17] : memref<327680xi32, #tpu.memory_space<hbm>> -> memref<2048xi32, #tpu.memory_space<hbm>>
        %dma_start3A_30 = arith.constant 0 : i32
        %dma_start3A_31 = tpu.memref_slice %arg9[%run_scoped3A_18, %dma_start3A_30] : memref<2x2048xi32, #tpu.memory_space<vmem>> -> memref<1x2048xi32, #tpu.memory_space<vmem>>
        %dma_start3A_32 = tpu.memref_squeeze %dma_start3A_31 : memref<1x2048xi32, #tpu.memory_space<vmem>> -> memref<2048xi32, #tpu.memory_space<vmem>>
        %dma_start3A_33 = tpu.memref_slice %arg5[%mul3A_17] : memref<327680xi32, #tpu.memory_space<hbm>> -> memref<2048xi32, #tpu.memory_space<hbm>>
        tpu.enqueue_dma source(%dma_start3A_33 : memref<2048xi32, #tpu.memory_space<hbm>>) target(%dma_start3A_32 : memref<2048xi32, #tpu.memory_space<vmem>>) target_semaphore(%run_scoped3A_26 : memref<!tpu.dma_semaphore, #tpu.memory_space<semaphore_mem>>)
        %dma_wait3A = arith.constant 0 : i32
        %dma_wait3A_34 = tpu.memref_slice %arg9[%run_scoped3A_18, %dma_wait3A] : memref<2x2048xi32, #tpu.memory_space<vmem>> -> memref<1x2048xi32, #tpu.memory_space<vmem>>
        %dma_wait3A_35 = tpu.memref_squeeze %dma_wait3A_34 : memref<1x2048xi32, #tpu.memory_space<vmem>> -> memref<2048xi32, #tpu.memory_space<vmem>>
        %dma_wait3A_36 = tpu.memref_slice %arg5[%mul3A_17] : memref<327680xi32, #tpu.memory_space<hbm>> -> memref<2048xi32, #tpu.memory_space<hbm>>
        %dma_wait3A_37 = arith.constant 0 : i32
        %dma_wait3A_38 = tpu.memref_slice %arg9[%run_scoped3A_18, %dma_wait3A_37] : memref<2x2048xi32, #tpu.memory_space<vmem>> -> memref<1x2048xi32, #tpu.memory_space<vmem>>
        %dma_wait3A_39 = tpu.memref_squeeze %dma_wait3A_38 : memref<1x2048xi32, #tpu.memory_space<vmem>> -> memref<2048xi32, #tpu.memory_space<vmem>>
        %dma_wait3A_40 = tpu.memref_slice %arg5[%mul3A_17] : memref<327680xi32, #tpu.memory_space<hbm>> -> memref<2048xi32, #tpu.memory_space<hbm>>
        tpu.wait_dma2 semaphore(%run_scoped3A_26 : memref<!tpu.dma_semaphore, #tpu.memory_space<semaphore_mem>>) src(%dma_wait3A_40 : memref<2048xi32, #tpu.memory_space<hbm>>) dst(%dma_wait3A_39 : memref<2048xi32, #tpu.memory_space<vmem>>)
        tpu.yield
      }) : () -> ()
      %scan3A = arith.constant 0 : i32
      %scan3A_19 = arith.constant 0 : i32
      %scan3A_20 = arith.constant 128 : i32
      %scan3A_21 = arith.addi %scan3A_19, %scan3A_20 : i32
      %scan3A_22 = arith.constant 1 : i32
      scf.for %scan3A_26 = %scan3A_19 to %scan3A_21 step %scan3A_22  : i32 {
        %mul3A_27 = arith.constant 16 : i32
        %mul3A_28 = arith.muli %scan3A_26, %mul3A_27 : i32
        %get3A = arith.constant 0 : i32
        %get3A_29 = arith.index_cast %get3A : i32 to index
        %get3A_30 = arith.index_cast %mul3A_28 : i32 to index
        %get3A_31 = tpu.vector_load %arg9[%get3A_29, %get3A_30] {strides = array<i32>} : memref<2x2048xi32, #tpu.memory_space<vmem>>, vector<16xi32>,
        %mul3A_32 = arith.constant 16 : i32
        %mul3A_33 = arith.muli %scan3A_26, %mul3A_32 : i32
        %get3A_34 = arith.constant 1 : i32
        %get3A_35 = arith.index_cast %get3A_34 : i32 to index
        %get3A_36 = arith.index_cast %mul3A_33 : i32 to index
        %get3A_37 = tpu.vector_load %arg9[%get3A_35, %get3A_36] {strides = array<i32>} : memref<2x2048xi32, #tpu.memory_space<vmem>>, vector<16xi32>,
        %gather3A = tpu.vector_load_idx %arg7[%get3A_31] : memref<10240xf32, #tpu.memory_space<vmem>>[vector<16xi32>], vector<16xf32>,
        %gather3A_38 = tpu.vector_load_idx %arg8[%get3A_37] : memref<10240xf32, #tpu.memory_space<vmem>>[vector<16xi32>], vector<16xf32>,
        %add3A_39 = arith.addf %gather3A, %gather3A_38 : vector<16xf32>
        %mul3A_40 = arith.constant 16 : i32
        %mul3A_41 = arith.muli %scan3A_26, %mul3A_40 : i32
        %swap3A = arith.index_cast %mul3A_41 : i32 to index
        %swap3A_42 = tpu.vector_load %arg10[%swap3A] {strides = array<i32>} : memref<2048xf32, #tpu.memory_space<vmem>>, vector<16xf32>,
        tpu.vector_store %arg10[%swap3A], %add3A_39 {strides = array<i32>} : memref<2048xf32, #tpu.memory_space<vmem>>, vector<16xf32>,
      }
      %scan3A_23 = arith.constant 128 : i32
      %mul3A_24 = arith.constant 2048 : i32
      %mul3A_25 = arith.muli %while3A_13, %mul3A_24 : i32
      "tpu.region"() ({
        %run_scoped3A_26 = tpu.sem_alloc : memref<!tpu.dma_semaphore, #tpu.memory_space<semaphore_mem>>
        %dma_start3A = tpu.memref_slice %arg6[%mul3A_25] : memref<327680xf32, #tpu.memory_space<hbm>> -> memref<2048xf32, #tpu.memory_space<hbm>>
        %dma_start3A_27 = tpu.memref_slice %arg6[%mul3A_25] : memref<327680xf32, #tpu.memory_space<hbm>> -> memref<2048xf32, #tpu.memory_space<hbm>>
        tpu.enqueue_dma source(%arg10 : memref<2048xf32, #tpu.memory_space<vmem>>) target(%dma_start3A_27 : memref<2048xf32, #tpu.memory_space<hbm>>) target_semaphore(%run_scoped3A_26 : memref<!tpu.dma_semaphore, #tpu.memory_space<semaphore_mem>>)
        %dma_wait3A = tpu.memref_slice %arg6[%mul3A_25] : memref<327680xf32, #tpu.memory_space<hbm>> -> memref<2048xf32, #tpu.memory_space<hbm>>
        %dma_wait3A_28 = tpu.memref_slice %arg6[%mul3A_25] : memref<327680xf32, #tpu.memory_space<hbm>> -> memref<2048xf32, #tpu.memory_space<hbm>>
        tpu.wait_dma2 semaphore(%run_scoped3A_26 : memref<!tpu.dma_semaphore, #tpu.memory_space<semaphore_mem>>) src(%arg10 : memref<2048xf32, #tpu.memory_space<vmem>>) dst(%dma_wait3A_28 : memref<2048xf32, #tpu.memory_space<hbm>>)
        tpu.yield
      }) : () -> ()
    }
    %while3A_12 = arith.constant 1 : i32
    scf.for %while3A_13 = %while3A_10 to %while3A_6 step %while3A_12  : i32 {
      %mul3A_14 = arith.constant 2048 : i32
      %mul3A_15 = arith.muli %while3A_13, %mul3A_14 : i32
      %run_scoped3A = arith.constant 0 : i32
      "tpu.region"() ({
        %run_scoped3A_26 = tpu.sem_alloc : memref<!tpu.dma_semaphore, #tpu.memory_space<semaphore_mem>>
        %dma_start3A = arith.constant 0 : i32
        %dma_start3A_27 = tpu.memref_slice %arg9[%run_scoped3A, %dma_start3A] : memref<2x2048xi32, #tpu.memory_space<vmem>> -> memref<1x2048xi32, #tpu.memory_space<vmem>>
        %dma_start3A_28 = tpu.memref_squeeze %dma_start3A_27 : memref<1x2048xi32, #tpu.memory_space<vmem>> -> memref<2048xi32, #tpu.memory_space<vmem>>
        %dma_start3A_29 = tpu.memref_slice %arg4[%mul3A_15] : memref<327680xi32, #tpu.memory_space<hbm>> -> memref<2048xi32, #tpu.memory_space<hbm>>
        %dma_start3A_30 = arith.constant 0 : i32
        %dma_start3A_31 = tpu.memref_slice %arg9[%run_scoped3A, %dma_start3A_30] : memref<2x2048xi32, #tpu.memory_space<vmem>> -> memref<1x2048xi32, #tpu.memory_space<vmem>>
        %dma_start3A_32 = tpu.memref_squeeze %dma_start3A_31 : memref<1x2048xi32, #tpu.memory_space<vmem>> -> memref<2048xi32, #tpu.memory_space<vmem>>
        %dma_start3A_33 = tpu.memref_slice %arg4[%mul3A_15] : memref<327680xi32, #tpu.memory_space<hbm>> -> memref<2048xi32, #tpu.memory_space<hbm>>
        tpu.enqueue_dma source(%dma_start3A_33 : memref<2048xi32, #tpu.memory_space<hbm>>) target(%dma_start3A_32 : memref<2048xi32, #tpu.memory_space<vmem>>) target_semaphore(%run_scoped3A_26 : memref<!tpu.dma_semaphore, #tpu.memory_space<semaphore_mem>>)
        %dma_wait3A = arith.constant 0 : i32
        %dma_wait3A_34 = tpu.memref_slice %arg9[%run_scoped3A, %dma_wait3A] : memref<2x2048xi32, #tpu.memory_space<vmem>> -> memref<1x2048xi32, #tpu.memory_space<vmem>>
        %dma_wait3A_35 = tpu.memref_squeeze %dma_wait3A_34 : memref<1x2048xi32, #tpu.memory_space<vmem>> -> memref<2048xi32, #tpu.memory_space<vmem>>
        %dma_wait3A_36 = tpu.memref_slice %arg4[%mul3A_15] : memref<327680xi32, #tpu.memory_space<hbm>> -> memref<2048xi32, #tpu.memory_space<hbm>>
        %dma_wait3A_37 = arith.constant 0 : i32
        %dma_wait3A_38 = tpu.memref_slice %arg9[%run_scoped3A, %dma_wait3A_37] : memref<2x2048xi32, #tpu.memory_space<vmem>> -> memref<1x2048xi32, #tpu.memory_space<vmem>>
        %dma_wait3A_39 = tpu.memref_squeeze %dma_wait3A_38 : memref<1x2048xi32, #tpu.memory_space<vmem>> -> memref<2048xi32, #tpu.memory_space<vmem>>
        %dma_wait3A_40 = tpu.memref_slice %arg4[%mul3A_15] : memref<327680xi32, #tpu.memory_space<hbm>> -> memref<2048xi32, #tpu.memory_space<hbm>>
        tpu.wait_dma2 semaphore(%run_scoped3A_26 : memref<!tpu.dma_semaphore, #tpu.memory_space<semaphore_mem>>) src(%dma_wait3A_40 : memref<2048xi32, #tpu.memory_space<hbm>>) dst(%dma_wait3A_39 : memref<2048xi32, #tpu.memory_space<vmem>>)
        tpu.yield
      }) : () -> ()
      %mul3A_16 = arith.constant 2048 : i32
      %mul3A_17 = arith.muli %while3A_13, %mul3A_16 : i32
      %run_scoped3A_18 = arith.constant 1 : i32
      "tpu.region"() ({
        %run_scoped3A_26 = tpu.sem_alloc : memref<!tpu.dma_semaphore, #tpu.memory_space<semaphore_mem>>
        %dma_start3A = arith.constant 0 : i32
        %dma_start3A_27 = tpu.memref_slice %arg9[%run_scoped3A_18, %dma_start3A] : memref<2x2048xi32, #tpu.memory_space<vmem>> -> memref<1x2048xi32, #tpu.memory_space<vmem>>
        %dma_start3A_28 = tpu.memref_squeeze %dma_start3A_27 : memref<1x2048xi32, #tpu.memory_space<vmem>> -> memref<2048xi32, #tpu.memory_space<vmem>>
        %dma_start3A_29 = tpu.memref_slice %arg5[%mul3A_17] : memref<327680xi32, #tpu.memory_space<hbm>> -> memref<2048xi32, #tpu.memory_space<hbm>>
        %dma_start3A_30 = arith.constant 0 : i32
        %dma_start3A_31 = tpu.memref_slice %arg9[%run_scoped3A_18, %dma_start3A_30] : memref<2x2048xi32, #tpu.memory_space<vmem>> -> memref<1x2048xi32, #tpu.memory_space<vmem>>
        %dma_start3A_32 = tpu.memref_squeeze %dma_start3A_31 : memref<1x2048xi32, #tpu.memory_space<vmem>> -> memref<2048xi32, #tpu.memory_space<vmem>>
        %dma_start3A_33 = tpu.memref_slice %arg5[%mul3A_17] : memref<327680xi32, #tpu.memory_space<hbm>> -> memref<2048xi32, #tpu.memory_space<hbm>>
        tpu.enqueue_dma source(%dma_start3A_33 : memref<2048xi32, #tpu.memory_space<hbm>>) target(%dma_start3A_32 : memref<2048xi32, #tpu.memory_space<vmem>>) target_semaphore(%run_scoped3A_26 : memref<!tpu.dma_semaphore, #tpu.memory_space<semaphore_mem>>)
        %dma_wait3A = arith.constant 0 : i32
        %dma_wait3A_34 = tpu.memref_slice %arg9[%run_scoped3A_18, %dma_wait3A] : memref<2x2048xi32, #tpu.memory_space<vmem>> -> memref<1x2048xi32, #tpu.memory_space<vmem>>
        %dma_wait3A_35 = tpu.memref_squeeze %dma_wait3A_34 : memref<1x2048xi32, #tpu.memory_space<vmem>> -> memref<2048xi32, #tpu.memory_space<vmem>>
        %dma_wait3A_36 = tpu.memref_slice %arg5[%mul3A_17] : memref<327680xi32, #tpu.memory_space<hbm>> -> memref<2048xi32, #tpu.memory_space<hbm>>
        %dma_wait3A_37 = arith.constant 0 : i32
        %dma_wait3A_38 = tpu.memref_slice %arg9[%run_scoped3A_18, %dma_wait3A_37] : memref<2x2048xi32, #tpu.memory_space<vmem>> -> memref<1x2048xi32, #tpu.memory_space<vmem>>
        %dma_wait3A_39 = tpu.memref_squeeze %dma_wait3A_38 : memref<1x2048xi32, #tpu.memory_space<vmem>> -> memref<2048xi32, #tpu.memory_space<vmem>>
        %dma_wait3A_40 = tpu.memref_slice %arg5[%mul3A_17] : memref<327680xi32, #tpu.memory_space<hbm>> -> memref<2048xi32, #tpu.memory_space<hbm>>
        tpu.wait_dma2 semaphore(%run_scoped3A_26 : memref<!tpu.dma_semaphore, #tpu.memory_space<semaphore_mem>>) src(%dma_wait3A_40 : memref<2048xi32, #tpu.memory_space<hbm>>) dst(%dma_wait3A_39 : memref<2048xi32, #tpu.memory_space<vmem>>)
        tpu.yield
      }) : () -> ()
      %scan3A = arith.constant 0 : i32
      %scan3A_19 = arith.constant 0 : i32
      %scan3A_20 = arith.constant 128 : i32
      %scan3A_21 = arith.addi %scan3A_19, %scan3A_20 : i32
      %scan3A_22 = arith.constant 1 : i32
      scf.for %scan3A_26 = %scan3A_19 to %scan3A_21 step %scan3A_22  : i32 {
        %mul3A_27 = arith.constant 16 : i32
        %mul3A_28 = arith.muli %scan3A_26, %mul3A_27 : i32
        %get3A = arith.constant 0 : i32
        %get3A_29 = arith.index_cast %get3A : i32 to index
        %get3A_30 = arith.index_cast %mul3A_28 : i32 to index
        %get3A_31 = tpu.vector_load %arg9[%get3A_29, %get3A_30] {strides = array<i32>} : memref<2x2048xi32, #tpu.memory_space<vmem>>, vector<16xi32>,
        %mul3A_32 = arith.constant 16 : i32
        %mul3A_33 = arith.muli %scan3A_26, %mul3A_32 : i32
        %get3A_34 = arith.constant 1 : i32
        %get3A_35 = arith.index_cast %get3A_34 : i32 to index
        %get3A_36 = arith.index_cast %mul3A_33 : i32 to index
        %get3A_37 = tpu.vector_load %arg9[%get3A_35, %get3A_36] {strides = array<i32>} : memref<2x2048xi32, #tpu.memory_space<vmem>>, vector<16xi32>,
        %gather3A = tpu.vector_load_idx %arg7[%get3A_31] : memref<10240xf32, #tpu.memory_space<vmem>>[vector<16xi32>], vector<16xf32>,
        %gather3A_38 = tpu.vector_load_idx %arg8[%get3A_37] : memref<10240xf32, #tpu.memory_space<vmem>>[vector<16xi32>], vector<16xf32>,
        %add3A_39 = arith.addf %gather3A, %gather3A_38 : vector<16xf32>
        %mul3A_40 = arith.constant 16 : i32
        %mul3A_41 = arith.muli %scan3A_26, %mul3A_40 : i32
        %swap3A = arith.index_cast %mul3A_41 : i32 to index
        %swap3A_42 = tpu.vector_load %arg10[%swap3A] {strides = array<i32>} : memref<2048xf32, #tpu.memory_space<vmem>>, vector<16xf32>,
        tpu.vector_store %arg10[%swap3A], %add3A_39 {strides = array<i32>} : memref<2048xf32, #tpu.memory_space<vmem>>, vector<16xf32>,
      }
      %scan3A_23 = arith.constant 128 : i32
      %mul3A_24 = arith.constant 2048 : i32
      %mul3A_25 = arith.muli %while3A_13, %mul3A_24 : i32
      "tpu.region"() ({
        %run_scoped3A_26 = tpu.sem_alloc : memref<!tpu.dma_semaphore, #tpu.memory_space<semaphore_mem>>
        %dma_start3A = tpu.memref_slice %arg6[%mul3A_25] : memref<327680xf32, #tpu.memory_space<hbm>> -> memref<2048xf32, #tpu.memory_space<hbm>>
        %dma_start3A_27 = tpu.memref_slice %arg6[%mul3A_25] : memref<327680xf32, #tpu.memory_space<hbm>> -> memref<2048xf32, #tpu.memory_space<hbm>>
        tpu.enqueue_dma source(%arg10 : memref<2048xf32, #tpu.memory_space<vmem>>) target(%dma_start3A_27 : memref<2048xf32, #tpu.memory_space<hbm>>) target_semaphore(%run_scoped3A_26 : memref<!tpu.dma_semaphore, #tpu.memory_space<semaphore_mem>>)
        %dma_wait3A = tpu.memref_slice %arg6[%mul3A_25] : memref<327680xf32, #tpu.memory_space<hbm>> -> memref<2048xf32, #tpu.memory_space<hbm>>
        %dma_wait3A_28 = tpu.memref_slice %arg6[%mul3A_25] : memref<327680xf32, #tpu.memory_space<hbm>> -> memref<2048xf32, #tpu.memory_space<hbm>>
        tpu.wait_dma2 semaphore(%run_scoped3A_26 : memref<!tpu.dma_semaphore, #tpu.memory_space<semaphore_mem>>) src(%arg10 : memref<2048xf32, #tpu.memory_space<vmem>>) dst(%dma_wait3A_28 : memref<2048xf32, #tpu.memory_space<hbm>>)
        tpu.yield
      }) : () -> ()
    }
    return
  }
}

#map = affine_map<(d0, d1) -> (0, 0)>
#map1 = affine_map<(d0, d1) -> (0)>
#map2 = affine_map<(d0, d1) -> (0, 0, 0)>
module attributes {stable_mosaic.version = 14 : i64} {
  func.func @body(%arg0: i32, %arg1: i32, %arg2: memref<10000x16xf32, #tpu.memory_space<hbm>>, %arg3: memref<327680xi32, #tpu.memory_space<hbm>>, %arg4: memref<327680xi32, #tpu.memory_space<hbm>>, %arg5: memref<640x16xf32, #tpu.memory_space<hbm>>, %arg6: memref<2048x16xf32, #tpu.memory_space<hbm>>, %arg7: memref<2x10240x16xf32, #tpu.memory_space<hbm>>, %arg8: memref<2x10240x16xf32, #tpu.memory_space<hbm>>, %arg9: memref<2x2x2048xi32, #tpu.memory_space<vmem>>, %arg10: memref<2x2048x16xf32, #tpu.memory_space<vmem>>, %arg11: memref<10240x16xf32, #tpu.memory_space<vmem_shared>>, %arg12: memref<!tpu.dma_semaphore, #tpu.memory_space<semaphore_mem>>, %arg13: memref<!tpu.dma_semaphore, #tpu.memory_space<semaphore_mem>>, %arg14: memref<2048x16xf32, #tpu.memory_space<vmem>>, %arg15: memref<10240x16xf32, #tpu.memory_space<vmem_shared>>) attributes {dimension_semantics = [#tpu.dimension_semantics<core_parallel>, #tpu.dimension_semantics<subcore_parallel>], iteration_bounds = array<i64: 2, 16>, scalar_prefetch = 0 : i64, scratch_operands = 7 : i64, tpu.core_type = #tpu.core_type<sc_vector_subcore>, window_params = [{transform_indices = #map}, {transform_indices = #map1}, {transform_indices = #map1}, {transform_indices = #map}, {transform_indices = #map}, {transform_indices = #map2}, {transform_indices = #map2}]} {
    %mul3A = arith.constant 16 : i32
    %mul3A_0 = arith.muli %arg0, %mul3A : i32
    %add3A = arith.addi %mul3A_0, %arg1 : i32
    %mul3A_1 = arith.constant 640 : i32
    %mul3A_2 = arith.muli %arg1, %mul3A_1 : i32
    %lt3A = arith.constant 16 : i32
    %lt3A_3 = arith.cmpi slt, %arg1, %lt3A : i32
    %convert_element_type3A = arith.extui %lt3A_3 : i1 to i32
    %cond3A = arith.constant 0 : i32
    %cond3A_4 = arith.cmpi ne, %convert_element_type3A, %cond3A : i32
    scf.if %cond3A_4 {
      "tpu.region"() ({
        %run_scoped3A_465 = tpu.sem_alloc : memref<!tpu.dma_semaphore, #tpu.memory_space<semaphore_mem>>
        %dma_start3A_466 = arith.constant 0 : i32
        %dma_start3A_467 = tpu.memref_slice %arg11[%mul3A_2, %dma_start3A_466] : memref<10240x16xf32, #tpu.memory_space<vmem_shared>> -> memref<640x16xf32, #tpu.memory_space<vmem_shared>>
        tpu.enqueue_dma source(%arg5 : memref<640x16xf32, #tpu.memory_space<hbm>>) target(%dma_start3A_467 : memref<640x16xf32, #tpu.memory_space<vmem_shared>>) target_semaphore(%run_scoped3A_465 : memref<!tpu.dma_semaphore, #tpu.memory_space<semaphore_mem>>)
        %dma_wait3A_468 = arith.constant 0 : i32
        %dma_wait3A_469 = tpu.memref_slice %arg11[%mul3A_2, %dma_wait3A_468] : memref<10240x16xf32, #tpu.memory_space<vmem_shared>> -> memref<640x16xf32, #tpu.memory_space<vmem_shared>>
        tpu.wait_dma2 semaphore(%run_scoped3A_465 : memref<!tpu.dma_semaphore, #tpu.memory_space<semaphore_mem>>) src(%arg5 : memref<640x16xf32, #tpu.memory_space<hbm>>) dst(%dma_wait3A_469 : memref<640x16xf32, #tpu.memory_space<vmem_shared>>)
        tpu.yield
      }) : () -> ()
      "tpu.region"() ({
        %run_scoped3A_465 = tpu.sem_alloc : memref<!tpu.dma_semaphore, #tpu.memory_space<semaphore_mem>>
        %dma_start3A_466 = arith.constant 0 : i32
        %dma_start3A_467 = tpu.memref_slice %arg15[%mul3A_2, %dma_start3A_466] : memref<10240x16xf32, #tpu.memory_space<vmem_shared>> -> memref<640x16xf32, #tpu.memory_space<vmem_shared>>
        tpu.enqueue_dma source(%arg5 : memref<640x16xf32, #tpu.memory_space<hbm>>) target(%dma_start3A_467 : memref<640x16xf32, #tpu.memory_space<vmem_shared>>) target_semaphore(%run_scoped3A_465 : memref<!tpu.dma_semaphore, #tpu.memory_space<semaphore_mem>>)
        %dma_wait3A_468 = arith.constant 0 : i32
        %dma_wait3A_469 = tpu.memref_slice %arg15[%mul3A_2, %dma_wait3A_468] : memref<10240x16xf32, #tpu.memory_space<vmem_shared>> -> memref<640x16xf32, #tpu.memory_space<vmem_shared>>
        tpu.wait_dma2 semaphore(%run_scoped3A_465 : memref<!tpu.dma_semaphore, #tpu.memory_space<semaphore_mem>>) src(%arg5 : memref<640x16xf32, #tpu.memory_space<hbm>>) dst(%dma_wait3A_469 : memref<640x16xf32, #tpu.memory_space<vmem_shared>>)
        tpu.yield
      }) : () -> ()
    } else {
    }
    "tpu.region"() ({
      %run_scoped3A_465 = tpu.sem_alloc : memref<!tpu.dma_semaphore, #tpu.memory_space<semaphore_mem>>
      tpu.enqueue_dma source(%arg6 : memref<2048x16xf32, #tpu.memory_space<hbm>>) target(%arg14 : memref<2048x16xf32, #tpu.memory_space<vmem>>) target_semaphore(%run_scoped3A_465 : memref<!tpu.dma_semaphore, #tpu.memory_space<semaphore_mem>>)
      tpu.wait_dma2 semaphore(%run_scoped3A_465 : memref<!tpu.dma_semaphore, #tpu.memory_space<semaphore_mem>>) src(%arg6 : memref<2048x16xf32, #tpu.memory_space<hbm>>) dst(%arg14 : memref<2048x16xf32, #tpu.memory_space<vmem>>)
      tpu.yield
    }) : () -> ()
    %barrier3A = arith.constant 0 : index
    tpu.barrier barrier_id(%barrier3A)
    %mul3A_5 = arith.constant 5 : i32
    %mul3A_6 = arith.muli %add3A, %mul3A_5 : i32
    %add3A_7 = arith.constant 0 : i32
    %add3A_8 = arith.addi %mul3A_6, %add3A_7 : i32
    %mul3A_9 = arith.constant 2048 : i32
    %mul3A_10 = arith.muli %add3A_8, %mul3A_9 : i32
    %run_scoped3A = arith.constant 0 : i32
    %run_scoped3A_11 = arith.constant 0 : i32
    "tpu.region"() ({
      %run_scoped3A_465 = tpu.sem_alloc : memref<!tpu.dma_semaphore, #tpu.memory_space<semaphore_mem>>
      %dma_start3A_466 = arith.constant 0 : i32
      %dma_start3A_467 = tpu.memref_slice %arg9[%run_scoped3A, %run_scoped3A_11, %dma_start3A_466] : memref<2x2x2048xi32, #tpu.memory_space<vmem>> -> memref<1x1x2048xi32, #tpu.memory_space<vmem>>
      %dma_start3A_468 = tpu.memref_squeeze %dma_start3A_467 : memref<1x1x2048xi32, #tpu.memory_space<vmem>> -> memref<2048xi32, #tpu.memory_space<vmem>>
      %dma_start3A_469 = tpu.memref_slice %arg3[%mul3A_10] : memref<327680xi32, #tpu.memory_space<hbm>> -> memref<2048xi32, #tpu.memory_space<hbm>>
      %dma_start3A_470 = arith.constant 0 : i32
      %dma_start3A_471 = tpu.memref_slice %arg9[%run_scoped3A, %run_scoped3A_11, %dma_start3A_470] : memref<2x2x2048xi32, #tpu.memory_space<vmem>> -> memref<1x1x2048xi32, #tpu.memory_space<vmem>>
      %dma_start3A_472 = tpu.memref_squeeze %dma_start3A_471 : memref<1x1x2048xi32, #tpu.memory_space<vmem>> -> memref<2048xi32, #tpu.memory_space<vmem>>
      %dma_start3A_473 = tpu.memref_slice %arg3[%mul3A_10] : memref<327680xi32, #tpu.memory_space<hbm>> -> memref<2048xi32, #tpu.memory_space<hbm>>
      tpu.enqueue_dma source(%dma_start3A_473 : memref<2048xi32, #tpu.memory_space<hbm>>) target(%dma_start3A_472 : memref<2048xi32, #tpu.memory_space<vmem>>) target_semaphore(%run_scoped3A_465 : memref<!tpu.dma_semaphore, #tpu.memory_space<semaphore_mem>>)
      %dma_wait3A_474 = arith.constant 0 : i32
      %dma_wait3A_475 = tpu.memref_slice %arg9[%run_scoped3A, %run_scoped3A_11, %dma_wait3A_474] : memref<2x2x2048xi32, #tpu.memory_space<vmem>> -> memref<1x1x2048xi32, #tpu.memory_space<vmem>>
      %dma_wait3A_476 = tpu.memref_squeeze %dma_wait3A_475 : memref<1x1x2048xi32, #tpu.memory_space<vmem>> -> memref<2048xi32, #tpu.memory_space<vmem>>
      %dma_wait3A_477 = tpu.memref_slice %arg3[%mul3A_10] : memref<327680xi32, #tpu.memory_space<hbm>> -> memref<2048xi32, #tpu.memory_space<hbm>>
      %dma_wait3A_478 = arith.constant 0 : i32
      %dma_wait3A_479 = tpu.memref_slice %arg9[%run_scoped3A, %run_scoped3A_11, %dma_wait3A_478] : memref<2x2x2048xi32, #tpu.memory_space<vmem>> -> memref<1x1x2048xi32, #tpu.memory_space<vmem>>
      %dma_wait3A_480 = tpu.memref_squeeze %dma_wait3A_479 : memref<1x1x2048xi32, #tpu.memory_space<vmem>> -> memref<2048xi32, #tpu.memory_space<vmem>>
      %dma_wait3A_481 = tpu.memref_slice %arg3[%mul3A_10] : memref<327680xi32, #tpu.memory_space<hbm>> -> memref<2048xi32, #tpu.memory_space<hbm>>
      tpu.wait_dma2 semaphore(%run_scoped3A_465 : memref<!tpu.dma_semaphore, #tpu.memory_space<semaphore_mem>>) src(%dma_wait3A_481 : memref<2048xi32, #tpu.memory_space<hbm>>) dst(%dma_wait3A_480 : memref<2048xi32, #tpu.memory_space<vmem>>)
      tpu.yield
    }) : () -> ()
    %add3A_12 = arith.constant 0 : i32
    %add3A_13 = arith.addi %mul3A_6, %add3A_12 : i32
    %mul3A_14 = arith.constant 2048 : i32
    %mul3A_15 = arith.muli %add3A_13, %mul3A_14 : i32
    %run_scoped3A_16 = arith.constant 0 : i32
    %run_scoped3A_17 = arith.constant 1 : i32
    "tpu.region"() ({
      %run_scoped3A_465 = tpu.sem_alloc : memref<!tpu.dma_semaphore, #tpu.memory_space<semaphore_mem>>
      %dma_start3A_466 = arith.constant 0 : i32
      %dma_start3A_467 = tpu.memref_slice %arg9[%run_scoped3A_16, %run_scoped3A_17, %dma_start3A_466] : memref<2x2x2048xi32, #tpu.memory_space<vmem>> -> memref<1x1x2048xi32, #tpu.memory_space<vmem>>
      %dma_start3A_468 = tpu.memref_squeeze %dma_start3A_467 : memref<1x1x2048xi32, #tpu.memory_space<vmem>> -> memref<2048xi32, #tpu.memory_space<vmem>>
      %dma_start3A_469 = tpu.memref_slice %arg4[%mul3A_15] : memref<327680xi32, #tpu.memory_space<hbm>> -> memref<2048xi32, #tpu.memory_space<hbm>>
      %dma_start3A_470 = arith.constant 0 : i32
      %dma_start3A_471 = tpu.memref_slice %arg9[%run_scoped3A_16, %run_scoped3A_17, %dma_start3A_470] : memref<2x2x2048xi32, #tpu.memory_space<vmem>> -> memref<1x1x2048xi32, #tpu.memory_space<vmem>>
      %dma_start3A_472 = tpu.memref_squeeze %dma_start3A_471 : memref<1x1x2048xi32, #tpu.memory_space<vmem>> -> memref<2048xi32, #tpu.memory_space<vmem>>
      %dma_start3A_473 = tpu.memref_slice %arg4[%mul3A_15] : memref<327680xi32, #tpu.memory_space<hbm>> -> memref<2048xi32, #tpu.memory_space<hbm>>
      tpu.enqueue_dma source(%dma_start3A_473 : memref<2048xi32, #tpu.memory_space<hbm>>) target(%dma_start3A_472 : memref<2048xi32, #tpu.memory_space<vmem>>) target_semaphore(%run_scoped3A_465 : memref<!tpu.dma_semaphore, #tpu.memory_space<semaphore_mem>>)
      %dma_wait3A_474 = arith.constant 0 : i32
      %dma_wait3A_475 = tpu.memref_slice %arg9[%run_scoped3A_16, %run_scoped3A_17, %dma_wait3A_474] : memref<2x2x2048xi32, #tpu.memory_space<vmem>> -> memref<1x1x2048xi32, #tpu.memory_space<vmem>>
      %dma_wait3A_476 = tpu.memref_squeeze %dma_wait3A_475 : memref<1x1x2048xi32, #tpu.memory_space<vmem>> -> memref<2048xi32, #tpu.memory_space<vmem>>
      %dma_wait3A_477 = tpu.memref_slice %arg4[%mul3A_15] : memref<327680xi32, #tpu.memory_space<hbm>> -> memref<2048xi32, #tpu.memory_space<hbm>>
      %dma_wait3A_478 = arith.constant 0 : i32
      %dma_wait3A_479 = tpu.memref_slice %arg9[%run_scoped3A_16, %run_scoped3A_17, %dma_wait3A_478] : memref<2x2x2048xi32, #tpu.memory_space<vmem>> -> memref<1x1x2048xi32, #tpu.memory_space<vmem>>
      %dma_wait3A_480 = tpu.memref_squeeze %dma_wait3A_479 : memref<1x1x2048xi32, #tpu.memory_space<vmem>> -> memref<2048xi32, #tpu.memory_space<vmem>>
      %dma_wait3A_481 = tpu.memref_slice %arg4[%mul3A_15] : memref<327680xi32, #tpu.memory_space<hbm>> -> memref<2048xi32, #tpu.memory_space<hbm>>
      tpu.wait_dma2 semaphore(%run_scoped3A_465 : memref<!tpu.dma_semaphore, #tpu.memory_space<semaphore_mem>>) src(%dma_wait3A_481 : memref<2048xi32, #tpu.memory_space<hbm>>) dst(%dma_wait3A_480 : memref<2048xi32, #tpu.memory_space<vmem>>)
      tpu.yield
    }) : () -> ()
    %dma_start3A = arith.constant 0 : i32
    %dma_start3A_18 = arith.constant 0 : i32
    %dma_start3A_19 = arith.constant 0 : i32
    %dma_start3A_20 = arith.constant 0 : i32
    %dma_start3A_21 = arith.constant 0 : i32
    %dma_start3A_22 = tpu.memref_slice %arg10[%dma_start3A_19, %dma_start3A_20, %dma_start3A_21] : memref<2x2048x16xf32, #tpu.memory_space<vmem>> -> memref<1x2048x16xf32, #tpu.memory_space<vmem>>
    %dma_start3A_23 = tpu.memref_squeeze %dma_start3A_22 : memref<1x2048x16xf32, #tpu.memory_space<vmem>> -> memref<2048x16xf32, #tpu.memory_space<vmem>>
    %dma_start3A_24 = arith.constant 0 : i32
    %dma_start3A_25 = tpu.memref_slice %arg9[%dma_start3A, %dma_start3A_18, %dma_start3A_24] : memref<2x2x2048xi32, #tpu.memory_space<vmem>> -> memref<1x1x2048xi32, #tpu.memory_space<vmem>>
    %dma_start3A_26 = tpu.memref_squeeze %dma_start3A_25 : memref<1x1x2048xi32, #tpu.memory_space<vmem>> -> memref<2048xi32, #tpu.memory_space<vmem>>
    %dma_start3A_27 = arith.constant 0 : i32
    %dma_start3A_28 = arith.constant 0 : i32
    %dma_start3A_29 = tpu.memref_slice %arg2[%dma_start3A_27, %dma_start3A_28] : memref<10000x16xf32, #tpu.memory_space<hbm>> -> memref<10000x16xf32, #tpu.memory_space<hbm>>
    tpu.enqueue_indirect_dma source(%dma_start3A_29 : memref<10000x16xf32, #tpu.memory_space<hbm>>) target(%dma_start3A_23 : memref<2048x16xf32, #tpu.memory_space<vmem>>) offsets(%dma_start3A_26 : memref<2048xi32, #tpu.memory_space<vmem>>) semaphore(%arg12 : memref<!tpu.dma_semaphore, #tpu.memory_space<semaphore_mem>>)
    %dma_wait3A = arith.constant 0 : i32
    %dma_wait3A_30 = arith.constant 0 : i32
    %dma_wait3A_31 = arith.constant 0 : i32
    %dma_wait3A_32 = tpu.memref_slice %arg10[%dma_wait3A, %dma_wait3A_30, %dma_wait3A_31] : memref<2x2048x16xf32, #tpu.memory_space<vmem>> -> memref<1x2048x16xf32, #tpu.memory_space<vmem>>
    %dma_wait3A_33 = tpu.memref_squeeze %dma_wait3A_32 : memref<1x2048x16xf32, #tpu.memory_space<vmem>> -> memref<2048x16xf32, #tpu.memory_space<vmem>>
    %dma_wait3A_34 = arith.constant 0 : i32
    %dma_wait3A_35 = arith.constant 0 : i32
    %dma_wait3A_36 = tpu.memref_slice %arg2[%dma_wait3A_34, %dma_wait3A_35] : memref<10000x16xf32, #tpu.memory_space<hbm>> -> memref<2048x16xf32, #tpu.memory_space<hbm>>
    %dma_wait3A_37 = arith.constant 0 : i32
    %dma_wait3A_38 = arith.constant 0 : i32
    %dma_wait3A_39 = tpu.memref_slice %arg10[%dma_wait3A, %dma_wait3A_37, %dma_wait3A_38] : memref<2x2048x16xf32, #tpu.memory_space<vmem>> -> memref<1x2048x16xf32, #tpu.memory_space<vmem>>
    %dma_wait3A_40 = tpu.memref_squeeze %dma_wait3A_39 : memref<1x2048x16xf32, #tpu.memory_space<vmem>> -> memref<2048x16xf32, #tpu.memory_space<vmem>>
    %dma_wait3A_41 = arith.constant 0 : i32
    %dma_wait3A_42 = arith.constant 0 : i32
    %dma_wait3A_43 = tpu.memref_slice %arg2[%dma_wait3A_41, %dma_wait3A_42] : memref<10000x16xf32, #tpu.memory_space<hbm>> -> memref<2048x16xf32, #tpu.memory_space<hbm>>
    tpu.wait_dma2 semaphore(%arg12 : memref<!tpu.dma_semaphore, #tpu.memory_space<semaphore_mem>>) src(%dma_wait3A_43 : memref<2048x16xf32, #tpu.memory_space<hbm>>) dst(%dma_wait3A_40 : memref<2048x16xf32, #tpu.memory_space<vmem>>)
    %add3A_44 = arith.constant 1 : i32
    %add3A_45 = arith.addi %mul3A_6, %add3A_44 : i32
    %mul3A_46 = arith.constant 2048 : i32
    %mul3A_47 = arith.muli %add3A_45, %mul3A_46 : i32
    %run_scoped3A_48 = arith.constant 1 : i32
    %run_scoped3A_49 = arith.constant 0 : i32
    "tpu.region"() ({
      %run_scoped3A_465 = tpu.sem_alloc : memref<!tpu.dma_semaphore, #tpu.memory_space<semaphore_mem>>
      %dma_start3A_466 = arith.constant 0 : i32
      %dma_start3A_467 = tpu.memref_slice %arg9[%run_scoped3A_48, %run_scoped3A_49, %dma_start3A_466] : memref<2x2x2048xi32, #tpu.memory_space<vmem>> -> memref<1x1x2048xi32, #tpu.memory_space<vmem>>
      %dma_start3A_468 = tpu.memref_squeeze %dma_start3A_467 : memref<1x1x2048xi32, #tpu.memory_space<vmem>> -> memref<2048xi32, #tpu.memory_space<vmem>>
      %dma_start3A_469 = tpu.memref_slice %arg3[%mul3A_47] : memref<327680xi32, #tpu.memory_space<hbm>> -> memref<2048xi32, #tpu.memory_space<hbm>>
      %dma_start3A_470 = arith.constant 0 : i32
      %dma_start3A_471 = tpu.memref_slice %arg9[%run_scoped3A_48, %run_scoped3A_49, %dma_start3A_470] : memref<2x2x2048xi32, #tpu.memory_space<vmem>> -> memref<1x1x2048xi32, #tpu.memory_space<vmem>>
      %dma_start3A_472 = tpu.memref_squeeze %dma_start3A_471 : memref<1x1x2048xi32, #tpu.memory_space<vmem>> -> memref<2048xi32, #tpu.memory_space<vmem>>
      %dma_start3A_473 = tpu.memref_slice %arg3[%mul3A_47] : memref<327680xi32, #tpu.memory_space<hbm>> -> memref<2048xi32, #tpu.memory_space<hbm>>
      tpu.enqueue_dma source(%dma_start3A_473 : memref<2048xi32, #tpu.memory_space<hbm>>) target(%dma_start3A_472 : memref<2048xi32, #tpu.memory_space<vmem>>) target_semaphore(%run_scoped3A_465 : memref<!tpu.dma_semaphore, #tpu.memory_space<semaphore_mem>>)
      %dma_wait3A_474 = arith.constant 0 : i32
      %dma_wait3A_475 = tpu.memref_slice %arg9[%run_scoped3A_48, %run_scoped3A_49, %dma_wait3A_474] : memref<2x2x2048xi32, #tpu.memory_space<vmem>> -> memref<1x1x2048xi32, #tpu.memory_space<vmem>>
      %dma_wait3A_476 = tpu.memref_squeeze %dma_wait3A_475 : memref<1x1x2048xi32, #tpu.memory_space<vmem>> -> memref<2048xi32, #tpu.memory_space<vmem>>
      %dma_wait3A_477 = tpu.memref_slice %arg3[%mul3A_47] : memref<327680xi32, #tpu.memory_space<hbm>> -> memref<2048xi32, #tpu.memory_space<hbm>>
      %dma_wait3A_478 = arith.constant 0 : i32
      %dma_wait3A_479 = tpu.memref_slice %arg9[%run_scoped3A_48, %run_scoped3A_49, %dma_wait3A_478] : memref<2x2x2048xi32, #tpu.memory_space<vmem>> -> memref<1x1x2048xi32, #tpu.memory_space<vmem>>
      %dma_wait3A_480 = tpu.memref_squeeze %dma_wait3A_479 : memref<1x1x2048xi32, #tpu.memory_space<vmem>> -> memref<2048xi32, #tpu.memory_space<vmem>>
      %dma_wait3A_481 = tpu.memref_slice %arg3[%mul3A_47] : memref<327680xi32, #tpu.memory_space<hbm>> -> memref<2048xi32, #tpu.memory_space<hbm>>
      tpu.wait_dma2 semaphore(%run_scoped3A_465 : memref<!tpu.dma_semaphore, #tpu.memory_space<semaphore_mem>>) src(%dma_wait3A_481 : memref<2048xi32, #tpu.memory_space<hbm>>) dst(%dma_wait3A_480 : memref<2048xi32, #tpu.memory_space<vmem>>)
      tpu.yield
    }) : () -> ()
    %add3A_50 = arith.constant 1 : i32
    %add3A_51 = arith.addi %mul3A_6, %add3A_50 : i32
    %mul3A_52 = arith.constant 2048 : i32
    %mul3A_53 = arith.muli %add3A_51, %mul3A_52 : i32
    %run_scoped3A_54 = arith.constant 1 : i32
    %run_scoped3A_55 = arith.constant 1 : i32
    "tpu.region"() ({
      %run_scoped3A_465 = tpu.sem_alloc : memref<!tpu.dma_semaphore, #tpu.memory_space<semaphore_mem>>
      %dma_start3A_466 = arith.constant 0 : i32
      %dma_start3A_467 = tpu.memref_slice %arg9[%run_scoped3A_54, %run_scoped3A_55, %dma_start3A_466] : memref<2x2x2048xi32, #tpu.memory_space<vmem>> -> memref<1x1x2048xi32, #tpu.memory_space<vmem>>
      %dma_start3A_468 = tpu.memref_squeeze %dma_start3A_467 : memref<1x1x2048xi32, #tpu.memory_space<vmem>> -> memref<2048xi32, #tpu.memory_space<vmem>>
      %dma_start3A_469 = tpu.memref_slice %arg4[%mul3A_53] : memref<327680xi32, #tpu.memory_space<hbm>> -> memref<2048xi32, #tpu.memory_space<hbm>>
      %dma_start3A_470 = arith.constant 0 : i32
      %dma_start3A_471 = tpu.memref_slice %arg9[%run_scoped3A_54, %run_scoped3A_55, %dma_start3A_470] : memref<2x2x2048xi32, #tpu.memory_space<vmem>> -> memref<1x1x2048xi32, #tpu.memory_space<vmem>>
      %dma_start3A_472 = tpu.memref_squeeze %dma_start3A_471 : memref<1x1x2048xi32, #tpu.memory_space<vmem>> -> memref<2048xi32, #tpu.memory_space<vmem>>
      %dma_start3A_473 = tpu.memref_slice %arg4[%mul3A_53] : memref<327680xi32, #tpu.memory_space<hbm>> -> memref<2048xi32, #tpu.memory_space<hbm>>
      tpu.enqueue_dma source(%dma_start3A_473 : memref<2048xi32, #tpu.memory_space<hbm>>) target(%dma_start3A_472 : memref<2048xi32, #tpu.memory_space<vmem>>) target_semaphore(%run_scoped3A_465 : memref<!tpu.dma_semaphore, #tpu.memory_space<semaphore_mem>>)
      %dma_wait3A_474 = arith.constant 0 : i32
      %dma_wait3A_475 = tpu.memref_slice %arg9[%run_scoped3A_54, %run_scoped3A_55, %dma_wait3A_474] : memref<2x2x2048xi32, #tpu.memory_space<vmem>> -> memref<1x1x2048xi32, #tpu.memory_space<vmem>>
      %dma_wait3A_476 = tpu.memref_squeeze %dma_wait3A_475 : memref<1x1x2048xi32, #tpu.memory_space<vmem>> -> memref<2048xi32, #tpu.memory_space<vmem>>
      %dma_wait3A_477 = tpu.memref_slice %arg4[%mul3A_53] : memref<327680xi32, #tpu.memory_space<hbm>> -> memref<2048xi32, #tpu.memory_space<hbm>>
      %dma_wait3A_478 = arith.constant 0 : i32
      %dma_wait3A_479 = tpu.memref_slice %arg9[%run_scoped3A_54, %run_scoped3A_55, %dma_wait3A_478] : memref<2x2x2048xi32, #tpu.memory_space<vmem>> -> memref<1x1x2048xi32, #tpu.memory_space<vmem>>
      %dma_wait3A_480 = tpu.memref_squeeze %dma_wait3A_479 : memref<1x1x2048xi32, #tpu.memory_space<vmem>> -> memref<2048xi32, #tpu.memory_space<vmem>>
      %dma_wait3A_481 = tpu.memref_slice %arg4[%mul3A_53] : memref<327680xi32, #tpu.memory_space<hbm>> -> memref<2048xi32, #tpu.memory_space<hbm>>
      tpu.wait_dma2 semaphore(%run_scoped3A_465 : memref<!tpu.dma_semaphore, #tpu.memory_space<semaphore_mem>>) src(%dma_wait3A_481 : memref<2048xi32, #tpu.memory_space<hbm>>) dst(%dma_wait3A_480 : memref<2048xi32, #tpu.memory_space<vmem>>)
      tpu.yield
    }) : () -> ()
    %dma_start3A_56 = arith.constant 1 : i32
    %dma_start3A_57 = arith.constant 0 : i32
    %dma_start3A_58 = arith.constant 1 : i32
    %dma_start3A_59 = arith.constant 0 : i32
    %dma_start3A_60 = arith.constant 0 : i32
    %dma_start3A_61 = tpu.memref_slice %arg10[%dma_start3A_58, %dma_start3A_59, %dma_start3A_60] : memref<2x2048x16xf32, #tpu.memory_space<vmem>> -> memref<1x2048x16xf32, #tpu.memory_space<vmem>>
    %dma_start3A_62 = tpu.memref_squeeze %dma_start3A_61 : memref<1x2048x16xf32, #tpu.memory_space<vmem>> -> memref<2048x16xf32, #tpu.memory_space<vmem>>
    %dma_start3A_63 = arith.constant 0 : i32
    %dma_start3A_64 = tpu.memref_slice %arg9[%dma_start3A_56, %dma_start3A_57, %dma_start3A_63] : memref<2x2x2048xi32, #tpu.memory_space<vmem>> -> memref<1x1x2048xi32, #tpu.memory_space<vmem>>
    %dma_start3A_65 = tpu.memref_squeeze %dma_start3A_64 : memref<1x1x2048xi32, #tpu.memory_space<vmem>> -> memref<2048xi32, #tpu.memory_space<vmem>>
    %dma_start3A_66 = arith.constant 0 : i32
    %dma_start3A_67 = arith.constant 0 : i32
    %dma_start3A_68 = tpu.memref_slice %arg2[%dma_start3A_66, %dma_start3A_67] : memref<10000x16xf32, #tpu.memory_space<hbm>> -> memref<10000x16xf32, #tpu.memory_space<hbm>>
    tpu.enqueue_indirect_dma source(%dma_start3A_68 : memref<10000x16xf32, #tpu.memory_space<hbm>>) target(%dma_start3A_62 : memref<2048x16xf32, #tpu.memory_space<vmem>>) offsets(%dma_start3A_65 : memref<2048xi32, #tpu.memory_space<vmem>>) semaphore(%arg12 : memref<!tpu.dma_semaphore, #tpu.memory_space<semaphore_mem>>)
    %dma_start3A_69 = arith.constant 0 : i32
    %dma_start3A_70 = arith.constant 0 : i32
    %dma_start3A_71 = arith.constant 1 : i32
    %dma_start3A_72 = arith.constant 0 : i32
    %dma_start3A_73 = arith.constant 0 : i32
    %dma_start3A_74 = tpu.memref_slice %arg10[%dma_start3A_69, %dma_start3A_72, %dma_start3A_73] : memref<2x2048x16xf32, #tpu.memory_space<vmem>> -> memref<1x2048x16xf32, #tpu.memory_space<vmem>>
    %dma_start3A_75 = tpu.memref_squeeze %dma_start3A_74 : memref<1x2048x16xf32, #tpu.memory_space<vmem>> -> memref<2048x16xf32, #tpu.memory_space<vmem>>
    %dma_start3A_76 = arith.constant 0 : i32
    %dma_start3A_77 = tpu.memref_slice %arg9[%dma_start3A_70, %dma_start3A_71, %dma_start3A_76] : memref<2x2x2048xi32, #tpu.memory_space<vmem>> -> memref<1x1x2048xi32, #tpu.memory_space<vmem>>
    %dma_start3A_78 = tpu.memref_squeeze %dma_start3A_77 : memref<1x1x2048xi32, #tpu.memory_space<vmem>> -> memref<2048xi32, #tpu.memory_space<vmem>>
    %dma_start3A_79 = arith.constant 0 : i32
    %dma_start3A_80 = arith.constant 0 : i32
    %dma_start3A_81 = tpu.memref_slice %arg11[%dma_start3A_79, %dma_start3A_80] : memref<10240x16xf32, #tpu.memory_space<vmem_shared>> -> memref<10240x16xf32, #tpu.memory_space<vmem_shared>>
    tpu.enqueue_indirect_dma source(%dma_start3A_75 : memref<2048x16xf32, #tpu.memory_space<vmem>>) target(%dma_start3A_81 : memref<10240x16xf32, #tpu.memory_space<vmem_shared>>) offsets(%dma_start3A_78 : memref<2048xi32, #tpu.memory_space<vmem>>) semaphore(%arg13 : memref<!tpu.dma_semaphore, #tpu.memory_space<semaphore_mem>>) {add = true}
    %dma_start3A_82 = arith.constant 0 : i32
    %dma_start3A_83 = arith.constant 1 : i32
    %dma_start3A_84 = arith.constant 0 : i32
    %dma_start3A_85 = tpu.memref_slice %arg9[%dma_start3A_82, %dma_start3A_83, %dma_start3A_84] : memref<2x2x2048xi32, #tpu.memory_space<vmem>> -> memref<1x1x2048xi32, #tpu.memory_space<vmem>>
    %dma_start3A_86 = tpu.memref_squeeze %dma_start3A_85 : memref<1x1x2048xi32, #tpu.memory_space<vmem>> -> memref<2048xi32, #tpu.memory_space<vmem>>
    %dma_start3A_87 = arith.constant 0 : i32
    %dma_start3A_88 = arith.constant 0 : i32
    %dma_start3A_89 = tpu.memref_slice %arg15[%dma_start3A_87, %dma_start3A_88] : memref<10240x16xf32, #tpu.memory_space<vmem_shared>> -> memref<10240x16xf32, #tpu.memory_space<vmem_shared>>
    tpu.enqueue_indirect_dma source(%arg14 : memref<2048x16xf32, #tpu.memory_space<vmem>>) target(%dma_start3A_89 : memref<10240x16xf32, #tpu.memory_space<vmem_shared>>) offsets(%dma_start3A_86 : memref<2048xi32, #tpu.memory_space<vmem>>) semaphore(%arg13 : memref<!tpu.dma_semaphore, #tpu.memory_space<semaphore_mem>>) {add = true}
    %dma_wait3A_90 = arith.constant 0 : i32
    %dma_wait3A_91 = arith.constant 0 : i32
    %dma_wait3A_92 = arith.constant 0 : i32
    %dma_wait3A_93 = tpu.memref_slice %arg10[%dma_wait3A_90, %dma_wait3A_91, %dma_wait3A_92] : memref<2x2048x16xf32, #tpu.memory_space<vmem>> -> memref<1x2048x16xf32, #tpu.memory_space<vmem>>
    %dma_wait3A_94 = tpu.memref_squeeze %dma_wait3A_93 : memref<1x2048x16xf32, #tpu.memory_space<vmem>> -> memref<2048x16xf32, #tpu.memory_space<vmem>>
    %dma_wait3A_95 = arith.constant 0 : i32
    %dma_wait3A_96 = arith.constant 0 : i32
    %dma_wait3A_97 = tpu.memref_slice %arg2[%dma_wait3A_95, %dma_wait3A_96] : memref<10000x16xf32, #tpu.memory_space<hbm>> -> memref<2048x16xf32, #tpu.memory_space<hbm>>
    %dma_wait3A_98 = arith.constant 0 : i32
    %dma_wait3A_99 = arith.constant 0 : i32
    %dma_wait3A_100 = tpu.memref_slice %arg10[%dma_wait3A_90, %dma_wait3A_98, %dma_wait3A_99] : memref<2x2048x16xf32, #tpu.memory_space<vmem>> -> memref<1x2048x16xf32, #tpu.memory_space<vmem>>
    %dma_wait3A_101 = tpu.memref_squeeze %dma_wait3A_100 : memref<1x2048x16xf32, #tpu.memory_space<vmem>> -> memref<2048x16xf32, #tpu.memory_space<vmem>>
    %dma_wait3A_102 = arith.constant 0 : i32
    %dma_wait3A_103 = arith.constant 0 : i32
    %dma_wait3A_104 = tpu.memref_slice %arg2[%dma_wait3A_102, %dma_wait3A_103] : memref<10000x16xf32, #tpu.memory_space<hbm>> -> memref<2048x16xf32, #tpu.memory_space<hbm>>
    tpu.wait_dma2 semaphore(%arg12 : memref<!tpu.dma_semaphore, #tpu.memory_space<semaphore_mem>>) src(%dma_wait3A_104 : memref<2048x16xf32, #tpu.memory_space<hbm>>) dst(%dma_wait3A_101 : memref<2048x16xf32, #tpu.memory_space<vmem>>)
    %dma_wait3A_105 = arith.constant 0 : i32
    %dma_wait3A_106 = arith.constant 0 : i32
    %dma_wait3A_107 = arith.constant 0 : i32
    %dma_wait3A_108 = tpu.memref_slice %arg10[%dma_wait3A_105, %dma_wait3A_106, %dma_wait3A_107] : memref<2x2048x16xf32, #tpu.memory_space<vmem>> -> memref<1x2048x16xf32, #tpu.memory_space<vmem>>
    %dma_wait3A_109 = tpu.memref_squeeze %dma_wait3A_108 : memref<1x2048x16xf32, #tpu.memory_space<vmem>> -> memref<2048x16xf32, #tpu.memory_space<vmem>>
    %dma_wait3A_110 = arith.constant 0 : i32
    %dma_wait3A_111 = arith.constant 0 : i32
    %dma_wait3A_112 = tpu.memref_slice %arg2[%dma_wait3A_110, %dma_wait3A_111] : memref<10000x16xf32, #tpu.memory_space<hbm>> -> memref<2048x16xf32, #tpu.memory_space<hbm>>
    %dma_wait3A_113 = arith.constant 0 : i32
    %dma_wait3A_114 = arith.constant 0 : i32
    %dma_wait3A_115 = tpu.memref_slice %arg10[%dma_wait3A_105, %dma_wait3A_113, %dma_wait3A_114] : memref<2x2048x16xf32, #tpu.memory_space<vmem>> -> memref<1x2048x16xf32, #tpu.memory_space<vmem>>
    %dma_wait3A_116 = tpu.memref_squeeze %dma_wait3A_115 : memref<1x2048x16xf32, #tpu.memory_space<vmem>> -> memref<2048x16xf32, #tpu.memory_space<vmem>>
    %dma_wait3A_117 = arith.constant 0 : i32
    %dma_wait3A_118 = arith.constant 0 : i32
    %dma_wait3A_119 = tpu.memref_slice %arg2[%dma_wait3A_117, %dma_wait3A_118] : memref<10000x16xf32, #tpu.memory_space<hbm>> -> memref<2048x16xf32, #tpu.memory_space<hbm>>
    tpu.wait_dma2 semaphore(%arg13 : memref<!tpu.dma_semaphore, #tpu.memory_space<semaphore_mem>>) src(%dma_wait3A_119 : memref<2048x16xf32, #tpu.memory_space<hbm>>) dst(%dma_wait3A_116 : memref<2048x16xf32, #tpu.memory_space<vmem>>)
    %dma_wait3A_120 = arith.constant 0 : i32
    %dma_wait3A_121 = arith.constant 0 : i32
    %dma_wait3A_122 = arith.constant 0 : i32
    %dma_wait3A_123 = tpu.memref_slice %arg10[%dma_wait3A_120, %dma_wait3A_121, %dma_wait3A_122] : memref<2x2048x16xf32, #tpu.memory_space<vmem>> -> memref<1x2048x16xf32, #tpu.memory_space<vmem>>
    %dma_wait3A_124 = tpu.memref_squeeze %dma_wait3A_123 : memref<1x2048x16xf32, #tpu.memory_space<vmem>> -> memref<2048x16xf32, #tpu.memory_space<vmem>>
    %dma_wait3A_125 = arith.constant 0 : i32
    %dma_wait3A_126 = arith.constant 0 : i32
    %dma_wait3A_127 = tpu.memref_slice %arg2[%dma_wait3A_125, %dma_wait3A_126] : memref<10000x16xf32, #tpu.memory_space<hbm>> -> memref<2048x16xf32, #tpu.memory_space<hbm>>
    %dma_wait3A_128 = arith.constant 0 : i32
    %dma_wait3A_129 = arith.constant 0 : i32
    %dma_wait3A_130 = tpu.memref_slice %arg10[%dma_wait3A_120, %dma_wait3A_128, %dma_wait3A_129] : memref<2x2048x16xf32, #tpu.memory_space<vmem>> -> memref<1x2048x16xf32, #tpu.memory_space<vmem>>
    %dma_wait3A_131 = tpu.memref_squeeze %dma_wait3A_130 : memref<1x2048x16xf32, #tpu.memory_space<vmem>> -> memref<2048x16xf32, #tpu.memory_space<vmem>>
    %dma_wait3A_132 = arith.constant 0 : i32
    %dma_wait3A_133 = arith.constant 0 : i32
    %dma_wait3A_134 = tpu.memref_slice %arg2[%dma_wait3A_132, %dma_wait3A_133] : memref<10000x16xf32, #tpu.memory_space<hbm>> -> memref<2048x16xf32, #tpu.memory_space<hbm>>
    tpu.wait_dma2 semaphore(%arg13 : memref<!tpu.dma_semaphore, #tpu.memory_space<semaphore_mem>>) src(%dma_wait3A_134 : memref<2048x16xf32, #tpu.memory_space<hbm>>) dst(%dma_wait3A_131 : memref<2048x16xf32, #tpu.memory_space<vmem>>)
    %add3A_135 = arith.constant 2 : i32
    %add3A_136 = arith.addi %mul3A_6, %add3A_135 : i32
    %mul3A_137 = arith.constant 2048 : i32
    %mul3A_138 = arith.muli %add3A_136, %mul3A_137 : i32
    %run_scoped3A_139 = arith.constant 0 : i32
    %run_scoped3A_140 = arith.constant 0 : i32
    "tpu.region"() ({
      %run_scoped3A_465 = tpu.sem_alloc : memref<!tpu.dma_semaphore, #tpu.memory_space<semaphore_mem>>
      %dma_start3A_466 = arith.constant 0 : i32
      %dma_start3A_467 = tpu.memref_slice %arg9[%run_scoped3A_139, %run_scoped3A_140, %dma_start3A_466] : memref<2x2x2048xi32, #tpu.memory_space<vmem>> -> memref<1x1x2048xi32, #tpu.memory_space<vmem>>
      %dma_start3A_468 = tpu.memref_squeeze %dma_start3A_467 : memref<1x1x2048xi32, #tpu.memory_space<vmem>> -> memref<2048xi32, #tpu.memory_space<vmem>>
      %dma_start3A_469 = tpu.memref_slice %arg3[%mul3A_138] : memref<327680xi32, #tpu.memory_space<hbm>> -> memref<2048xi32, #tpu.memory_space<hbm>>
      %dma_start3A_470 = arith.constant 0 : i32
      %dma_start3A_471 = tpu.memref_slice %arg9[%run_scoped3A_139, %run_scoped3A_140, %dma_start3A_470] : memref<2x2x2048xi32, #tpu.memory_space<vmem>> -> memref<1x1x2048xi32, #tpu.memory_space<vmem>>
      %dma_start3A_472 = tpu.memref_squeeze %dma_start3A_471 : memref<1x1x2048xi32, #tpu.memory_space<vmem>> -> memref<2048xi32, #tpu.memory_space<vmem>>
      %dma_start3A_473 = tpu.memref_slice %arg3[%mul3A_138] : memref<327680xi32, #tpu.memory_space<hbm>> -> memref<2048xi32, #tpu.memory_space<hbm>>
      tpu.enqueue_dma source(%dma_start3A_473 : memref<2048xi32, #tpu.memory_space<hbm>>) target(%dma_start3A_472 : memref<2048xi32, #tpu.memory_space<vmem>>) target_semaphore(%run_scoped3A_465 : memref<!tpu.dma_semaphore, #tpu.memory_space<semaphore_mem>>)
      %dma_wait3A_474 = arith.constant 0 : i32
      %dma_wait3A_475 = tpu.memref_slice %arg9[%run_scoped3A_139, %run_scoped3A_140, %dma_wait3A_474] : memref<2x2x2048xi32, #tpu.memory_space<vmem>> -> memref<1x1x2048xi32, #tpu.memory_space<vmem>>
      %dma_wait3A_476 = tpu.memref_squeeze %dma_wait3A_475 : memref<1x1x2048xi32, #tpu.memory_space<vmem>> -> memref<2048xi32, #tpu.memory_space<vmem>>
      %dma_wait3A_477 = tpu.memref_slice %arg3[%mul3A_138] : memref<327680xi32, #tpu.memory_space<hbm>> -> memref<2048xi32, #tpu.memory_space<hbm>>
      %dma_wait3A_478 = arith.constant 0 : i32
      %dma_wait3A_479 = tpu.memref_slice %arg9[%run_scoped3A_139, %run_scoped3A_140, %dma_wait3A_478] : memref<2x2x2048xi32, #tpu.memory_space<vmem>> -> memref<1x1x2048xi32, #tpu.memory_space<vmem>>
      %dma_wait3A_480 = tpu.memref_squeeze %dma_wait3A_479 : memref<1x1x2048xi32, #tpu.memory_space<vmem>> -> memref<2048xi32, #tpu.memory_space<vmem>>
      %dma_wait3A_481 = tpu.memref_slice %arg3[%mul3A_138] : memref<327680xi32, #tpu.memory_space<hbm>> -> memref<2048xi32, #tpu.memory_space<hbm>>
      tpu.wait_dma2 semaphore(%run_scoped3A_465 : memref<!tpu.dma_semaphore, #tpu.memory_space<semaphore_mem>>) src(%dma_wait3A_481 : memref<2048xi32, #tpu.memory_space<hbm>>) dst(%dma_wait3A_480 : memref<2048xi32, #tpu.memory_space<vmem>>)
      tpu.yield
    }) : () -> ()
    %add3A_141 = arith.constant 2 : i32
    %add3A_142 = arith.addi %mul3A_6, %add3A_141 : i32
    %mul3A_143 = arith.constant 2048 : i32
    %mul3A_144 = arith.muli %add3A_142, %mul3A_143 : i32
    %run_scoped3A_145 = arith.constant 0 : i32
    %run_scoped3A_146 = arith.constant 1 : i32
    "tpu.region"() ({
      %run_scoped3A_465 = tpu.sem_alloc : memref<!tpu.dma_semaphore, #tpu.memory_space<semaphore_mem>>
      %dma_start3A_466 = arith.constant 0 : i32
      %dma_start3A_467 = tpu.memref_slice %arg9[%run_scoped3A_145, %run_scoped3A_146, %dma_start3A_466] : memref<2x2x2048xi32, #tpu.memory_space<vmem>> -> memref<1x1x2048xi32, #tpu.memory_space<vmem>>
      %dma_start3A_468 = tpu.memref_squeeze %dma_start3A_467 : memref<1x1x2048xi32, #tpu.memory_space<vmem>> -> memref<2048xi32, #tpu.memory_space<vmem>>
      %dma_start3A_469 = tpu.memref_slice %arg4[%mul3A_144] : memref<327680xi32, #tpu.memory_space<hbm>> -> memref<2048xi32, #tpu.memory_space<hbm>>
      %dma_start3A_470 = arith.constant 0 : i32
      %dma_start3A_471 = tpu.memref_slice %arg9[%run_scoped3A_145, %run_scoped3A_146, %dma_start3A_470] : memref<2x2x2048xi32, #tpu.memory_space<vmem>> -> memref<1x1x2048xi32, #tpu.memory_space<vmem>>
      %dma_start3A_472 = tpu.memref_squeeze %dma_start3A_471 : memref<1x1x2048xi32, #tpu.memory_space<vmem>> -> memref<2048xi32, #tpu.memory_space<vmem>>
      %dma_start3A_473 = tpu.memref_slice %arg4[%mul3A_144] : memref<327680xi32, #tpu.memory_space<hbm>> -> memref<2048xi32, #tpu.memory_space<hbm>>
      tpu.enqueue_dma source(%dma_start3A_473 : memref<2048xi32, #tpu.memory_space<hbm>>) target(%dma_start3A_472 : memref<2048xi32, #tpu.memory_space<vmem>>) target_semaphore(%run_scoped3A_465 : memref<!tpu.dma_semaphore, #tpu.memory_space<semaphore_mem>>)
      %dma_wait3A_474 = arith.constant 0 : i32
      %dma_wait3A_475 = tpu.memref_slice %arg9[%run_scoped3A_145, %run_scoped3A_146, %dma_wait3A_474] : memref<2x2x2048xi32, #tpu.memory_space<vmem>> -> memref<1x1x2048xi32, #tpu.memory_space<vmem>>
      %dma_wait3A_476 = tpu.memref_squeeze %dma_wait3A_475 : memref<1x1x2048xi32, #tpu.memory_space<vmem>> -> memref<2048xi32, #tpu.memory_space<vmem>>
      %dma_wait3A_477 = tpu.memref_slice %arg4[%mul3A_144] : memref<327680xi32, #tpu.memory_space<hbm>> -> memref<2048xi32, #tpu.memory_space<hbm>>
      %dma_wait3A_478 = arith.constant 0 : i32
      %dma_wait3A_479 = tpu.memref_slice %arg9[%run_scoped3A_145, %run_scoped3A_146, %dma_wait3A_478] : memref<2x2x2048xi32, #tpu.memory_space<vmem>> -> memref<1x1x2048xi32, #tpu.memory_space<vmem>>
      %dma_wait3A_480 = tpu.memref_squeeze %dma_wait3A_479 : memref<1x1x2048xi32, #tpu.memory_space<vmem>> -> memref<2048xi32, #tpu.memory_space<vmem>>
      %dma_wait3A_481 = tpu.memref_slice %arg4[%mul3A_144] : memref<327680xi32, #tpu.memory_space<hbm>> -> memref<2048xi32, #tpu.memory_space<hbm>>
      tpu.wait_dma2 semaphore(%run_scoped3A_465 : memref<!tpu.dma_semaphore, #tpu.memory_space<semaphore_mem>>) src(%dma_wait3A_481 : memref<2048xi32, #tpu.memory_space<hbm>>) dst(%dma_wait3A_480 : memref<2048xi32, #tpu.memory_space<vmem>>)
      tpu.yield
    }) : () -> ()
    %dma_start3A_147 = arith.constant 0 : i32
    %dma_start3A_148 = arith.constant 0 : i32
    %dma_start3A_149 = arith.constant 0 : i32
    %dma_start3A_150 = arith.constant 0 : i32
    %dma_start3A_151 = arith.constant 0 : i32
    %dma_start3A_152 = tpu.memref_slice %arg10[%dma_start3A_149, %dma_start3A_150, %dma_start3A_151] : memref<2x2048x16xf32, #tpu.memory_space<vmem>> -> memref<1x2048x16xf32, #tpu.memory_space<vmem>>
    %dma_start3A_153 = tpu.memref_squeeze %dma_start3A_152 : memref<1x2048x16xf32, #tpu.memory_space<vmem>> -> memref<2048x16xf32, #tpu.memory_space<vmem>>
    %dma_start3A_154 = arith.constant 0 : i32
    %dma_start3A_155 = tpu.memref_slice %arg9[%dma_start3A_147, %dma_start3A_148, %dma_start3A_154] : memref<2x2x2048xi32, #tpu.memory_space<vmem>> -> memref<1x1x2048xi32, #tpu.memory_space<vmem>>
    %dma_start3A_156 = tpu.memref_squeeze %dma_start3A_155 : memref<1x1x2048xi32, #tpu.memory_space<vmem>> -> memref<2048xi32, #tpu.memory_space<vmem>>
    %dma_start3A_157 = arith.constant 0 : i32
    %dma_start3A_158 = arith.constant 0 : i32
    %dma_start3A_159 = tpu.memref_slice %arg2[%dma_start3A_157, %dma_start3A_158] : memref<10000x16xf32, #tpu.memory_space<hbm>> -> memref<10000x16xf32, #tpu.memory_space<hbm>>
    tpu.enqueue_indirect_dma source(%dma_start3A_159 : memref<10000x16xf32, #tpu.memory_space<hbm>>) target(%dma_start3A_153 : memref<2048x16xf32, #tpu.memory_space<vmem>>) offsets(%dma_start3A_156 : memref<2048xi32, #tpu.memory_space<vmem>>) semaphore(%arg12 : memref<!tpu.dma_semaphore, #tpu.memory_space<semaphore_mem>>)
    %dma_start3A_160 = arith.constant 1 : i32
    %dma_start3A_161 = arith.constant 1 : i32
    %dma_start3A_162 = arith.constant 1 : i32
    %dma_start3A_163 = arith.constant 0 : i32
    %dma_start3A_164 = arith.constant 0 : i32
    %dma_start3A_165 = tpu.memref_slice %arg10[%dma_start3A_160, %dma_start3A_163, %dma_start3A_164] : memref<2x2048x16xf32, #tpu.memory_space<vmem>> -> memref<1x2048x16xf32, #tpu.memory_space<vmem>>
    %dma_start3A_166 = tpu.memref_squeeze %dma_start3A_165 : memref<1x2048x16xf32, #tpu.memory_space<vmem>> -> memref<2048x16xf32, #tpu.memory_space<vmem>>
    %dma_start3A_167 = arith.constant 0 : i32
    %dma_start3A_168 = tpu.memref_slice %arg9[%dma_start3A_161, %dma_start3A_162, %dma_start3A_167] : memref<2x2x2048xi32, #tpu.memory_space<vmem>> -> memref<1x1x2048xi32, #tpu.memory_space<vmem>>
    %dma_start3A_169 = tpu.memref_squeeze %dma_start3A_168 : memref<1x1x2048xi32, #tpu.memory_space<vmem>> -> memref<2048xi32, #tpu.memory_space<vmem>>
    %dma_start3A_170 = arith.constant 0 : i32
    %dma_start3A_171 = arith.constant 0 : i32
    %dma_start3A_172 = tpu.memref_slice %arg11[%dma_start3A_170, %dma_start3A_171] : memref<10240x16xf32, #tpu.memory_space<vmem_shared>> -> memref<10240x16xf32, #tpu.memory_space<vmem_shared>>
    tpu.enqueue_indirect_dma source(%dma_start3A_166 : memref<2048x16xf32, #tpu.memory_space<vmem>>) target(%dma_start3A_172 : memref<10240x16xf32, #tpu.memory_space<vmem_shared>>) offsets(%dma_start3A_169 : memref<2048xi32, #tpu.memory_space<vmem>>) semaphore(%arg13 : memref<!tpu.dma_semaphore, #tpu.memory_space<semaphore_mem>>) {add = true}
    %dma_start3A_173 = arith.constant 1 : i32
    %dma_start3A_174 = arith.constant 1 : i32
    %dma_start3A_175 = arith.constant 0 : i32
    %dma_start3A_176 = tpu.memref_slice %arg9[%dma_start3A_173, %dma_start3A_174, %dma_start3A_175] : memref<2x2x2048xi32, #tpu.memory_space<vmem>> -> memref<1x1x2048xi32, #tpu.memory_space<vmem>>
    %dma_start3A_177 = tpu.memref_squeeze %dma_start3A_176 : memref<1x1x2048xi32, #tpu.memory_space<vmem>> -> memref<2048xi32, #tpu.memory_space<vmem>>
    %dma_start3A_178 = arith.constant 0 : i32
    %dma_start3A_179 = arith.constant 0 : i32
    %dma_start3A_180 = tpu.memref_slice %arg15[%dma_start3A_178, %dma_start3A_179] : memref<10240x16xf32, #tpu.memory_space<vmem_shared>> -> memref<10240x16xf32, #tpu.memory_space<vmem_shared>>
    tpu.enqueue_indirect_dma source(%arg14 : memref<2048x16xf32, #tpu.memory_space<vmem>>) target(%dma_start3A_180 : memref<10240x16xf32, #tpu.memory_space<vmem_shared>>) offsets(%dma_start3A_177 : memref<2048xi32, #tpu.memory_space<vmem>>) semaphore(%arg13 : memref<!tpu.dma_semaphore, #tpu.memory_space<semaphore_mem>>) {add = true}
    %dma_wait3A_181 = arith.constant 0 : i32
    %dma_wait3A_182 = arith.constant 0 : i32
    %dma_wait3A_183 = arith.constant 0 : i32
    %dma_wait3A_184 = tpu.memref_slice %arg10[%dma_wait3A_181, %dma_wait3A_182, %dma_wait3A_183] : memref<2x2048x16xf32, #tpu.memory_space<vmem>> -> memref<1x2048x16xf32, #tpu.memory_space<vmem>>
    %dma_wait3A_185 = tpu.memref_squeeze %dma_wait3A_184 : memref<1x2048x16xf32, #tpu.memory_space<vmem>> -> memref<2048x16xf32, #tpu.memory_space<vmem>>
    %dma_wait3A_186 = arith.constant 0 : i32
    %dma_wait3A_187 = arith.constant 0 : i32
    %dma_wait3A_188 = tpu.memref_slice %arg2[%dma_wait3A_186, %dma_wait3A_187] : memref<10000x16xf32, #tpu.memory_space<hbm>> -> memref<2048x16xf32, #tpu.memory_space<hbm>>
    %dma_wait3A_189 = arith.constant 0 : i32
    %dma_wait3A_190 = arith.constant 0 : i32
    %dma_wait3A_191 = tpu.memref_slice %arg10[%dma_wait3A_181, %dma_wait3A_189, %dma_wait3A_190] : memref<2x2048x16xf32, #tpu.memory_space<vmem>> -> memref<1x2048x16xf32, #tpu.memory_space<vmem>>
    %dma_wait3A_192 = tpu.memref_squeeze %dma_wait3A_191 : memref<1x2048x16xf32, #tpu.memory_space<vmem>> -> memref<2048x16xf32, #tpu.memory_space<vmem>>
    %dma_wait3A_193 = arith.constant 0 : i32
    %dma_wait3A_194 = arith.constant 0 : i32
    %dma_wait3A_195 = tpu.memref_slice %arg2[%dma_wait3A_193, %dma_wait3A_194] : memref<10000x16xf32, #tpu.memory_space<hbm>> -> memref<2048x16xf32, #tpu.memory_space<hbm>>
    tpu.wait_dma2 semaphore(%arg12 : memref<!tpu.dma_semaphore, #tpu.memory_space<semaphore_mem>>) src(%dma_wait3A_195 : memref<2048x16xf32, #tpu.memory_space<hbm>>) dst(%dma_wait3A_192 : memref<2048x16xf32, #tpu.memory_space<vmem>>)
    %dma_wait3A_196 = arith.constant 0 : i32
    %dma_wait3A_197 = arith.constant 0 : i32
    %dma_wait3A_198 = arith.constant 0 : i32
    %dma_wait3A_199 = tpu.memref_slice %arg10[%dma_wait3A_196, %dma_wait3A_197, %dma_wait3A_198] : memref<2x2048x16xf32, #tpu.memory_space<vmem>> -> memref<1x2048x16xf32, #tpu.memory_space<vmem>>
    %dma_wait3A_200 = tpu.memref_squeeze %dma_wait3A_199 : memref<1x2048x16xf32, #tpu.memory_space<vmem>> -> memref<2048x16xf32, #tpu.memory_space<vmem>>
    %dma_wait3A_201 = arith.constant 0 : i32
    %dma_wait3A_202 = arith.constant 0 : i32
    %dma_wait3A_203 = tpu.memref_slice %arg2[%dma_wait3A_201, %dma_wait3A_202] : memref<10000x16xf32, #tpu.memory_space<hbm>> -> memref<2048x16xf32, #tpu.memory_space<hbm>>
    %dma_wait3A_204 = arith.constant 0 : i32
    %dma_wait3A_205 = arith.constant 0 : i32
    %dma_wait3A_206 = tpu.memref_slice %arg10[%dma_wait3A_196, %dma_wait3A_204, %dma_wait3A_205] : memref<2x2048x16xf32, #tpu.memory_space<vmem>> -> memref<1x2048x16xf32, #tpu.memory_space<vmem>>
    %dma_wait3A_207 = tpu.memref_squeeze %dma_wait3A_206 : memref<1x2048x16xf32, #tpu.memory_space<vmem>> -> memref<2048x16xf32, #tpu.memory_space<vmem>>
    %dma_wait3A_208 = arith.constant 0 : i32
    %dma_wait3A_209 = arith.constant 0 : i32
    %dma_wait3A_210 = tpu.memref_slice %arg2[%dma_wait3A_208, %dma_wait3A_209] : memref<10000x16xf32, #tpu.memory_space<hbm>> -> memref<2048x16xf32, #tpu.memory_space<hbm>>
    tpu.wait_dma2 semaphore(%arg13 : memref<!tpu.dma_semaphore, #tpu.memory_space<semaphore_mem>>) src(%dma_wait3A_210 : memref<2048x16xf32, #tpu.memory_space<hbm>>) dst(%dma_wait3A_207 : memref<2048x16xf32, #tpu.memory_space<vmem>>)
    %dma_wait3A_211 = arith.constant 0 : i32
    %dma_wait3A_212 = arith.constant 0 : i32
    %dma_wait3A_213 = arith.constant 0 : i32
    %dma_wait3A_214 = tpu.memref_slice %arg10[%dma_wait3A_211, %dma_wait3A_212, %dma_wait3A_213] : memref<2x2048x16xf32, #tpu.memory_space<vmem>> -> memref<1x2048x16xf32, #tpu.memory_space<vmem>>
    %dma_wait3A_215 = tpu.memref_squeeze %dma_wait3A_214 : memref<1x2048x16xf32, #tpu.memory_space<vmem>> -> memref<2048x16xf32, #tpu.memory_space<vmem>>
    %dma_wait3A_216 = arith.constant 0 : i32
    %dma_wait3A_217 = arith.constant 0 : i32
    %dma_wait3A_218 = tpu.memref_slice %arg2[%dma_wait3A_216, %dma_wait3A_217] : memref<10000x16xf32, #tpu.memory_space<hbm>> -> memref<2048x16xf32, #tpu.memory_space<hbm>>
    %dma_wait3A_219 = arith.constant 0 : i32
    %dma_wait3A_220 = arith.constant 0 : i32
    %dma_wait3A_221 = tpu.memref_slice %arg10[%dma_wait3A_211, %dma_wait3A_219, %dma_wait3A_220] : memref<2x2048x16xf32, #tpu.memory_space<vmem>> -> memref<1x2048x16xf32, #tpu.memory_space<vmem>>
    %dma_wait3A_222 = tpu.memref_squeeze %dma_wait3A_221 : memref<1x2048x16xf32, #tpu.memory_space<vmem>> -> memref<2048x16xf32, #tpu.memory_space<vmem>>
    %dma_wait3A_223 = arith.constant 0 : i32
    %dma_wait3A_224 = arith.constant 0 : i32
    %dma_wait3A_225 = tpu.memref_slice %arg2[%dma_wait3A_223, %dma_wait3A_224] : memref<10000x16xf32, #tpu.memory_space<hbm>> -> memref<2048x16xf32, #tpu.memory_space<hbm>>
    tpu.wait_dma2 semaphore(%arg13 : memref<!tpu.dma_semaphore, #tpu.memory_space<semaphore_mem>>) src(%dma_wait3A_225 : memref<2048x16xf32, #tpu.memory_space<hbm>>) dst(%dma_wait3A_222 : memref<2048x16xf32, #tpu.memory_space<vmem>>)
    %add3A_226 = arith.constant 3 : i32
    %add3A_227 = arith.addi %mul3A_6, %add3A_226 : i32
    %mul3A_228 = arith.constant 2048 : i32
    %mul3A_229 = arith.muli %add3A_227, %mul3A_228 : i32
    %run_scoped3A_230 = arith.constant 1 : i32
    %run_scoped3A_231 = arith.constant 0 : i32
    "tpu.region"() ({
      %run_scoped3A_465 = tpu.sem_alloc : memref<!tpu.dma_semaphore, #tpu.memory_space<semaphore_mem>>
      %dma_start3A_466 = arith.constant 0 : i32
      %dma_start3A_467 = tpu.memref_slice %arg9[%run_scoped3A_230, %run_scoped3A_231, %dma_start3A_466] : memref<2x2x2048xi32, #tpu.memory_space<vmem>> -> memref<1x1x2048xi32, #tpu.memory_space<vmem>>
      %dma_start3A_468 = tpu.memref_squeeze %dma_start3A_467 : memref<1x1x2048xi32, #tpu.memory_space<vmem>> -> memref<2048xi32, #tpu.memory_space<vmem>>
      %dma_start3A_469 = tpu.memref_slice %arg3[%mul3A_229] : memref<327680xi32, #tpu.memory_space<hbm>> -> memref<2048xi32, #tpu.memory_space<hbm>>
      %dma_start3A_470 = arith.constant 0 : i32
      %dma_start3A_471 = tpu.memref_slice %arg9[%run_scoped3A_230, %run_scoped3A_231, %dma_start3A_470] : memref<2x2x2048xi32, #tpu.memory_space<vmem>> -> memref<1x1x2048xi32, #tpu.memory_space<vmem>>
      %dma_start3A_472 = tpu.memref_squeeze %dma_start3A_471 : memref<1x1x2048xi32, #tpu.memory_space<vmem>> -> memref<2048xi32, #tpu.memory_space<vmem>>
      %dma_start3A_473 = tpu.memref_slice %arg3[%mul3A_229] : memref<327680xi32, #tpu.memory_space<hbm>> -> memref<2048xi32, #tpu.memory_space<hbm>>
      tpu.enqueue_dma source(%dma_start3A_473 : memref<2048xi32, #tpu.memory_space<hbm>>) target(%dma_start3A_472 : memref<2048xi32, #tpu.memory_space<vmem>>) target_semaphore(%run_scoped3A_465 : memref<!tpu.dma_semaphore, #tpu.memory_space<semaphore_mem>>)
      %dma_wait3A_474 = arith.constant 0 : i32
      %dma_wait3A_475 = tpu.memref_slice %arg9[%run_scoped3A_230, %run_scoped3A_231, %dma_wait3A_474] : memref<2x2x2048xi32, #tpu.memory_space<vmem>> -> memref<1x1x2048xi32, #tpu.memory_space<vmem>>
      %dma_wait3A_476 = tpu.memref_squeeze %dma_wait3A_475 : memref<1x1x2048xi32, #tpu.memory_space<vmem>> -> memref<2048xi32, #tpu.memory_space<vmem>>
      %dma_wait3A_477 = tpu.memref_slice %arg3[%mul3A_229] : memref<327680xi32, #tpu.memory_space<hbm>> -> memref<2048xi32, #tpu.memory_space<hbm>>
      %dma_wait3A_478 = arith.constant 0 : i32
      %dma_wait3A_479 = tpu.memref_slice %arg9[%run_scoped3A_230, %run_scoped3A_231, %dma_wait3A_478] : memref<2x2x2048xi32, #tpu.memory_space<vmem>> -> memref<1x1x2048xi32, #tpu.memory_space<vmem>>
      %dma_wait3A_480 = tpu.memref_squeeze %dma_wait3A_479 : memref<1x1x2048xi32, #tpu.memory_space<vmem>> -> memref<2048xi32, #tpu.memory_space<vmem>>
      %dma_wait3A_481 = tpu.memref_slice %arg3[%mul3A_229] : memref<327680xi32, #tpu.memory_space<hbm>> -> memref<2048xi32, #tpu.memory_space<hbm>>
      tpu.wait_dma2 semaphore(%run_scoped3A_465 : memref<!tpu.dma_semaphore, #tpu.memory_space<semaphore_mem>>) src(%dma_wait3A_481 : memref<2048xi32, #tpu.memory_space<hbm>>) dst(%dma_wait3A_480 : memref<2048xi32, #tpu.memory_space<vmem>>)
      tpu.yield
    }) : () -> ()
    %add3A_232 = arith.constant 3 : i32
    %add3A_233 = arith.addi %mul3A_6, %add3A_232 : i32
    %mul3A_234 = arith.constant 2048 : i32
    %mul3A_235 = arith.muli %add3A_233, %mul3A_234 : i32
    %run_scoped3A_236 = arith.constant 1 : i32
    %run_scoped3A_237 = arith.constant 1 : i32
    "tpu.region"() ({
      %run_scoped3A_465 = tpu.sem_alloc : memref<!tpu.dma_semaphore, #tpu.memory_space<semaphore_mem>>
      %dma_start3A_466 = arith.constant 0 : i32
      %dma_start3A_467 = tpu.memref_slice %arg9[%run_scoped3A_236, %run_scoped3A_237, %dma_start3A_466] : memref<2x2x2048xi32, #tpu.memory_space<vmem>> -> memref<1x1x2048xi32, #tpu.memory_space<vmem>>
      %dma_start3A_468 = tpu.memref_squeeze %dma_start3A_467 : memref<1x1x2048xi32, #tpu.memory_space<vmem>> -> memref<2048xi32, #tpu.memory_space<vmem>>
      %dma_start3A_469 = tpu.memref_slice %arg4[%mul3A_235] : memref<327680xi32, #tpu.memory_space<hbm>> -> memref<2048xi32, #tpu.memory_space<hbm>>
      %dma_start3A_470 = arith.constant 0 : i32
      %dma_start3A_471 = tpu.memref_slice %arg9[%run_scoped3A_236, %run_scoped3A_237, %dma_start3A_470] : memref<2x2x2048xi32, #tpu.memory_space<vmem>> -> memref<1x1x2048xi32, #tpu.memory_space<vmem>>
      %dma_start3A_472 = tpu.memref_squeeze %dma_start3A_471 : memref<1x1x2048xi32, #tpu.memory_space<vmem>> -> memref<2048xi32, #tpu.memory_space<vmem>>
      %dma_start3A_473 = tpu.memref_slice %arg4[%mul3A_235] : memref<327680xi32, #tpu.memory_space<hbm>> -> memref<2048xi32, #tpu.memory_space<hbm>>
      tpu.enqueue_dma source(%dma_start3A_473 : memref<2048xi32, #tpu.memory_space<hbm>>) target(%dma_start3A_472 : memref<2048xi32, #tpu.memory_space<vmem>>) target_semaphore(%run_scoped3A_465 : memref<!tpu.dma_semaphore, #tpu.memory_space<semaphore_mem>>)
      %dma_wait3A_474 = arith.constant 0 : i32
      %dma_wait3A_475 = tpu.memref_slice %arg9[%run_scoped3A_236, %run_scoped3A_237, %dma_wait3A_474] : memref<2x2x2048xi32, #tpu.memory_space<vmem>> -> memref<1x1x2048xi32, #tpu.memory_space<vmem>>
      %dma_wait3A_476 = tpu.memref_squeeze %dma_wait3A_475 : memref<1x1x2048xi32, #tpu.memory_space<vmem>> -> memref<2048xi32, #tpu.memory_space<vmem>>
      %dma_wait3A_477 = tpu.memref_slice %arg4[%mul3A_235] : memref<327680xi32, #tpu.memory_space<hbm>> -> memref<2048xi32, #tpu.memory_space<hbm>>
      %dma_wait3A_478 = arith.constant 0 : i32
      %dma_wait3A_479 = tpu.memref_slice %arg9[%run_scoped3A_236, %run_scoped3A_237, %dma_wait3A_478] : memref<2x2x2048xi32, #tpu.memory_space<vmem>> -> memref<1x1x2048xi32, #tpu.memory_space<vmem>>
      %dma_wait3A_480 = tpu.memref_squeeze %dma_wait3A_479 : memref<1x1x2048xi32, #tpu.memory_space<vmem>> -> memref<2048xi32, #tpu.memory_space<vmem>>
      %dma_wait3A_481 = tpu.memref_slice %arg4[%mul3A_235] : memref<327680xi32, #tpu.memory_space<hbm>> -> memref<2048xi32, #tpu.memory_space<hbm>>
      tpu.wait_dma2 semaphore(%run_scoped3A_465 : memref<!tpu.dma_semaphore, #tpu.memory_space<semaphore_mem>>) src(%dma_wait3A_481 : memref<2048xi32, #tpu.memory_space<hbm>>) dst(%dma_wait3A_480 : memref<2048xi32, #tpu.memory_space<vmem>>)
      tpu.yield
    }) : () -> ()
    %dma_start3A_238 = arith.constant 1 : i32
    %dma_start3A_239 = arith.constant 0 : i32
    %dma_start3A_240 = arith.constant 1 : i32
    %dma_start3A_241 = arith.constant 0 : i32
    %dma_start3A_242 = arith.constant 0 : i32
    %dma_start3A_243 = tpu.memref_slice %arg10[%dma_start3A_240, %dma_start3A_241, %dma_start3A_242] : memref<2x2048x16xf32, #tpu.memory_space<vmem>> -> memref<1x2048x16xf32, #tpu.memory_space<vmem>>
    %dma_start3A_244 = tpu.memref_squeeze %dma_start3A_243 : memref<1x2048x16xf32, #tpu.memory_space<vmem>> -> memref<2048x16xf32, #tpu.memory_space<vmem>>
    %dma_start3A_245 = arith.constant 0 : i32
    %dma_start3A_246 = tpu.memref_slice %arg9[%dma_start3A_238, %dma_start3A_239, %dma_start3A_245] : memref<2x2x2048xi32, #tpu.memory_space<vmem>> -> memref<1x1x2048xi32, #tpu.memory_space<vmem>>
    %dma_start3A_247 = tpu.memref_squeeze %dma_start3A_246 : memref<1x1x2048xi32, #tpu.memory_space<vmem>> -> memref<2048xi32, #tpu.memory_space<vmem>>
    %dma_start3A_248 = arith.constant 0 : i32
    %dma_start3A_249 = arith.constant 0 : i32
    %dma_start3A_250 = tpu.memref_slice %arg2[%dma_start3A_248, %dma_start3A_249] : memref<10000x16xf32, #tpu.memory_space<hbm>> -> memref<10000x16xf32, #tpu.memory_space<hbm>>
    tpu.enqueue_indirect_dma source(%dma_start3A_250 : memref<10000x16xf32, #tpu.memory_space<hbm>>) target(%dma_start3A_244 : memref<2048x16xf32, #tpu.memory_space<vmem>>) offsets(%dma_start3A_247 : memref<2048xi32, #tpu.memory_space<vmem>>) semaphore(%arg12 : memref<!tpu.dma_semaphore, #tpu.memory_space<semaphore_mem>>)
    %dma_start3A_251 = arith.constant 0 : i32
    %dma_start3A_252 = arith.constant 0 : i32
    %dma_start3A_253 = arith.constant 1 : i32
    %dma_start3A_254 = arith.constant 0 : i32
    %dma_start3A_255 = arith.constant 0 : i32
    %dma_start3A_256 = tpu.memref_slice %arg10[%dma_start3A_251, %dma_start3A_254, %dma_start3A_255] : memref<2x2048x16xf32, #tpu.memory_space<vmem>> -> memref<1x2048x16xf32, #tpu.memory_space<vmem>>
    %dma_start3A_257 = tpu.memref_squeeze %dma_start3A_256 : memref<1x2048x16xf32, #tpu.memory_space<vmem>> -> memref<2048x16xf32, #tpu.memory_space<vmem>>
    %dma_start3A_258 = arith.constant 0 : i32
    %dma_start3A_259 = tpu.memref_slice %arg9[%dma_start3A_252, %dma_start3A_253, %dma_start3A_258] : memref<2x2x2048xi32, #tpu.memory_space<vmem>> -> memref<1x1x2048xi32, #tpu.memory_space<vmem>>
    %dma_start3A_260 = tpu.memref_squeeze %dma_start3A_259 : memref<1x1x2048xi32, #tpu.memory_space<vmem>> -> memref<2048xi32, #tpu.memory_space<vmem>>
    %dma_start3A_261 = arith.constant 0 : i32
    %dma_start3A_262 = arith.constant 0 : i32
    %dma_start3A_263 = tpu.memref_slice %arg11[%dma_start3A_261, %dma_start3A_262] : memref<10240x16xf32, #tpu.memory_space<vmem_shared>> -> memref<10240x16xf32, #tpu.memory_space<vmem_shared>>
    tpu.enqueue_indirect_dma source(%dma_start3A_257 : memref<2048x16xf32, #tpu.memory_space<vmem>>) target(%dma_start3A_263 : memref<10240x16xf32, #tpu.memory_space<vmem_shared>>) offsets(%dma_start3A_260 : memref<2048xi32, #tpu.memory_space<vmem>>) semaphore(%arg13 : memref<!tpu.dma_semaphore, #tpu.memory_space<semaphore_mem>>) {add = true}
    %dma_start3A_264 = arith.constant 0 : i32
    %dma_start3A_265 = arith.constant 1 : i32
    %dma_start3A_266 = arith.constant 0 : i32
    %dma_start3A_267 = tpu.memref_slice %arg9[%dma_start3A_264, %dma_start3A_265, %dma_start3A_266] : memref<2x2x2048xi32, #tpu.memory_space<vmem>> -> memref<1x1x2048xi32, #tpu.memory_space<vmem>>
    %dma_start3A_268 = tpu.memref_squeeze %dma_start3A_267 : memref<1x1x2048xi32, #tpu.memory_space<vmem>> -> memref<2048xi32, #tpu.memory_space<vmem>>
    %dma_start3A_269 = arith.constant 0 : i32
    %dma_start3A_270 = arith.constant 0 : i32
    %dma_start3A_271 = tpu.memref_slice %arg15[%dma_start3A_269, %dma_start3A_270] : memref<10240x16xf32, #tpu.memory_space<vmem_shared>> -> memref<10240x16xf32, #tpu.memory_space<vmem_shared>>
    tpu.enqueue_indirect_dma source(%arg14 : memref<2048x16xf32, #tpu.memory_space<vmem>>) target(%dma_start3A_271 : memref<10240x16xf32, #tpu.memory_space<vmem_shared>>) offsets(%dma_start3A_268 : memref<2048xi32, #tpu.memory_space<vmem>>) semaphore(%arg13 : memref<!tpu.dma_semaphore, #tpu.memory_space<semaphore_mem>>) {add = true}
    %dma_wait3A_272 = arith.constant 0 : i32
    %dma_wait3A_273 = arith.constant 0 : i32
    %dma_wait3A_274 = arith.constant 0 : i32
    %dma_wait3A_275 = tpu.memref_slice %arg10[%dma_wait3A_272, %dma_wait3A_273, %dma_wait3A_274] : memref<2x2048x16xf32, #tpu.memory_space<vmem>> -> memref<1x2048x16xf32, #tpu.memory_space<vmem>>
    %dma_wait3A_276 = tpu.memref_squeeze %dma_wait3A_275 : memref<1x2048x16xf32, #tpu.memory_space<vmem>> -> memref<2048x16xf32, #tpu.memory_space<vmem>>
    %dma_wait3A_277 = arith.constant 0 : i32
    %dma_wait3A_278 = arith.constant 0 : i32
    %dma_wait3A_279 = tpu.memref_slice %arg2[%dma_wait3A_277, %dma_wait3A_278] : memref<10000x16xf32, #tpu.memory_space<hbm>> -> memref<2048x16xf32, #tpu.memory_space<hbm>>
    %dma_wait3A_280 = arith.constant 0 : i32
    %dma_wait3A_281 = arith.constant 0 : i32
    %dma_wait3A_282 = tpu.memref_slice %arg10[%dma_wait3A_272, %dma_wait3A_280, %dma_wait3A_281] : memref<2x2048x16xf32, #tpu.memory_space<vmem>> -> memref<1x2048x16xf32, #tpu.memory_space<vmem>>
    %dma_wait3A_283 = tpu.memref_squeeze %dma_wait3A_282 : memref<1x2048x16xf32, #tpu.memory_space<vmem>> -> memref<2048x16xf32, #tpu.memory_space<vmem>>
    %dma_wait3A_284 = arith.constant 0 : i32
    %dma_wait3A_285 = arith.constant 0 : i32
    %dma_wait3A_286 = tpu.memref_slice %arg2[%dma_wait3A_284, %dma_wait3A_285] : memref<10000x16xf32, #tpu.memory_space<hbm>> -> memref<2048x16xf32, #tpu.memory_space<hbm>>
    tpu.wait_dma2 semaphore(%arg12 : memref<!tpu.dma_semaphore, #tpu.memory_space<semaphore_mem>>) src(%dma_wait3A_286 : memref<2048x16xf32, #tpu.memory_space<hbm>>) dst(%dma_wait3A_283 : memref<2048x16xf32, #tpu.memory_space<vmem>>)
    %dma_wait3A_287 = arith.constant 0 : i32
    %dma_wait3A_288 = arith.constant 0 : i32
    %dma_wait3A_289 = arith.constant 0 : i32
    %dma_wait3A_290 = tpu.memref_slice %arg10[%dma_wait3A_287, %dma_wait3A_288, %dma_wait3A_289] : memref<2x2048x16xf32, #tpu.memory_space<vmem>> -> memref<1x2048x16xf32, #tpu.memory_space<vmem>>
    %dma_wait3A_291 = tpu.memref_squeeze %dma_wait3A_290 : memref<1x2048x16xf32, #tpu.memory_space<vmem>> -> memref<2048x16xf32, #tpu.memory_space<vmem>>
    %dma_wait3A_292 = arith.constant 0 : i32
    %dma_wait3A_293 = arith.constant 0 : i32
    %dma_wait3A_294 = tpu.memref_slice %arg2[%dma_wait3A_292, %dma_wait3A_293] : memref<10000x16xf32, #tpu.memory_space<hbm>> -> memref<2048x16xf32, #tpu.memory_space<hbm>>
    %dma_wait3A_295 = arith.constant 0 : i32
    %dma_wait3A_296 = arith.constant 0 : i32
    %dma_wait3A_297 = tpu.memref_slice %arg10[%dma_wait3A_287, %dma_wait3A_295, %dma_wait3A_296] : memref<2x2048x16xf32, #tpu.memory_space<vmem>> -> memref<1x2048x16xf32, #tpu.memory_space<vmem>>
    %dma_wait3A_298 = tpu.memref_squeeze %dma_wait3A_297 : memref<1x2048x16xf32, #tpu.memory_space<vmem>> -> memref<2048x16xf32, #tpu.memory_space<vmem>>
    %dma_wait3A_299 = arith.constant 0 : i32
    %dma_wait3A_300 = arith.constant 0 : i32
    %dma_wait3A_301 = tpu.memref_slice %arg2[%dma_wait3A_299, %dma_wait3A_300] : memref<10000x16xf32, #tpu.memory_space<hbm>> -> memref<2048x16xf32, #tpu.memory_space<hbm>>
    tpu.wait_dma2 semaphore(%arg13 : memref<!tpu.dma_semaphore, #tpu.memory_space<semaphore_mem>>) src(%dma_wait3A_301 : memref<2048x16xf32, #tpu.memory_space<hbm>>) dst(%dma_wait3A_298 : memref<2048x16xf32, #tpu.memory_space<vmem>>)
    %dma_wait3A_302 = arith.constant 0 : i32
    %dma_wait3A_303 = arith.constant 0 : i32
    %dma_wait3A_304 = arith.constant 0 : i32
    %dma_wait3A_305 = tpu.memref_slice %arg10[%dma_wait3A_302, %dma_wait3A_303, %dma_wait3A_304] : memref<2x2048x16xf32, #tpu.memory_space<vmem>> -> memref<1x2048x16xf32, #tpu.memory_space<vmem>>
    %dma_wait3A_306 = tpu.memref_squeeze %dma_wait3A_305 : memref<1x2048x16xf32, #tpu.memory_space<vmem>> -> memref<2048x16xf32, #tpu.memory_space<vmem>>
    %dma_wait3A_307 = arith.constant 0 : i32
    %dma_wait3A_308 = arith.constant 0 : i32
    %dma_wait3A_309 = tpu.memref_slice %arg2[%dma_wait3A_307, %dma_wait3A_308] : memref<10000x16xf32, #tpu.memory_space<hbm>> -> memref<2048x16xf32, #tpu.memory_space<hbm>>
    %dma_wait3A_310 = arith.constant 0 : i32
    %dma_wait3A_311 = arith.constant 0 : i32
    %dma_wait3A_312 = tpu.memref_slice %arg10[%dma_wait3A_302, %dma_wait3A_310, %dma_wait3A_311] : memref<2x2048x16xf32, #tpu.memory_space<vmem>> -> memref<1x2048x16xf32, #tpu.memory_space<vmem>>
    %dma_wait3A_313 = tpu.memref_squeeze %dma_wait3A_312 : memref<1x2048x16xf32, #tpu.memory_space<vmem>> -> memref<2048x16xf32, #tpu.memory_space<vmem>>
    %dma_wait3A_314 = arith.constant 0 : i32
    %dma_wait3A_315 = arith.constant 0 : i32
    %dma_wait3A_316 = tpu.memref_slice %arg2[%dma_wait3A_314, %dma_wait3A_315] : memref<10000x16xf32, #tpu.memory_space<hbm>> -> memref<2048x16xf32, #tpu.memory_space<hbm>>
    tpu.wait_dma2 semaphore(%arg13 : memref<!tpu.dma_semaphore, #tpu.memory_space<semaphore_mem>>) src(%dma_wait3A_316 : memref<2048x16xf32, #tpu.memory_space<hbm>>) dst(%dma_wait3A_313 : memref<2048x16xf32, #tpu.memory_space<vmem>>)
    %add3A_317 = arith.constant 4 : i32
    %add3A_318 = arith.addi %mul3A_6, %add3A_317 : i32
    %mul3A_319 = arith.constant 2048 : i32
    %mul3A_320 = arith.muli %add3A_318, %mul3A_319 : i32
    %run_scoped3A_321 = arith.constant 0 : i32
    %run_scoped3A_322 = arith.constant 0 : i32
    "tpu.region"() ({
      %run_scoped3A_465 = tpu.sem_alloc : memref<!tpu.dma_semaphore, #tpu.memory_space<semaphore_mem>>
      %dma_start3A_466 = arith.constant 0 : i32
      %dma_start3A_467 = tpu.memref_slice %arg9[%run_scoped3A_321, %run_scoped3A_322, %dma_start3A_466] : memref<2x2x2048xi32, #tpu.memory_space<vmem>> -> memref<1x1x2048xi32, #tpu.memory_space<vmem>>
      %dma_start3A_468 = tpu.memref_squeeze %dma_start3A_467 : memref<1x1x2048xi32, #tpu.memory_space<vmem>> -> memref<2048xi32, #tpu.memory_space<vmem>>
      %dma_start3A_469 = tpu.memref_slice %arg3[%mul3A_320] : memref<327680xi32, #tpu.memory_space<hbm>> -> memref<2048xi32, #tpu.memory_space<hbm>>
      %dma_start3A_470 = arith.constant 0 : i32
      %dma_start3A_471 = tpu.memref_slice %arg9[%run_scoped3A_321, %run_scoped3A_322, %dma_start3A_470] : memref<2x2x2048xi32, #tpu.memory_space<vmem>> -> memref<1x1x2048xi32, #tpu.memory_space<vmem>>
      %dma_start3A_472 = tpu.memref_squeeze %dma_start3A_471 : memref<1x1x2048xi32, #tpu.memory_space<vmem>> -> memref<2048xi32, #tpu.memory_space<vmem>>
      %dma_start3A_473 = tpu.memref_slice %arg3[%mul3A_320] : memref<327680xi32, #tpu.memory_space<hbm>> -> memref<2048xi32, #tpu.memory_space<hbm>>
      tpu.enqueue_dma source(%dma_start3A_473 : memref<2048xi32, #tpu.memory_space<hbm>>) target(%dma_start3A_472 : memref<2048xi32, #tpu.memory_space<vmem>>) target_semaphore(%run_scoped3A_465 : memref<!tpu.dma_semaphore, #tpu.memory_space<semaphore_mem>>)
      %dma_wait3A_474 = arith.constant 0 : i32
      %dma_wait3A_475 = tpu.memref_slice %arg9[%run_scoped3A_321, %run_scoped3A_322, %dma_wait3A_474] : memref<2x2x2048xi32, #tpu.memory_space<vmem>> -> memref<1x1x2048xi32, #tpu.memory_space<vmem>>
      %dma_wait3A_476 = tpu.memref_squeeze %dma_wait3A_475 : memref<1x1x2048xi32, #tpu.memory_space<vmem>> -> memref<2048xi32, #tpu.memory_space<vmem>>
      %dma_wait3A_477 = tpu.memref_slice %arg3[%mul3A_320] : memref<327680xi32, #tpu.memory_space<hbm>> -> memref<2048xi32, #tpu.memory_space<hbm>>
      %dma_wait3A_478 = arith.constant 0 : i32
      %dma_wait3A_479 = tpu.memref_slice %arg9[%run_scoped3A_321, %run_scoped3A_322, %dma_wait3A_478] : memref<2x2x2048xi32, #tpu.memory_space<vmem>> -> memref<1x1x2048xi32, #tpu.memory_space<vmem>>
      %dma_wait3A_480 = tpu.memref_squeeze %dma_wait3A_479 : memref<1x1x2048xi32, #tpu.memory_space<vmem>> -> memref<2048xi32, #tpu.memory_space<vmem>>
      %dma_wait3A_481 = tpu.memref_slice %arg3[%mul3A_320] : memref<327680xi32, #tpu.memory_space<hbm>> -> memref<2048xi32, #tpu.memory_space<hbm>>
      tpu.wait_dma2 semaphore(%run_scoped3A_465 : memref<!tpu.dma_semaphore, #tpu.memory_space<semaphore_mem>>) src(%dma_wait3A_481 : memref<2048xi32, #tpu.memory_space<hbm>>) dst(%dma_wait3A_480 : memref<2048xi32, #tpu.memory_space<vmem>>)
      tpu.yield
    }) : () -> ()
    %add3A_323 = arith.constant 4 : i32
    %add3A_324 = arith.addi %mul3A_6, %add3A_323 : i32
    %mul3A_325 = arith.constant 2048 : i32
    %mul3A_326 = arith.muli %add3A_324, %mul3A_325 : i32
    %run_scoped3A_327 = arith.constant 0 : i32
    %run_scoped3A_328 = arith.constant 1 : i32
    "tpu.region"() ({
      %run_scoped3A_465 = tpu.sem_alloc : memref<!tpu.dma_semaphore, #tpu.memory_space<semaphore_mem>>
      %dma_start3A_466 = arith.constant 0 : i32
      %dma_start3A_467 = tpu.memref_slice %arg9[%run_scoped3A_327, %run_scoped3A_328, %dma_start3A_466] : memref<2x2x2048xi32, #tpu.memory_space<vmem>> -> memref<1x1x2048xi32, #tpu.memory_space<vmem>>
      %dma_start3A_468 = tpu.memref_squeeze %dma_start3A_467 : memref<1x1x2048xi32, #tpu.memory_space<vmem>> -> memref<2048xi32, #tpu.memory_space<vmem>>
      %dma_start3A_469 = tpu.memref_slice %arg4[%mul3A_326] : memref<327680xi32, #tpu.memory_space<hbm>> -> memref<2048xi32, #tpu.memory_space<hbm>>
      %dma_start3A_470 = arith.constant 0 : i32
      %dma_start3A_471 = tpu.memref_slice %arg9[%run_scoped3A_327, %run_scoped3A_328, %dma_start3A_470] : memref<2x2x2048xi32, #tpu.memory_space<vmem>> -> memref<1x1x2048xi32, #tpu.memory_space<vmem>>
      %dma_start3A_472 = tpu.memref_squeeze %dma_start3A_471 : memref<1x1x2048xi32, #tpu.memory_space<vmem>> -> memref<2048xi32, #tpu.memory_space<vmem>>
      %dma_start3A_473 = tpu.memref_slice %arg4[%mul3A_326] : memref<327680xi32, #tpu.memory_space<hbm>> -> memref<2048xi32, #tpu.memory_space<hbm>>
      tpu.enqueue_dma source(%dma_start3A_473 : memref<2048xi32, #tpu.memory_space<hbm>>) target(%dma_start3A_472 : memref<2048xi32, #tpu.memory_space<vmem>>) target_semaphore(%run_scoped3A_465 : memref<!tpu.dma_semaphore, #tpu.memory_space<semaphore_mem>>)
      %dma_wait3A_474 = arith.constant 0 : i32
      %dma_wait3A_475 = tpu.memref_slice %arg9[%run_scoped3A_327, %run_scoped3A_328, %dma_wait3A_474] : memref<2x2x2048xi32, #tpu.memory_space<vmem>> -> memref<1x1x2048xi32, #tpu.memory_space<vmem>>
      %dma_wait3A_476 = tpu.memref_squeeze %dma_wait3A_475 : memref<1x1x2048xi32, #tpu.memory_space<vmem>> -> memref<2048xi32, #tpu.memory_space<vmem>>
      %dma_wait3A_477 = tpu.memref_slice %arg4[%mul3A_326] : memref<327680xi32, #tpu.memory_space<hbm>> -> memref<2048xi32, #tpu.memory_space<hbm>>
      %dma_wait3A_478 = arith.constant 0 : i32
      %dma_wait3A_479 = tpu.memref_slice %arg9[%run_scoped3A_327, %run_scoped3A_328, %dma_wait3A_478] : memref<2x2x2048xi32, #tpu.memory_space<vmem>> -> memref<1x1x2048xi32, #tpu.memory_space<vmem>>
      %dma_wait3A_480 = tpu.memref_squeeze %dma_wait3A_479 : memref<1x1x2048xi32, #tpu.memory_space<vmem>> -> memref<2048xi32, #tpu.memory_space<vmem>>
      %dma_wait3A_481 = tpu.memref_slice %arg4[%mul3A_326] : memref<327680xi32, #tpu.memory_space<hbm>> -> memref<2048xi32, #tpu.memory_space<hbm>>
      tpu.wait_dma2 semaphore(%run_scoped3A_465 : memref<!tpu.dma_semaphore, #tpu.memory_space<semaphore_mem>>) src(%dma_wait3A_481 : memref<2048xi32, #tpu.memory_space<hbm>>) dst(%dma_wait3A_480 : memref<2048xi32, #tpu.memory_space<vmem>>)
      tpu.yield
    }) : () -> ()
    %dma_start3A_329 = arith.constant 0 : i32
    %dma_start3A_330 = arith.constant 0 : i32
    %dma_start3A_331 = arith.constant 0 : i32
    %dma_start3A_332 = arith.constant 0 : i32
    %dma_start3A_333 = arith.constant 0 : i32
    %dma_start3A_334 = tpu.memref_slice %arg10[%dma_start3A_331, %dma_start3A_332, %dma_start3A_333] : memref<2x2048x16xf32, #tpu.memory_space<vmem>> -> memref<1x2048x16xf32, #tpu.memory_space<vmem>>
    %dma_start3A_335 = tpu.memref_squeeze %dma_start3A_334 : memref<1x2048x16xf32, #tpu.memory_space<vmem>> -> memref<2048x16xf32, #tpu.memory_space<vmem>>
    %dma_start3A_336 = arith.constant 0 : i32
    %dma_start3A_337 = tpu.memref_slice %arg9[%dma_start3A_329, %dma_start3A_330, %dma_start3A_336] : memref<2x2x2048xi32, #tpu.memory_space<vmem>> -> memref<1x1x2048xi32, #tpu.memory_space<vmem>>
    %dma_start3A_338 = tpu.memref_squeeze %dma_start3A_337 : memref<1x1x2048xi32, #tpu.memory_space<vmem>> -> memref<2048xi32, #tpu.memory_space<vmem>>
    %dma_start3A_339 = arith.constant 0 : i32
    %dma_start3A_340 = arith.constant 0 : i32
    %dma_start3A_341 = tpu.memref_slice %arg2[%dma_start3A_339, %dma_start3A_340] : memref<10000x16xf32, #tpu.memory_space<hbm>> -> memref<10000x16xf32, #tpu.memory_space<hbm>>
    tpu.enqueue_indirect_dma source(%dma_start3A_341 : memref<10000x16xf32, #tpu.memory_space<hbm>>) target(%dma_start3A_335 : memref<2048x16xf32, #tpu.memory_space<vmem>>) offsets(%dma_start3A_338 : memref<2048xi32, #tpu.memory_space<vmem>>) semaphore(%arg12 : memref<!tpu.dma_semaphore, #tpu.memory_space<semaphore_mem>>)
    %dma_start3A_342 = arith.constant 1 : i32
    %dma_start3A_343 = arith.constant 1 : i32
    %dma_start3A_344 = arith.constant 1 : i32
    %dma_start3A_345 = arith.constant 0 : i32
    %dma_start3A_346 = arith.constant 0 : i32
    %dma_start3A_347 = tpu.memref_slice %arg10[%dma_start3A_342, %dma_start3A_345, %dma_start3A_346] : memref<2x2048x16xf32, #tpu.memory_space<vmem>> -> memref<1x2048x16xf32, #tpu.memory_space<vmem>>
    %dma_start3A_348 = tpu.memref_squeeze %dma_start3A_347 : memref<1x2048x16xf32, #tpu.memory_space<vmem>> -> memref<2048x16xf32, #tpu.memory_space<vmem>>
    %dma_start3A_349 = arith.constant 0 : i32
    %dma_start3A_350 = tpu.memref_slice %arg9[%dma_start3A_343, %dma_start3A_344, %dma_start3A_349] : memref<2x2x2048xi32, #tpu.memory_space<vmem>> -> memref<1x1x2048xi32, #tpu.memory_space<vmem>>
    %dma_start3A_351 = tpu.memref_squeeze %dma_start3A_350 : memref<1x1x2048xi32, #tpu.memory_space<vmem>> -> memref<2048xi32, #tpu.memory_space<vmem>>
    %dma_start3A_352 = arith.constant 0 : i32
    %dma_start3A_353 = arith.constant 0 : i32
    %dma_start3A_354 = tpu.memref_slice %arg11[%dma_start3A_352, %dma_start3A_353] : memref<10240x16xf32, #tpu.memory_space<vmem_shared>> -> memref<10240x16xf32, #tpu.memory_space<vmem_shared>>
    tpu.enqueue_indirect_dma source(%dma_start3A_348 : memref<2048x16xf32, #tpu.memory_space<vmem>>) target(%dma_start3A_354 : memref<10240x16xf32, #tpu.memory_space<vmem_shared>>) offsets(%dma_start3A_351 : memref<2048xi32, #tpu.memory_space<vmem>>) semaphore(%arg13 : memref<!tpu.dma_semaphore, #tpu.memory_space<semaphore_mem>>) {add = true}
    %dma_start3A_355 = arith.constant 1 : i32
    %dma_start3A_356 = arith.constant 1 : i32
    %dma_start3A_357 = arith.constant 0 : i32
    %dma_start3A_358 = tpu.memref_slice %arg9[%dma_start3A_355, %dma_start3A_356, %dma_start3A_357] : memref<2x2x2048xi32, #tpu.memory_space<vmem>> -> memref<1x1x2048xi32, #tpu.memory_space<vmem>>
    %dma_start3A_359 = tpu.memref_squeeze %dma_start3A_358 : memref<1x1x2048xi32, #tpu.memory_space<vmem>> -> memref<2048xi32, #tpu.memory_space<vmem>>
    %dma_start3A_360 = arith.constant 0 : i32
    %dma_start3A_361 = arith.constant 0 : i32
    %dma_start3A_362 = tpu.memref_slice %arg15[%dma_start3A_360, %dma_start3A_361] : memref<10240x16xf32, #tpu.memory_space<vmem_shared>> -> memref<10240x16xf32, #tpu.memory_space<vmem_shared>>
    tpu.enqueue_indirect_dma source(%arg14 : memref<2048x16xf32, #tpu.memory_space<vmem>>) target(%dma_start3A_362 : memref<10240x16xf32, #tpu.memory_space<vmem_shared>>) offsets(%dma_start3A_359 : memref<2048xi32, #tpu.memory_space<vmem>>) semaphore(%arg13 : memref<!tpu.dma_semaphore, #tpu.memory_space<semaphore_mem>>) {add = true}
    %dma_wait3A_363 = arith.constant 0 : i32
    %dma_wait3A_364 = arith.constant 0 : i32
    %dma_wait3A_365 = arith.constant 0 : i32
    %dma_wait3A_366 = tpu.memref_slice %arg10[%dma_wait3A_363, %dma_wait3A_364, %dma_wait3A_365] : memref<2x2048x16xf32, #tpu.memory_space<vmem>> -> memref<1x2048x16xf32, #tpu.memory_space<vmem>>
    %dma_wait3A_367 = tpu.memref_squeeze %dma_wait3A_366 : memref<1x2048x16xf32, #tpu.memory_space<vmem>> -> memref<2048x16xf32, #tpu.memory_space<vmem>>
    %dma_wait3A_368 = arith.constant 0 : i32
    %dma_wait3A_369 = arith.constant 0 : i32
    %dma_wait3A_370 = tpu.memref_slice %arg2[%dma_wait3A_368, %dma_wait3A_369] : memref<10000x16xf32, #tpu.memory_space<hbm>> -> memref<2048x16xf32, #tpu.memory_space<hbm>>
    %dma_wait3A_371 = arith.constant 0 : i32
    %dma_wait3A_372 = arith.constant 0 : i32
    %dma_wait3A_373 = tpu.memref_slice %arg10[%dma_wait3A_363, %dma_wait3A_371, %dma_wait3A_372] : memref<2x2048x16xf32, #tpu.memory_space<vmem>> -> memref<1x2048x16xf32, #tpu.memory_space<vmem>>
    %dma_wait3A_374 = tpu.memref_squeeze %dma_wait3A_373 : memref<1x2048x16xf32, #tpu.memory_space<vmem>> -> memref<2048x16xf32, #tpu.memory_space<vmem>>
    %dma_wait3A_375 = arith.constant 0 : i32
    %dma_wait3A_376 = arith.constant 0 : i32
    %dma_wait3A_377 = tpu.memref_slice %arg2[%dma_wait3A_375, %dma_wait3A_376] : memref<10000x16xf32, #tpu.memory_space<hbm>> -> memref<2048x16xf32, #tpu.memory_space<hbm>>
    tpu.wait_dma2 semaphore(%arg12 : memref<!tpu.dma_semaphore, #tpu.memory_space<semaphore_mem>>) src(%dma_wait3A_377 : memref<2048x16xf32, #tpu.memory_space<hbm>>) dst(%dma_wait3A_374 : memref<2048x16xf32, #tpu.memory_space<vmem>>)
    %dma_wait3A_378 = arith.constant 0 : i32
    %dma_wait3A_379 = arith.constant 0 : i32
    %dma_wait3A_380 = arith.constant 0 : i32
    %dma_wait3A_381 = tpu.memref_slice %arg10[%dma_wait3A_378, %dma_wait3A_379, %dma_wait3A_380] : memref<2x2048x16xf32, #tpu.memory_space<vmem>> -> memref<1x2048x16xf32, #tpu.memory_space<vmem>>
    %dma_wait3A_382 = tpu.memref_squeeze %dma_wait3A_381 : memref<1x2048x16xf32, #tpu.memory_space<vmem>> -> memref<2048x16xf32, #tpu.memory_space<vmem>>
    %dma_wait3A_383 = arith.constant 0 : i32
    %dma_wait3A_384 = arith.constant 0 : i32
    %dma_wait3A_385 = tpu.memref_slice %arg2[%dma_wait3A_383, %dma_wait3A_384] : memref<10000x16xf32, #tpu.memory_space<hbm>> -> memref<2048x16xf32, #tpu.memory_space<hbm>>
    %dma_wait3A_386 = arith.constant 0 : i32
    %dma_wait3A_387 = arith.constant 0 : i32
    %dma_wait3A_388 = tpu.memref_slice %arg10[%dma_wait3A_378, %dma_wait3A_386, %dma_wait3A_387] : memref<2x2048x16xf32, #tpu.memory_space<vmem>> -> memref<1x2048x16xf32, #tpu.memory_space<vmem>>
    %dma_wait3A_389 = tpu.memref_squeeze %dma_wait3A_388 : memref<1x2048x16xf32, #tpu.memory_space<vmem>> -> memref<2048x16xf32, #tpu.memory_space<vmem>>
    %dma_wait3A_390 = arith.constant 0 : i32
    %dma_wait3A_391 = arith.constant 0 : i32
    %dma_wait3A_392 = tpu.memref_slice %arg2[%dma_wait3A_390, %dma_wait3A_391] : memref<10000x16xf32, #tpu.memory_space<hbm>> -> memref<2048x16xf32, #tpu.memory_space<hbm>>
    tpu.wait_dma2 semaphore(%arg13 : memref<!tpu.dma_semaphore, #tpu.memory_space<semaphore_mem>>) src(%dma_wait3A_392 : memref<2048x16xf32, #tpu.memory_space<hbm>>) dst(%dma_wait3A_389 : memref<2048x16xf32, #tpu.memory_space<vmem>>)
    %dma_wait3A_393 = arith.constant 0 : i32
    %dma_wait3A_394 = arith.constant 0 : i32
    %dma_wait3A_395 = arith.constant 0 : i32
    %dma_wait3A_396 = tpu.memref_slice %arg10[%dma_wait3A_393, %dma_wait3A_394, %dma_wait3A_395] : memref<2x2048x16xf32, #tpu.memory_space<vmem>> -> memref<1x2048x16xf32, #tpu.memory_space<vmem>>
    %dma_wait3A_397 = tpu.memref_squeeze %dma_wait3A_396 : memref<1x2048x16xf32, #tpu.memory_space<vmem>> -> memref<2048x16xf32, #tpu.memory_space<vmem>>
    %dma_wait3A_398 = arith.constant 0 : i32
    %dma_wait3A_399 = arith.constant 0 : i32
    %dma_wait3A_400 = tpu.memref_slice %arg2[%dma_wait3A_398, %dma_wait3A_399] : memref<10000x16xf32, #tpu.memory_space<hbm>> -> memref<2048x16xf32, #tpu.memory_space<hbm>>
    %dma_wait3A_401 = arith.constant 0 : i32
    %dma_wait3A_402 = arith.constant 0 : i32
    %dma_wait3A_403 = tpu.memref_slice %arg10[%dma_wait3A_393, %dma_wait3A_401, %dma_wait3A_402] : memref<2x2048x16xf32, #tpu.memory_space<vmem>> -> memref<1x2048x16xf32, #tpu.memory_space<vmem>>
    %dma_wait3A_404 = tpu.memref_squeeze %dma_wait3A_403 : memref<1x2048x16xf32, #tpu.memory_space<vmem>> -> memref<2048x16xf32, #tpu.memory_space<vmem>>
    %dma_wait3A_405 = arith.constant 0 : i32
    %dma_wait3A_406 = arith.constant 0 : i32
    %dma_wait3A_407 = tpu.memref_slice %arg2[%dma_wait3A_405, %dma_wait3A_406] : memref<10000x16xf32, #tpu.memory_space<hbm>> -> memref<2048x16xf32, #tpu.memory_space<hbm>>
    tpu.wait_dma2 semaphore(%arg13 : memref<!tpu.dma_semaphore, #tpu.memory_space<semaphore_mem>>) src(%dma_wait3A_407 : memref<2048x16xf32, #tpu.memory_space<hbm>>) dst(%dma_wait3A_404 : memref<2048x16xf32, #tpu.memory_space<vmem>>)
    %dma_start3A_408 = arith.constant 0 : i32
    %dma_start3A_409 = arith.constant 0 : i32
    %dma_start3A_410 = arith.constant 1 : i32
    %dma_start3A_411 = arith.constant 0 : i32
    %dma_start3A_412 = arith.constant 0 : i32
    %dma_start3A_413 = tpu.memref_slice %arg10[%dma_start3A_408, %dma_start3A_411, %dma_start3A_412] : memref<2x2048x16xf32, #tpu.memory_space<vmem>> -> memref<1x2048x16xf32, #tpu.memory_space<vmem>>
    %dma_start3A_414 = tpu.memref_squeeze %dma_start3A_413 : memref<1x2048x16xf32, #tpu.memory_space<vmem>> -> memref<2048x16xf32, #tpu.memory_space<vmem>>
    %dma_start3A_415 = arith.constant 0 : i32
    %dma_start3A_416 = tpu.memref_slice %arg9[%dma_start3A_409, %dma_start3A_410, %dma_start3A_415] : memref<2x2x2048xi32, #tpu.memory_space<vmem>> -> memref<1x1x2048xi32, #tpu.memory_space<vmem>>
    %dma_start3A_417 = tpu.memref_squeeze %dma_start3A_416 : memref<1x1x2048xi32, #tpu.memory_space<vmem>> -> memref<2048xi32, #tpu.memory_space<vmem>>
    %dma_start3A_418 = arith.constant 0 : i32
    %dma_start3A_419 = arith.constant 0 : i32
    %dma_start3A_420 = tpu.memref_slice %arg11[%dma_start3A_418, %dma_start3A_419] : memref<10240x16xf32, #tpu.memory_space<vmem_shared>> -> memref<10240x16xf32, #tpu.memory_space<vmem_shared>>
    tpu.enqueue_indirect_dma source(%dma_start3A_414 : memref<2048x16xf32, #tpu.memory_space<vmem>>) target(%dma_start3A_420 : memref<10240x16xf32, #tpu.memory_space<vmem_shared>>) offsets(%dma_start3A_417 : memref<2048xi32, #tpu.memory_space<vmem>>) semaphore(%arg13 : memref<!tpu.dma_semaphore, #tpu.memory_space<semaphore_mem>>) {add = true}
    %dma_start3A_421 = arith.constant 0 : i32
    %dma_start3A_422 = arith.constant 1 : i32
    %dma_start3A_423 = arith.constant 0 : i32
    %dma_start3A_424 = tpu.memref_slice %arg9[%dma_start3A_421, %dma_start3A_422, %dma_start3A_423] : memref<2x2x2048xi32, #tpu.memory_space<vmem>> -> memref<1x1x2048xi32, #tpu.memory_space<vmem>>
    %dma_start3A_425 = tpu.memref_squeeze %dma_start3A_424 : memref<1x1x2048xi32, #tpu.memory_space<vmem>> -> memref<2048xi32, #tpu.memory_space<vmem>>
    %dma_start3A_426 = arith.constant 0 : i32
    %dma_start3A_427 = arith.constant 0 : i32
    %dma_start3A_428 = tpu.memref_slice %arg15[%dma_start3A_426, %dma_start3A_427] : memref<10240x16xf32, #tpu.memory_space<vmem_shared>> -> memref<10240x16xf32, #tpu.memory_space<vmem_shared>>
    tpu.enqueue_indirect_dma source(%arg14 : memref<2048x16xf32, #tpu.memory_space<vmem>>) target(%dma_start3A_428 : memref<10240x16xf32, #tpu.memory_space<vmem_shared>>) offsets(%dma_start3A_425 : memref<2048xi32, #tpu.memory_space<vmem>>) semaphore(%arg13 : memref<!tpu.dma_semaphore, #tpu.memory_space<semaphore_mem>>) {add = true}
    %dma_wait3A_429 = arith.constant 0 : i32
    %dma_wait3A_430 = arith.constant 0 : i32
    %dma_wait3A_431 = arith.constant 0 : i32
    %dma_wait3A_432 = tpu.memref_slice %arg10[%dma_wait3A_429, %dma_wait3A_430, %dma_wait3A_431] : memref<2x2048x16xf32, #tpu.memory_space<vmem>> -> memref<1x2048x16xf32, #tpu.memory_space<vmem>>
    %dma_wait3A_433 = tpu.memref_squeeze %dma_wait3A_432 : memref<1x2048x16xf32, #tpu.memory_space<vmem>> -> memref<2048x16xf32, #tpu.memory_space<vmem>>
    %dma_wait3A_434 = arith.constant 0 : i32
    %dma_wait3A_435 = arith.constant 0 : i32
    %dma_wait3A_436 = tpu.memref_slice %arg2[%dma_wait3A_434, %dma_wait3A_435] : memref<10000x16xf32, #tpu.memory_space<hbm>> -> memref<2048x16xf32, #tpu.memory_space<hbm>>
    %dma_wait3A_437 = arith.constant 0 : i32
    %dma_wait3A_438 = arith.constant 0 : i32
    %dma_wait3A_439 = tpu.memref_slice %arg10[%dma_wait3A_429, %dma_wait3A_437, %dma_wait3A_438] : memref<2x2048x16xf32, #tpu.memory_space<vmem>> -> memref<1x2048x16xf32, #tpu.memory_space<vmem>>
    %dma_wait3A_440 = tpu.memref_squeeze %dma_wait3A_439 : memref<1x2048x16xf32, #tpu.memory_space<vmem>> -> memref<2048x16xf32, #tpu.memory_space<vmem>>
    %dma_wait3A_441 = arith.constant 0 : i32
    %dma_wait3A_442 = arith.constant 0 : i32
    %dma_wait3A_443 = tpu.memref_slice %arg2[%dma_wait3A_441, %dma_wait3A_442] : memref<10000x16xf32, #tpu.memory_space<hbm>> -> memref<2048x16xf32, #tpu.memory_space<hbm>>
    tpu.wait_dma2 semaphore(%arg13 : memref<!tpu.dma_semaphore, #tpu.memory_space<semaphore_mem>>) src(%dma_wait3A_443 : memref<2048x16xf32, #tpu.memory_space<hbm>>) dst(%dma_wait3A_440 : memref<2048x16xf32, #tpu.memory_space<vmem>>)
    %dma_wait3A_444 = arith.constant 0 : i32
    %dma_wait3A_445 = arith.constant 0 : i32
    %dma_wait3A_446 = arith.constant 0 : i32
    %dma_wait3A_447 = tpu.memref_slice %arg10[%dma_wait3A_444, %dma_wait3A_445, %dma_wait3A_446] : memref<2x2048x16xf32, #tpu.memory_space<vmem>> -> memref<1x2048x16xf32, #tpu.memory_space<vmem>>
    %dma_wait3A_448 = tpu.memref_squeeze %dma_wait3A_447 : memref<1x2048x16xf32, #tpu.memory_space<vmem>> -> memref<2048x16xf32, #tpu.memory_space<vmem>>
    %dma_wait3A_449 = arith.constant 0 : i32
    %dma_wait3A_450 = arith.constant 0 : i32
    %dma_wait3A_451 = tpu.memref_slice %arg2[%dma_wait3A_449, %dma_wait3A_450] : memref<10000x16xf32, #tpu.memory_space<hbm>> -> memref<2048x16xf32, #tpu.memory_space<hbm>>
    %dma_wait3A_452 = arith.constant 0 : i32
    %dma_wait3A_453 = arith.constant 0 : i32
    %dma_wait3A_454 = tpu.memref_slice %arg10[%dma_wait3A_444, %dma_wait3A_452, %dma_wait3A_453] : memref<2x2048x16xf32, #tpu.memory_space<vmem>> -> memref<1x2048x16xf32, #tpu.memory_space<vmem>>
    %dma_wait3A_455 = tpu.memref_squeeze %dma_wait3A_454 : memref<1x2048x16xf32, #tpu.memory_space<vmem>> -> memref<2048x16xf32, #tpu.memory_space<vmem>>
    %dma_wait3A_456 = arith.constant 0 : i32
    %dma_wait3A_457 = arith.constant 0 : i32
    %dma_wait3A_458 = tpu.memref_slice %arg2[%dma_wait3A_456, %dma_wait3A_457] : memref<10000x16xf32, #tpu.memory_space<hbm>> -> memref<2048x16xf32, #tpu.memory_space<hbm>>
    tpu.wait_dma2 semaphore(%arg13 : memref<!tpu.dma_semaphore, #tpu.memory_space<semaphore_mem>>) src(%dma_wait3A_458 : memref<2048x16xf32, #tpu.memory_space<hbm>>) dst(%dma_wait3A_455 : memref<2048x16xf32, #tpu.memory_space<vmem>>)
    %barrier3A_459 = arith.constant 0 : index
    tpu.barrier barrier_id(%barrier3A_459)
    %lt3A_460 = arith.constant 16 : i32
    %lt3A_461 = arith.cmpi slt, %arg1, %lt3A_460 : i32
    %convert_element_type3A_462 = arith.extui %lt3A_461 : i1 to i32
    %cond3A_463 = arith.constant 0 : i32
    %cond3A_464 = arith.cmpi ne, %convert_element_type3A_462, %cond3A_463 : i32
    scf.if %cond3A_464 {
      "tpu.region"() ({
        %run_scoped3A_465 = tpu.sem_alloc : memref<!tpu.dma_semaphore, #tpu.memory_space<semaphore_mem>>
        %dma_start3A_466 = arith.constant 0 : i32
        %dma_start3A_467 = tpu.memref_slice %arg7[%arg0, %mul3A_2, %dma_start3A_466] : memref<2x10240x16xf32, #tpu.memory_space<hbm>> -> memref<1x640x16xf32, #tpu.memory_space<hbm>>
        %dma_start3A_468 = tpu.memref_squeeze %dma_start3A_467 : memref<1x640x16xf32, #tpu.memory_space<hbm>> -> memref<640x16xf32, #tpu.memory_space<hbm>>
        %dma_start3A_469 = arith.constant 0 : i32
        %dma_start3A_470 = tpu.memref_slice %arg11[%mul3A_2, %dma_start3A_469] : memref<10240x16xf32, #tpu.memory_space<vmem_shared>> -> memref<640x16xf32, #tpu.memory_space<vmem_shared>>
        tpu.enqueue_dma source(%dma_start3A_470 : memref<640x16xf32, #tpu.memory_space<vmem_shared>>) target(%dma_start3A_468 : memref<640x16xf32, #tpu.memory_space<hbm>>) target_semaphore(%run_scoped3A_465 : memref<!tpu.dma_semaphore, #tpu.memory_space<semaphore_mem>>)
        %dma_wait3A_471 = arith.constant 0 : i32
        %dma_wait3A_472 = tpu.memref_slice %arg7[%arg0, %mul3A_2, %dma_wait3A_471] : memref<2x10240x16xf32, #tpu.memory_space<hbm>> -> memref<1x640x16xf32, #tpu.memory_space<hbm>>
        %dma_wait3A_473 = tpu.memref_squeeze %dma_wait3A_472 : memref<1x640x16xf32, #tpu.memory_space<hbm>> -> memref<640x16xf32, #tpu.memory_space<hbm>>
        %dma_wait3A_474 = arith.constant 0 : i32
        %dma_wait3A_475 = tpu.memref_slice %arg11[%mul3A_2, %dma_wait3A_474] : memref<10240x16xf32, #tpu.memory_space<vmem_shared>> -> memref<640x16xf32, #tpu.memory_space<vmem_shared>>
        tpu.wait_dma2 semaphore(%run_scoped3A_465 : memref<!tpu.dma_semaphore, #tpu.memory_space<semaphore_mem>>) src(%dma_wait3A_475 : memref<640x16xf32, #tpu.memory_space<vmem_shared>>) dst(%dma_wait3A_473 : memref<640x16xf32, #tpu.memory_space<hbm>>)
        tpu.yield
      }) : () -> ()
      "tpu.region"() ({
        %run_scoped3A_465 = tpu.sem_alloc : memref<!tpu.dma_semaphore, #tpu.memory_space<semaphore_mem>>
        %dma_start3A_466 = arith.constant 0 : i32
        %dma_start3A_467 = tpu.memref_slice %arg8[%arg0, %mul3A_2, %dma_start3A_466] : memref<2x10240x16xf32, #tpu.memory_space<hbm>> -> memref<1x640x16xf32, #tpu.memory_space<hbm>>
        %dma_start3A_468 = tpu.memref_squeeze %dma_start3A_467 : memref<1x640x16xf32, #tpu.memory_space<hbm>> -> memref<640x16xf32, #tpu.memory_space<hbm>>
        %dma_start3A_469 = arith.constant 0 : i32
        %dma_start3A_470 = tpu.memref_slice %arg15[%mul3A_2, %dma_start3A_469] : memref<10240x16xf32, #tpu.memory_space<vmem_shared>> -> memref<640x16xf32, #tpu.memory_space<vmem_shared>>
        tpu.enqueue_dma source(%dma_start3A_470 : memref<640x16xf32, #tpu.memory_space<vmem_shared>>) target(%dma_start3A_468 : memref<640x16xf32, #tpu.memory_space<hbm>>) target_semaphore(%run_scoped3A_465 : memref<!tpu.dma_semaphore, #tpu.memory_space<semaphore_mem>>)
        %dma_wait3A_471 = arith.constant 0 : i32
        %dma_wait3A_472 = tpu.memref_slice %arg8[%arg0, %mul3A_2, %dma_wait3A_471] : memref<2x10240x16xf32, #tpu.memory_space<hbm>> -> memref<1x640x16xf32, #tpu.memory_space<hbm>>
        %dma_wait3A_473 = tpu.memref_squeeze %dma_wait3A_472 : memref<1x640x16xf32, #tpu.memory_space<hbm>> -> memref<640x16xf32, #tpu.memory_space<hbm>>
        %dma_wait3A_474 = arith.constant 0 : i32
        %dma_wait3A_475 = tpu.memref_slice %arg15[%mul3A_2, %dma_wait3A_474] : memref<10240x16xf32, #tpu.memory_space<vmem_shared>> -> memref<640x16xf32, #tpu.memory_space<vmem_shared>>
        tpu.wait_dma2 semaphore(%run_scoped3A_465 : memref<!tpu.dma_semaphore, #tpu.memory_space<semaphore_mem>>) src(%dma_wait3A_475 : memref<640x16xf32, #tpu.memory_space<vmem_shared>>) dst(%dma_wait3A_473 : memref<640x16xf32, #tpu.memory_space<hbm>>)
        tpu.yield
      }) : () -> ()
    } else {
    }
    return
  }
}

#map = affine_map<(d0, d1) -> (0, 0)>
#map1 = affine_map<(d0, d1) -> (0)>
#map2 = affine_map<(d0, d1) -> (0, 0, 0)>
module attributes {stable_mosaic.version = 14 : i64} {
  func.func @body(%arg0: i32, %arg1: i32, %arg2: memref<10000x16xf32, #tpu.memory_space<hbm>>, %arg3: memref<327680xi32, #tpu.memory_space<hbm>>, %arg4: memref<327680xi32, #tpu.memory_space<hbm>>, %arg5: memref<640x16xf32, #tpu.memory_space<hbm>>, %arg6: memref<2x10240x16xf32, #tpu.memory_space<hbm>>, %arg7: memref<2x2x2048xi32, #tpu.memory_space<vmem>>, %arg8: memref<2x2048x16xf32, #tpu.memory_space<vmem>>, %arg9: memref<10240x16xf32, #tpu.memory_space<vmem_shared>>, %arg10: memref<!tpu.dma_semaphore, #tpu.memory_space<semaphore_mem>>, %arg11: memref<!tpu.dma_semaphore, #tpu.memory_space<semaphore_mem>>) attributes {dimension_semantics = [#tpu.dimension_semantics<core_parallel>, #tpu.dimension_semantics<subcore_parallel>], iteration_bounds = array<i64: 2, 16>, scalar_prefetch = 0 : i64, scratch_operands = 5 : i64, tpu.core_type = #tpu.core_type<sc_vector_subcore>, window_params = [{transform_indices = #map}, {transform_indices = #map1}, {transform_indices = #map1}, {transform_indices = #map}, {transform_indices = #map2}]} {
    %mul3A = arith.constant 16 : i32
    %mul3A_0 = arith.muli %arg0, %mul3A : i32
    %add3A = arith.addi %mul3A_0, %arg1 : i32
    %mul3A_1 = arith.constant 640 : i32
    %mul3A_2 = arith.muli %arg1, %mul3A_1 : i32
    %lt3A = arith.constant 16 : i32
    %lt3A_3 = arith.cmpi slt, %arg1, %lt3A : i32
    %convert_element_type3A = arith.extui %lt3A_3 : i1 to i32
    %cond3A = arith.constant 0 : i32
    %cond3A_4 = arith.cmpi ne, %convert_element_type3A, %cond3A : i32
    scf.if %cond3A_4 {
      "tpu.region"() ({
        %run_scoped3A_350 = tpu.sem_alloc : memref<!tpu.dma_semaphore, #tpu.memory_space<semaphore_mem>>
        %dma_start3A_351 = arith.constant 0 : i32
        %dma_start3A_352 = tpu.memref_slice %arg9[%mul3A_2, %dma_start3A_351] : memref<10240x16xf32, #tpu.memory_space<vmem_shared>> -> memref<640x16xf32, #tpu.memory_space<vmem_shared>>
        tpu.enqueue_dma source(%arg5 : memref<640x16xf32, #tpu.memory_space<hbm>>) target(%dma_start3A_352 : memref<640x16xf32, #tpu.memory_space<vmem_shared>>) target_semaphore(%run_scoped3A_350 : memref<!tpu.dma_semaphore, #tpu.memory_space<semaphore_mem>>)
        %dma_wait3A_353 = arith.constant 0 : i32
        %dma_wait3A_354 = tpu.memref_slice %arg9[%mul3A_2, %dma_wait3A_353] : memref<10240x16xf32, #tpu.memory_space<vmem_shared>> -> memref<640x16xf32, #tpu.memory_space<vmem_shared>>
        tpu.wait_dma2 semaphore(%run_scoped3A_350 : memref<!tpu.dma_semaphore, #tpu.memory_space<semaphore_mem>>) src(%arg5 : memref<640x16xf32, #tpu.memory_space<hbm>>) dst(%dma_wait3A_354 : memref<640x16xf32, #tpu.memory_space<vmem_shared>>)
        tpu.yield
      }) : () -> ()
    } else {
    }
    %barrier3A = arith.constant 0 : index
    tpu.barrier barrier_id(%barrier3A)
    %mul3A_5 = arith.constant 5 : i32
    %mul3A_6 = arith.muli %add3A, %mul3A_5 : i32
    %add3A_7 = arith.constant 0 : i32
    %add3A_8 = arith.addi %mul3A_6, %add3A_7 : i32
    %mul3A_9 = arith.constant 2048 : i32
    %mul3A_10 = arith.muli %add3A_8, %mul3A_9 : i32
    %run_scoped3A = arith.constant 0 : i32
    %run_scoped3A_11 = arith.constant 0 : i32
    "tpu.region"() ({
      %run_scoped3A_350 = tpu.sem_alloc : memref<!tpu.dma_semaphore, #tpu.memory_space<semaphore_mem>>
      %dma_start3A_351 = arith.constant 0 : i32
      %dma_start3A_352 = tpu.memref_slice %arg7[%run_scoped3A, %run_scoped3A_11, %dma_start3A_351] : memref<2x2x2048xi32, #tpu.memory_space<vmem>> -> memref<1x1x2048xi32, #tpu.memory_space<vmem>>
      %dma_start3A_353 = tpu.memref_squeeze %dma_start3A_352 : memref<1x1x2048xi32, #tpu.memory_space<vmem>> -> memref<2048xi32, #tpu.memory_space<vmem>>
      %dma_start3A_354 = tpu.memref_slice %arg3[%mul3A_10] : memref<327680xi32, #tpu.memory_space<hbm>> -> memref<2048xi32, #tpu.memory_space<hbm>>
      %dma_start3A_355 = arith.constant 0 : i32
      %dma_start3A_356 = tpu.memref_slice %arg7[%run_scoped3A, %run_scoped3A_11, %dma_start3A_355] : memref<2x2x2048xi32, #tpu.memory_space<vmem>> -> memref<1x1x2048xi32, #tpu.memory_space<vmem>>
      %dma_start3A_357 = tpu.memref_squeeze %dma_start3A_356 : memref<1x1x2048xi32, #tpu.memory_space<vmem>> -> memref<2048xi32, #tpu.memory_space<vmem>>
      %dma_start3A_358 = tpu.memref_slice %arg3[%mul3A_10] : memref<327680xi32, #tpu.memory_space<hbm>> -> memref<2048xi32, #tpu.memory_space<hbm>>
      tpu.enqueue_dma source(%dma_start3A_358 : memref<2048xi32, #tpu.memory_space<hbm>>) target(%dma_start3A_357 : memref<2048xi32, #tpu.memory_space<vmem>>) target_semaphore(%run_scoped3A_350 : memref<!tpu.dma_semaphore, #tpu.memory_space<semaphore_mem>>)
      %dma_wait3A_359 = arith.constant 0 : i32
      %dma_wait3A_360 = tpu.memref_slice %arg7[%run_scoped3A, %run_scoped3A_11, %dma_wait3A_359] : memref<2x2x2048xi32, #tpu.memory_space<vmem>> -> memref<1x1x2048xi32, #tpu.memory_space<vmem>>
      %dma_wait3A_361 = tpu.memref_squeeze %dma_wait3A_360 : memref<1x1x2048xi32, #tpu.memory_space<vmem>> -> memref<2048xi32, #tpu.memory_space<vmem>>
      %dma_wait3A_362 = tpu.memref_slice %arg3[%mul3A_10] : memref<327680xi32, #tpu.memory_space<hbm>> -> memref<2048xi32, #tpu.memory_space<hbm>>
      %dma_wait3A_363 = arith.constant 0 : i32
      %dma_wait3A_364 = tpu.memref_slice %arg7[%run_scoped3A, %run_scoped3A_11, %dma_wait3A_363] : memref<2x2x2048xi32, #tpu.memory_space<vmem>> -> memref<1x1x2048xi32, #tpu.memory_space<vmem>>
      %dma_wait3A_365 = tpu.memref_squeeze %dma_wait3A_364 : memref<1x1x2048xi32, #tpu.memory_space<vmem>> -> memref<2048xi32, #tpu.memory_space<vmem>>
      %dma_wait3A_366 = tpu.memref_slice %arg3[%mul3A_10] : memref<327680xi32, #tpu.memory_space<hbm>> -> memref<2048xi32, #tpu.memory_space<hbm>>
      tpu.wait_dma2 semaphore(%run_scoped3A_350 : memref<!tpu.dma_semaphore, #tpu.memory_space<semaphore_mem>>) src(%dma_wait3A_366 : memref<2048xi32, #tpu.memory_space<hbm>>) dst(%dma_wait3A_365 : memref<2048xi32, #tpu.memory_space<vmem>>)
      tpu.yield
    }) : () -> ()
    %add3A_12 = arith.constant 0 : i32
    %add3A_13 = arith.addi %mul3A_6, %add3A_12 : i32
    %mul3A_14 = arith.constant 2048 : i32
    %mul3A_15 = arith.muli %add3A_13, %mul3A_14 : i32
    %run_scoped3A_16 = arith.constant 0 : i32
    %run_scoped3A_17 = arith.constant 1 : i32
    "tpu.region"() ({
      %run_scoped3A_350 = tpu.sem_alloc : memref<!tpu.dma_semaphore, #tpu.memory_space<semaphore_mem>>
      %dma_start3A_351 = arith.constant 0 : i32
      %dma_start3A_352 = tpu.memref_slice %arg7[%run_scoped3A_16, %run_scoped3A_17, %dma_start3A_351] : memref<2x2x2048xi32, #tpu.memory_space<vmem>> -> memref<1x1x2048xi32, #tpu.memory_space<vmem>>
      %dma_start3A_353 = tpu.memref_squeeze %dma_start3A_352 : memref<1x1x2048xi32, #tpu.memory_space<vmem>> -> memref<2048xi32, #tpu.memory_space<vmem>>
      %dma_start3A_354 = tpu.memref_slice %arg4[%mul3A_15] : memref<327680xi32, #tpu.memory_space<hbm>> -> memref<2048xi32, #tpu.memory_space<hbm>>
      %dma_start3A_355 = arith.constant 0 : i32
      %dma_start3A_356 = tpu.memref_slice %arg7[%run_scoped3A_16, %run_scoped3A_17, %dma_start3A_355] : memref<2x2x2048xi32, #tpu.memory_space<vmem>> -> memref<1x1x2048xi32, #tpu.memory_space<vmem>>
      %dma_start3A_357 = tpu.memref_squeeze %dma_start3A_356 : memref<1x1x2048xi32, #tpu.memory_space<vmem>> -> memref<2048xi32, #tpu.memory_space<vmem>>
      %dma_start3A_358 = tpu.memref_slice %arg4[%mul3A_15] : memref<327680xi32, #tpu.memory_space<hbm>> -> memref<2048xi32, #tpu.memory_space<hbm>>
      tpu.enqueue_dma source(%dma_start3A_358 : memref<2048xi32, #tpu.memory_space<hbm>>) target(%dma_start3A_357 : memref<2048xi32, #tpu.memory_space<vmem>>) target_semaphore(%run_scoped3A_350 : memref<!tpu.dma_semaphore, #tpu.memory_space<semaphore_mem>>)
      %dma_wait3A_359 = arith.constant 0 : i32
      %dma_wait3A_360 = tpu.memref_slice %arg7[%run_scoped3A_16, %run_scoped3A_17, %dma_wait3A_359] : memref<2x2x2048xi32, #tpu.memory_space<vmem>> -> memref<1x1x2048xi32, #tpu.memory_space<vmem>>
      %dma_wait3A_361 = tpu.memref_squeeze %dma_wait3A_360 : memref<1x1x2048xi32, #tpu.memory_space<vmem>> -> memref<2048xi32, #tpu.memory_space<vmem>>
      %dma_wait3A_362 = tpu.memref_slice %arg4[%mul3A_15] : memref<327680xi32, #tpu.memory_space<hbm>> -> memref<2048xi32, #tpu.memory_space<hbm>>
      %dma_wait3A_363 = arith.constant 0 : i32
      %dma_wait3A_364 = tpu.memref_slice %arg7[%run_scoped3A_16, %run_scoped3A_17, %dma_wait3A_363] : memref<2x2x2048xi32, #tpu.memory_space<vmem>> -> memref<1x1x2048xi32, #tpu.memory_space<vmem>>
      %dma_wait3A_365 = tpu.memref_squeeze %dma_wait3A_364 : memref<1x1x2048xi32, #tpu.memory_space<vmem>> -> memref<2048xi32, #tpu.memory_space<vmem>>
      %dma_wait3A_366 = tpu.memref_slice %arg4[%mul3A_15] : memref<327680xi32, #tpu.memory_space<hbm>> -> memref<2048xi32, #tpu.memory_space<hbm>>
      tpu.wait_dma2 semaphore(%run_scoped3A_350 : memref<!tpu.dma_semaphore, #tpu.memory_space<semaphore_mem>>) src(%dma_wait3A_366 : memref<2048xi32, #tpu.memory_space<hbm>>) dst(%dma_wait3A_365 : memref<2048xi32, #tpu.memory_space<vmem>>)
      tpu.yield
    }) : () -> ()
    %dma_start3A = arith.constant 0 : i32
    %dma_start3A_18 = arith.constant 0 : i32
    %dma_start3A_19 = arith.constant 0 : i32
    %dma_start3A_20 = arith.constant 0 : i32
    %dma_start3A_21 = arith.constant 0 : i32
    %dma_start3A_22 = tpu.memref_slice %arg8[%dma_start3A_19, %dma_start3A_20, %dma_start3A_21] : memref<2x2048x16xf32, #tpu.memory_space<vmem>> -> memref<1x2048x16xf32, #tpu.memory_space<vmem>>
    %dma_start3A_23 = tpu.memref_squeeze %dma_start3A_22 : memref<1x2048x16xf32, #tpu.memory_space<vmem>> -> memref<2048x16xf32, #tpu.memory_space<vmem>>
    %dma_start3A_24 = arith.constant 0 : i32
    %dma_start3A_25 = tpu.memref_slice %arg7[%dma_start3A, %dma_start3A_18, %dma_start3A_24] : memref<2x2x2048xi32, #tpu.memory_space<vmem>> -> memref<1x1x2048xi32, #tpu.memory_space<vmem>>
    %dma_start3A_26 = tpu.memref_squeeze %dma_start3A_25 : memref<1x1x2048xi32, #tpu.memory_space<vmem>> -> memref<2048xi32, #tpu.memory_space<vmem>>
    %dma_start3A_27 = arith.constant 0 : i32
    %dma_start3A_28 = arith.constant 0 : i32
    %dma_start3A_29 = tpu.memref_slice %arg2[%dma_start3A_27, %dma_start3A_28] : memref<10000x16xf32, #tpu.memory_space<hbm>> -> memref<10000x16xf32, #tpu.memory_space<hbm>>
    tpu.enqueue_indirect_dma source(%dma_start3A_29 : memref<10000x16xf32, #tpu.memory_space<hbm>>) target(%dma_start3A_23 : memref<2048x16xf32, #tpu.memory_space<vmem>>) offsets(%dma_start3A_26 : memref<2048xi32, #tpu.memory_space<vmem>>) semaphore(%arg10 : memref<!tpu.dma_semaphore, #tpu.memory_space<semaphore_mem>>)
    %dma_wait3A = arith.constant 0 : i32
    %dma_wait3A_30 = arith.constant 0 : i32
    %dma_wait3A_31 = arith.constant 0 : i32
    %dma_wait3A_32 = tpu.memref_slice %arg8[%dma_wait3A, %dma_wait3A_30, %dma_wait3A_31] : memref<2x2048x16xf32, #tpu.memory_space<vmem>> -> memref<1x2048x16xf32, #tpu.memory_space<vmem>>
    %dma_wait3A_33 = tpu.memref_squeeze %dma_wait3A_32 : memref<1x2048x16xf32, #tpu.memory_space<vmem>> -> memref<2048x16xf32, #tpu.memory_space<vmem>>
    %dma_wait3A_34 = arith.constant 0 : i32
    %dma_wait3A_35 = arith.constant 0 : i32
    %dma_wait3A_36 = tpu.memref_slice %arg2[%dma_wait3A_34, %dma_wait3A_35] : memref<10000x16xf32, #tpu.memory_space<hbm>> -> memref<2048x16xf32, #tpu.memory_space<hbm>>
    %dma_wait3A_37 = arith.constant 0 : i32
    %dma_wait3A_38 = arith.constant 0 : i32
    %dma_wait3A_39 = tpu.memref_slice %arg8[%dma_wait3A, %dma_wait3A_37, %dma_wait3A_38] : memref<2x2048x16xf32, #tpu.memory_space<vmem>> -> memref<1x2048x16xf32, #tpu.memory_space<vmem>>
    %dma_wait3A_40 = tpu.memref_squeeze %dma_wait3A_39 : memref<1x2048x16xf32, #tpu.memory_space<vmem>> -> memref<2048x16xf32, #tpu.memory_space<vmem>>
    %dma_wait3A_41 = arith.constant 0 : i32
    %dma_wait3A_42 = arith.constant 0 : i32
    %dma_wait3A_43 = tpu.memref_slice %arg2[%dma_wait3A_41, %dma_wait3A_42] : memref<10000x16xf32, #tpu.memory_space<hbm>> -> memref<2048x16xf32, #tpu.memory_space<hbm>>
    tpu.wait_dma2 semaphore(%arg10 : memref<!tpu.dma_semaphore, #tpu.memory_space<semaphore_mem>>) src(%dma_wait3A_43 : memref<2048x16xf32, #tpu.memory_space<hbm>>) dst(%dma_wait3A_40 : memref<2048x16xf32, #tpu.memory_space<vmem>>)
    %add3A_44 = arith.constant 1 : i32
    %add3A_45 = arith.addi %mul3A_6, %add3A_44 : i32
    %mul3A_46 = arith.constant 2048 : i32
    %mul3A_47 = arith.muli %add3A_45, %mul3A_46 : i32
    %run_scoped3A_48 = arith.constant 1 : i32
    %run_scoped3A_49 = arith.constant 0 : i32
    "tpu.region"() ({
      %run_scoped3A_350 = tpu.sem_alloc : memref<!tpu.dma_semaphore, #tpu.memory_space<semaphore_mem>>
      %dma_start3A_351 = arith.constant 0 : i32
      %dma_start3A_352 = tpu.memref_slice %arg7[%run_scoped3A_48, %run_scoped3A_49, %dma_start3A_351] : memref<2x2x2048xi32, #tpu.memory_space<vmem>> -> memref<1x1x2048xi32, #tpu.memory_space<vmem>>
      %dma_start3A_353 = tpu.memref_squeeze %dma_start3A_352 : memref<1x1x2048xi32, #tpu.memory_space<vmem>> -> memref<2048xi32, #tpu.memory_space<vmem>>
      %dma_start3A_354 = tpu.memref_slice %arg3[%mul3A_47] : memref<327680xi32, #tpu.memory_space<hbm>> -> memref<2048xi32, #tpu.memory_space<hbm>>
      %dma_start3A_355 = arith.constant 0 : i32
      %dma_start3A_356 = tpu.memref_slice %arg7[%run_scoped3A_48, %run_scoped3A_49, %dma_start3A_355] : memref<2x2x2048xi32, #tpu.memory_space<vmem>> -> memref<1x1x2048xi32, #tpu.memory_space<vmem>>
      %dma_start3A_357 = tpu.memref_squeeze %dma_start3A_356 : memref<1x1x2048xi32, #tpu.memory_space<vmem>> -> memref<2048xi32, #tpu.memory_space<vmem>>
      %dma_start3A_358 = tpu.memref_slice %arg3[%mul3A_47] : memref<327680xi32, #tpu.memory_space<hbm>> -> memref<2048xi32, #tpu.memory_space<hbm>>
      tpu.enqueue_dma source(%dma_start3A_358 : memref<2048xi32, #tpu.memory_space<hbm>>) target(%dma_start3A_357 : memref<2048xi32, #tpu.memory_space<vmem>>) target_semaphore(%run_scoped3A_350 : memref<!tpu.dma_semaphore, #tpu.memory_space<semaphore_mem>>)
      %dma_wait3A_359 = arith.constant 0 : i32
      %dma_wait3A_360 = tpu.memref_slice %arg7[%run_scoped3A_48, %run_scoped3A_49, %dma_wait3A_359] : memref<2x2x2048xi32, #tpu.memory_space<vmem>> -> memref<1x1x2048xi32, #tpu.memory_space<vmem>>
      %dma_wait3A_361 = tpu.memref_squeeze %dma_wait3A_360 : memref<1x1x2048xi32, #tpu.memory_space<vmem>> -> memref<2048xi32, #tpu.memory_space<vmem>>
      %dma_wait3A_362 = tpu.memref_slice %arg3[%mul3A_47] : memref<327680xi32, #tpu.memory_space<hbm>> -> memref<2048xi32, #tpu.memory_space<hbm>>
      %dma_wait3A_363 = arith.constant 0 : i32
      %dma_wait3A_364 = tpu.memref_slice %arg7[%run_scoped3A_48, %run_scoped3A_49, %dma_wait3A_363] : memref<2x2x2048xi32, #tpu.memory_space<vmem>> -> memref<1x1x2048xi32, #tpu.memory_space<vmem>>
      %dma_wait3A_365 = tpu.memref_squeeze %dma_wait3A_364 : memref<1x1x2048xi32, #tpu.memory_space<vmem>> -> memref<2048xi32, #tpu.memory_space<vmem>>
      %dma_wait3A_366 = tpu.memref_slice %arg3[%mul3A_47] : memref<327680xi32, #tpu.memory_space<hbm>> -> memref<2048xi32, #tpu.memory_space<hbm>>
      tpu.wait_dma2 semaphore(%run_scoped3A_350 : memref<!tpu.dma_semaphore, #tpu.memory_space<semaphore_mem>>) src(%dma_wait3A_366 : memref<2048xi32, #tpu.memory_space<hbm>>) dst(%dma_wait3A_365 : memref<2048xi32, #tpu.memory_space<vmem>>)
      tpu.yield
    }) : () -> ()
    %add3A_50 = arith.constant 1 : i32
    %add3A_51 = arith.addi %mul3A_6, %add3A_50 : i32
    %mul3A_52 = arith.constant 2048 : i32
    %mul3A_53 = arith.muli %add3A_51, %mul3A_52 : i32
    %run_scoped3A_54 = arith.constant 1 : i32
    %run_scoped3A_55 = arith.constant 1 : i32
    "tpu.region"() ({
      %run_scoped3A_350 = tpu.sem_alloc : memref<!tpu.dma_semaphore, #tpu.memory_space<semaphore_mem>>
      %dma_start3A_351 = arith.constant 0 : i32
      %dma_start3A_352 = tpu.memref_slice %arg7[%run_scoped3A_54, %run_scoped3A_55, %dma_start3A_351] : memref<2x2x2048xi32, #tpu.memory_space<vmem>> -> memref<1x1x2048xi32, #tpu.memory_space<vmem>>
      %dma_start3A_353 = tpu.memref_squeeze %dma_start3A_352 : memref<1x1x2048xi32, #tpu.memory_space<vmem>> -> memref<2048xi32, #tpu.memory_space<vmem>>
      %dma_start3A_354 = tpu.memref_slice %arg4[%mul3A_53] : memref<327680xi32, #tpu.memory_space<hbm>> -> memref<2048xi32, #tpu.memory_space<hbm>>
      %dma_start3A_355 = arith.constant 0 : i32
      %dma_start3A_356 = tpu.memref_slice %arg7[%run_scoped3A_54, %run_scoped3A_55, %dma_start3A_355] : memref<2x2x2048xi32, #tpu.memory_space<vmem>> -> memref<1x1x2048xi32, #tpu.memory_space<vmem>>
      %dma_start3A_357 = tpu.memref_squeeze %dma_start3A_356 : memref<1x1x2048xi32, #tpu.memory_space<vmem>> -> memref<2048xi32, #tpu.memory_space<vmem>>
      %dma_start3A_358 = tpu.memref_slice %arg4[%mul3A_53] : memref<327680xi32, #tpu.memory_space<hbm>> -> memref<2048xi32, #tpu.memory_space<hbm>>
      tpu.enqueue_dma source(%dma_start3A_358 : memref<2048xi32, #tpu.memory_space<hbm>>) target(%dma_start3A_357 : memref<2048xi32, #tpu.memory_space<vmem>>) target_semaphore(%run_scoped3A_350 : memref<!tpu.dma_semaphore, #tpu.memory_space<semaphore_mem>>)
      %dma_wait3A_359 = arith.constant 0 : i32
      %dma_wait3A_360 = tpu.memref_slice %arg7[%run_scoped3A_54, %run_scoped3A_55, %dma_wait3A_359] : memref<2x2x2048xi32, #tpu.memory_space<vmem>> -> memref<1x1x2048xi32, #tpu.memory_space<vmem>>
      %dma_wait3A_361 = tpu.memref_squeeze %dma_wait3A_360 : memref<1x1x2048xi32, #tpu.memory_space<vmem>> -> memref<2048xi32, #tpu.memory_space<vmem>>
      %dma_wait3A_362 = tpu.memref_slice %arg4[%mul3A_53] : memref<327680xi32, #tpu.memory_space<hbm>> -> memref<2048xi32, #tpu.memory_space<hbm>>
      %dma_wait3A_363 = arith.constant 0 : i32
      %dma_wait3A_364 = tpu.memref_slice %arg7[%run_scoped3A_54, %run_scoped3A_55, %dma_wait3A_363] : memref<2x2x2048xi32, #tpu.memory_space<vmem>> -> memref<1x1x2048xi32, #tpu.memory_space<vmem>>
      %dma_wait3A_365 = tpu.memref_squeeze %dma_wait3A_364 : memref<1x1x2048xi32, #tpu.memory_space<vmem>> -> memref<2048xi32, #tpu.memory_space<vmem>>
      %dma_wait3A_366 = tpu.memref_slice %arg4[%mul3A_53] : memref<327680xi32, #tpu.memory_space<hbm>> -> memref<2048xi32, #tpu.memory_space<hbm>>
      tpu.wait_dma2 semaphore(%run_scoped3A_350 : memref<!tpu.dma_semaphore, #tpu.memory_space<semaphore_mem>>) src(%dma_wait3A_366 : memref<2048xi32, #tpu.memory_space<hbm>>) dst(%dma_wait3A_365 : memref<2048xi32, #tpu.memory_space<vmem>>)
      tpu.yield
    }) : () -> ()
    %dma_start3A_56 = arith.constant 1 : i32
    %dma_start3A_57 = arith.constant 0 : i32
    %dma_start3A_58 = arith.constant 1 : i32
    %dma_start3A_59 = arith.constant 0 : i32
    %dma_start3A_60 = arith.constant 0 : i32
    %dma_start3A_61 = tpu.memref_slice %arg8[%dma_start3A_58, %dma_start3A_59, %dma_start3A_60] : memref<2x2048x16xf32, #tpu.memory_space<vmem>> -> memref<1x2048x16xf32, #tpu.memory_space<vmem>>
    %dma_start3A_62 = tpu.memref_squeeze %dma_start3A_61 : memref<1x2048x16xf32, #tpu.memory_space<vmem>> -> memref<2048x16xf32, #tpu.memory_space<vmem>>
    %dma_start3A_63 = arith.constant 0 : i32
    %dma_start3A_64 = tpu.memref_slice %arg7[%dma_start3A_56, %dma_start3A_57, %dma_start3A_63] : memref<2x2x2048xi32, #tpu.memory_space<vmem>> -> memref<1x1x2048xi32, #tpu.memory_space<vmem>>
    %dma_start3A_65 = tpu.memref_squeeze %dma_start3A_64 : memref<1x1x2048xi32, #tpu.memory_space<vmem>> -> memref<2048xi32, #tpu.memory_space<vmem>>
    %dma_start3A_66 = arith.constant 0 : i32
    %dma_start3A_67 = arith.constant 0 : i32
    %dma_start3A_68 = tpu.memref_slice %arg2[%dma_start3A_66, %dma_start3A_67] : memref<10000x16xf32, #tpu.memory_space<hbm>> -> memref<10000x16xf32, #tpu.memory_space<hbm>>
    tpu.enqueue_indirect_dma source(%dma_start3A_68 : memref<10000x16xf32, #tpu.memory_space<hbm>>) target(%dma_start3A_62 : memref<2048x16xf32, #tpu.memory_space<vmem>>) offsets(%dma_start3A_65 : memref<2048xi32, #tpu.memory_space<vmem>>) semaphore(%arg10 : memref<!tpu.dma_semaphore, #tpu.memory_space<semaphore_mem>>)
    %dma_start3A_69 = arith.constant 0 : i32
    %dma_start3A_70 = arith.constant 0 : i32
    %dma_start3A_71 = arith.constant 1 : i32
    %dma_start3A_72 = arith.constant 0 : i32
    %dma_start3A_73 = arith.constant 0 : i32
    %dma_start3A_74 = tpu.memref_slice %arg8[%dma_start3A_69, %dma_start3A_72, %dma_start3A_73] : memref<2x2048x16xf32, #tpu.memory_space<vmem>> -> memref<1x2048x16xf32, #tpu.memory_space<vmem>>
    %dma_start3A_75 = tpu.memref_squeeze %dma_start3A_74 : memref<1x2048x16xf32, #tpu.memory_space<vmem>> -> memref<2048x16xf32, #tpu.memory_space<vmem>>
    %dma_start3A_76 = arith.constant 0 : i32
    %dma_start3A_77 = tpu.memref_slice %arg7[%dma_start3A_70, %dma_start3A_71, %dma_start3A_76] : memref<2x2x2048xi32, #tpu.memory_space<vmem>> -> memref<1x1x2048xi32, #tpu.memory_space<vmem>>
    %dma_start3A_78 = tpu.memref_squeeze %dma_start3A_77 : memref<1x1x2048xi32, #tpu.memory_space<vmem>> -> memref<2048xi32, #tpu.memory_space<vmem>>
    %dma_start3A_79 = arith.constant 0 : i32
    %dma_start3A_80 = arith.constant 0 : i32
    %dma_start3A_81 = tpu.memref_slice %arg9[%dma_start3A_79, %dma_start3A_80] : memref<10240x16xf32, #tpu.memory_space<vmem_shared>> -> memref<10240x16xf32, #tpu.memory_space<vmem_shared>>
    tpu.enqueue_indirect_dma source(%dma_start3A_75 : memref<2048x16xf32, #tpu.memory_space<vmem>>) target(%dma_start3A_81 : memref<10240x16xf32, #tpu.memory_space<vmem_shared>>) offsets(%dma_start3A_78 : memref<2048xi32, #tpu.memory_space<vmem>>) semaphore(%arg11 : memref<!tpu.dma_semaphore, #tpu.memory_space<semaphore_mem>>) {add = true}
    %dma_wait3A_82 = arith.constant 0 : i32
    %dma_wait3A_83 = arith.constant 0 : i32
    %dma_wait3A_84 = arith.constant 0 : i32
    %dma_wait3A_85 = tpu.memref_slice %arg8[%dma_wait3A_82, %dma_wait3A_83, %dma_wait3A_84] : memref<2x2048x16xf32, #tpu.memory_space<vmem>> -> memref<1x2048x16xf32, #tpu.memory_space<vmem>>
    %dma_wait3A_86 = tpu.memref_squeeze %dma_wait3A_85 : memref<1x2048x16xf32, #tpu.memory_space<vmem>> -> memref<2048x16xf32, #tpu.memory_space<vmem>>
    %dma_wait3A_87 = arith.constant 0 : i32
    %dma_wait3A_88 = arith.constant 0 : i32
    %dma_wait3A_89 = tpu.memref_slice %arg2[%dma_wait3A_87, %dma_wait3A_88] : memref<10000x16xf32, #tpu.memory_space<hbm>> -> memref<2048x16xf32, #tpu.memory_space<hbm>>
    %dma_wait3A_90 = arith.constant 0 : i32
    %dma_wait3A_91 = arith.constant 0 : i32
    %dma_wait3A_92 = tpu.memref_slice %arg8[%dma_wait3A_82, %dma_wait3A_90, %dma_wait3A_91] : memref<2x2048x16xf32, #tpu.memory_space<vmem>> -> memref<1x2048x16xf32, #tpu.memory_space<vmem>>
    %dma_wait3A_93 = tpu.memref_squeeze %dma_wait3A_92 : memref<1x2048x16xf32, #tpu.memory_space<vmem>> -> memref<2048x16xf32, #tpu.memory_space<vmem>>
    %dma_wait3A_94 = arith.constant 0 : i32
    %dma_wait3A_95 = arith.constant 0 : i32
    %dma_wait3A_96 = tpu.memref_slice %arg2[%dma_wait3A_94, %dma_wait3A_95] : memref<10000x16xf32, #tpu.memory_space<hbm>> -> memref<2048x16xf32, #tpu.memory_space<hbm>>
    tpu.wait_dma2 semaphore(%arg10 : memref<!tpu.dma_semaphore, #tpu.memory_space<semaphore_mem>>) src(%dma_wait3A_96 : memref<2048x16xf32, #tpu.memory_space<hbm>>) dst(%dma_wait3A_93 : memref<2048x16xf32, #tpu.memory_space<vmem>>)
    %dma_wait3A_97 = arith.constant 0 : i32
    %dma_wait3A_98 = arith.constant 0 : i32
    %dma_wait3A_99 = arith.constant 0 : i32
    %dma_wait3A_100 = tpu.memref_slice %arg8[%dma_wait3A_97, %dma_wait3A_98, %dma_wait3A_99] : memref<2x2048x16xf32, #tpu.memory_space<vmem>> -> memref<1x2048x16xf32, #tpu.memory_space<vmem>>
    %dma_wait3A_101 = tpu.memref_squeeze %dma_wait3A_100 : memref<1x2048x16xf32, #tpu.memory_space<vmem>> -> memref<2048x16xf32, #tpu.memory_space<vmem>>
    %dma_wait3A_102 = arith.constant 0 : i32
    %dma_wait3A_103 = arith.constant 0 : i32
    %dma_wait3A_104 = tpu.memref_slice %arg2[%dma_wait3A_102, %dma_wait3A_103] : memref<10000x16xf32, #tpu.memory_space<hbm>> -> memref<2048x16xf32, #tpu.memory_space<hbm>>
    %dma_wait3A_105 = arith.constant 0 : i32
    %dma_wait3A_106 = arith.constant 0 : i32
    %dma_wait3A_107 = tpu.memref_slice %arg8[%dma_wait3A_97, %dma_wait3A_105, %dma_wait3A_106] : memref<2x2048x16xf32, #tpu.memory_space<vmem>> -> memref<1x2048x16xf32, #tpu.memory_space<vmem>>
    %dma_wait3A_108 = tpu.memref_squeeze %dma_wait3A_107 : memref<1x2048x16xf32, #tpu.memory_space<vmem>> -> memref<2048x16xf32, #tpu.memory_space<vmem>>
    %dma_wait3A_109 = arith.constant 0 : i32
    %dma_wait3A_110 = arith.constant 0 : i32
    %dma_wait3A_111 = tpu.memref_slice %arg2[%dma_wait3A_109, %dma_wait3A_110] : memref<10000x16xf32, #tpu.memory_space<hbm>> -> memref<2048x16xf32, #tpu.memory_space<hbm>>
    tpu.wait_dma2 semaphore(%arg11 : memref<!tpu.dma_semaphore, #tpu.memory_space<semaphore_mem>>) src(%dma_wait3A_111 : memref<2048x16xf32, #tpu.memory_space<hbm>>) dst(%dma_wait3A_108 : memref<2048x16xf32, #tpu.memory_space<vmem>>)
    %add3A_112 = arith.constant 2 : i32
    %add3A_113 = arith.addi %mul3A_6, %add3A_112 : i32
    %mul3A_114 = arith.constant 2048 : i32
    %mul3A_115 = arith.muli %add3A_113, %mul3A_114 : i32
    %run_scoped3A_116 = arith.constant 0 : i32
    %run_scoped3A_117 = arith.constant 0 : i32
    "tpu.region"() ({
      %run_scoped3A_350 = tpu.sem_alloc : memref<!tpu.dma_semaphore, #tpu.memory_space<semaphore_mem>>
      %dma_start3A_351 = arith.constant 0 : i32
      %dma_start3A_352 = tpu.memref_slice %arg7[%run_scoped3A_116, %run_scoped3A_117, %dma_start3A_351] : memref<2x2x2048xi32, #tpu.memory_space<vmem>> -> memref<1x1x2048xi32, #tpu.memory_space<vmem>>
      %dma_start3A_353 = tpu.memref_squeeze %dma_start3A_352 : memref<1x1x2048xi32, #tpu.memory_space<vmem>> -> memref<2048xi32, #tpu.memory_space<vmem>>
      %dma_start3A_354 = tpu.memref_slice %arg3[%mul3A_115] : memref<327680xi32, #tpu.memory_space<hbm>> -> memref<2048xi32, #tpu.memory_space<hbm>>
      %dma_start3A_355 = arith.constant 0 : i32
      %dma_start3A_356 = tpu.memref_slice %arg7[%run_scoped3A_116, %run_scoped3A_117, %dma_start3A_355] : memref<2x2x2048xi32, #tpu.memory_space<vmem>> -> memref<1x1x2048xi32, #tpu.memory_space<vmem>>
      %dma_start3A_357 = tpu.memref_squeeze %dma_start3A_356 : memref<1x1x2048xi32, #tpu.memory_space<vmem>> -> memref<2048xi32, #tpu.memory_space<vmem>>
      %dma_start3A_358 = tpu.memref_slice %arg3[%mul3A_115] : memref<327680xi32, #tpu.memory_space<hbm>> -> memref<2048xi32, #tpu.memory_space<hbm>>
      tpu.enqueue_dma source(%dma_start3A_358 : memref<2048xi32, #tpu.memory_space<hbm>>) target(%dma_start3A_357 : memref<2048xi32, #tpu.memory_space<vmem>>) target_semaphore(%run_scoped3A_350 : memref<!tpu.dma_semaphore, #tpu.memory_space<semaphore_mem>>)
      %dma_wait3A_359 = arith.constant 0 : i32
      %dma_wait3A_360 = tpu.memref_slice %arg7[%run_scoped3A_116, %run_scoped3A_117, %dma_wait3A_359] : memref<2x2x2048xi32, #tpu.memory_space<vmem>> -> memref<1x1x2048xi32, #tpu.memory_space<vmem>>
      %dma_wait3A_361 = tpu.memref_squeeze %dma_wait3A_360 : memref<1x1x2048xi32, #tpu.memory_space<vmem>> -> memref<2048xi32, #tpu.memory_space<vmem>>
      %dma_wait3A_362 = tpu.memref_slice %arg3[%mul3A_115] : memref<327680xi32, #tpu.memory_space<hbm>> -> memref<2048xi32, #tpu.memory_space<hbm>>
      %dma_wait3A_363 = arith.constant 0 : i32
      %dma_wait3A_364 = tpu.memref_slice %arg7[%run_scoped3A_116, %run_scoped3A_117, %dma_wait3A_363] : memref<2x2x2048xi32, #tpu.memory_space<vmem>> -> memref<1x1x2048xi32, #tpu.memory_space<vmem>>
      %dma_wait3A_365 = tpu.memref_squeeze %dma_wait3A_364 : memref<1x1x2048xi32, #tpu.memory_space<vmem>> -> memref<2048xi32, #tpu.memory_space<vmem>>
      %dma_wait3A_366 = tpu.memref_slice %arg3[%mul3A_115] : memref<327680xi32, #tpu.memory_space<hbm>> -> memref<2048xi32, #tpu.memory_space<hbm>>
      tpu.wait_dma2 semaphore(%run_scoped3A_350 : memref<!tpu.dma_semaphore, #tpu.memory_space<semaphore_mem>>) src(%dma_wait3A_366 : memref<2048xi32, #tpu.memory_space<hbm>>) dst(%dma_wait3A_365 : memref<2048xi32, #tpu.memory_space<vmem>>)
      tpu.yield
    }) : () -> ()
    %add3A_118 = arith.constant 2 : i32
    %add3A_119 = arith.addi %mul3A_6, %add3A_118 : i32
    %mul3A_120 = arith.constant 2048 : i32
    %mul3A_121 = arith.muli %add3A_119, %mul3A_120 : i32
    %run_scoped3A_122 = arith.constant 0 : i32
    %run_scoped3A_123 = arith.constant 1 : i32
    "tpu.region"() ({
      %run_scoped3A_350 = tpu.sem_alloc : memref<!tpu.dma_semaphore, #tpu.memory_space<semaphore_mem>>
      %dma_start3A_351 = arith.constant 0 : i32
      %dma_start3A_352 = tpu.memref_slice %arg7[%run_scoped3A_122, %run_scoped3A_123, %dma_start3A_351] : memref<2x2x2048xi32, #tpu.memory_space<vmem>> -> memref<1x1x2048xi32, #tpu.memory_space<vmem>>
      %dma_start3A_353 = tpu.memref_squeeze %dma_start3A_352 : memref<1x1x2048xi32, #tpu.memory_space<vmem>> -> memref<2048xi32, #tpu.memory_space<vmem>>
      %dma_start3A_354 = tpu.memref_slice %arg4[%mul3A_121] : memref<327680xi32, #tpu.memory_space<hbm>> -> memref<2048xi32, #tpu.memory_space<hbm>>
      %dma_start3A_355 = arith.constant 0 : i32
      %dma_start3A_356 = tpu.memref_slice %arg7[%run_scoped3A_122, %run_scoped3A_123, %dma_start3A_355] : memref<2x2x2048xi32, #tpu.memory_space<vmem>> -> memref<1x1x2048xi32, #tpu.memory_space<vmem>>
      %dma_start3A_357 = tpu.memref_squeeze %dma_start3A_356 : memref<1x1x2048xi32, #tpu.memory_space<vmem>> -> memref<2048xi32, #tpu.memory_space<vmem>>
      %dma_start3A_358 = tpu.memref_slice %arg4[%mul3A_121] : memref<327680xi32, #tpu.memory_space<hbm>> -> memref<2048xi32, #tpu.memory_space<hbm>>
      tpu.enqueue_dma source(%dma_start3A_358 : memref<2048xi32, #tpu.memory_space<hbm>>) target(%dma_start3A_357 : memref<2048xi32, #tpu.memory_space<vmem>>) target_semaphore(%run_scoped3A_350 : memref<!tpu.dma_semaphore, #tpu.memory_space<semaphore_mem>>)
      %dma_wait3A_359 = arith.constant 0 : i32
      %dma_wait3A_360 = tpu.memref_slice %arg7[%run_scoped3A_122, %run_scoped3A_123, %dma_wait3A_359] : memref<2x2x2048xi32, #tpu.memory_space<vmem>> -> memref<1x1x2048xi32, #tpu.memory_space<vmem>>
      %dma_wait3A_361 = tpu.memref_squeeze %dma_wait3A_360 : memref<1x1x2048xi32, #tpu.memory_space<vmem>> -> memref<2048xi32, #tpu.memory_space<vmem>>
      %dma_wait3A_362 = tpu.memref_slice %arg4[%mul3A_121] : memref<327680xi32, #tpu.memory_space<hbm>> -> memref<2048xi32, #tpu.memory_space<hbm>>
      %dma_wait3A_363 = arith.constant 0 : i32
      %dma_wait3A_364 = tpu.memref_slice %arg7[%run_scoped3A_122, %run_scoped3A_123, %dma_wait3A_363] : memref<2x2x2048xi32, #tpu.memory_space<vmem>> -> memref<1x1x2048xi32, #tpu.memory_space<vmem>>
      %dma_wait3A_365 = tpu.memref_squeeze %dma_wait3A_364 : memref<1x1x2048xi32, #tpu.memory_space<vmem>> -> memref<2048xi32, #tpu.memory_space<vmem>>
      %dma_wait3A_366 = tpu.memref_slice %arg4[%mul3A_121] : memref<327680xi32, #tpu.memory_space<hbm>> -> memref<2048xi32, #tpu.memory_space<hbm>>
      tpu.wait_dma2 semaphore(%run_scoped3A_350 : memref<!tpu.dma_semaphore, #tpu.memory_space<semaphore_mem>>) src(%dma_wait3A_366 : memref<2048xi32, #tpu.memory_space<hbm>>) dst(%dma_wait3A_365 : memref<2048xi32, #tpu.memory_space<vmem>>)
      tpu.yield
    }) : () -> ()
    %dma_start3A_124 = arith.constant 0 : i32
    %dma_start3A_125 = arith.constant 0 : i32
    %dma_start3A_126 = arith.constant 0 : i32
    %dma_start3A_127 = arith.constant 0 : i32
    %dma_start3A_128 = arith.constant 0 : i32
    %dma_start3A_129 = tpu.memref_slice %arg8[%dma_start3A_126, %dma_start3A_127, %dma_start3A_128] : memref<2x2048x16xf32, #tpu.memory_space<vmem>> -> memref<1x2048x16xf32, #tpu.memory_space<vmem>>
    %dma_start3A_130 = tpu.memref_squeeze %dma_start3A_129 : memref<1x2048x16xf32, #tpu.memory_space<vmem>> -> memref<2048x16xf32, #tpu.memory_space<vmem>>
    %dma_start3A_131 = arith.constant 0 : i32
    %dma_start3A_132 = tpu.memref_slice %arg7[%dma_start3A_124, %dma_start3A_125, %dma_start3A_131] : memref<2x2x2048xi32, #tpu.memory_space<vmem>> -> memref<1x1x2048xi32, #tpu.memory_space<vmem>>
    %dma_start3A_133 = tpu.memref_squeeze %dma_start3A_132 : memref<1x1x2048xi32, #tpu.memory_space<vmem>> -> memref<2048xi32, #tpu.memory_space<vmem>>
    %dma_start3A_134 = arith.constant 0 : i32
    %dma_start3A_135 = arith.constant 0 : i32
    %dma_start3A_136 = tpu.memref_slice %arg2[%dma_start3A_134, %dma_start3A_135] : memref<10000x16xf32, #tpu.memory_space<hbm>> -> memref<10000x16xf32, #tpu.memory_space<hbm>>
    tpu.enqueue_indirect_dma source(%dma_start3A_136 : memref<10000x16xf32, #tpu.memory_space<hbm>>) target(%dma_start3A_130 : memref<2048x16xf32, #tpu.memory_space<vmem>>) offsets(%dma_start3A_133 : memref<2048xi32, #tpu.memory_space<vmem>>) semaphore(%arg10 : memref<!tpu.dma_semaphore, #tpu.memory_space<semaphore_mem>>)
    %dma_start3A_137 = arith.constant 1 : i32
    %dma_start3A_138 = arith.constant 1 : i32
    %dma_start3A_139 = arith.constant 1 : i32
    %dma_start3A_140 = arith.constant 0 : i32
    %dma_start3A_141 = arith.constant 0 : i32
    %dma_start3A_142 = tpu.memref_slice %arg8[%dma_start3A_137, %dma_start3A_140, %dma_start3A_141] : memref<2x2048x16xf32, #tpu.memory_space<vmem>> -> memref<1x2048x16xf32, #tpu.memory_space<vmem>>
    %dma_start3A_143 = tpu.memref_squeeze %dma_start3A_142 : memref<1x2048x16xf32, #tpu.memory_space<vmem>> -> memref<2048x16xf32, #tpu.memory_space<vmem>>
    %dma_start3A_144 = arith.constant 0 : i32
    %dma_start3A_145 = tpu.memref_slice %arg7[%dma_start3A_138, %dma_start3A_139, %dma_start3A_144] : memref<2x2x2048xi32, #tpu.memory_space<vmem>> -> memref<1x1x2048xi32, #tpu.memory_space<vmem>>
    %dma_start3A_146 = tpu.memref_squeeze %dma_start3A_145 : memref<1x1x2048xi32, #tpu.memory_space<vmem>> -> memref<2048xi32, #tpu.memory_space<vmem>>
    %dma_start3A_147 = arith.constant 0 : i32
    %dma_start3A_148 = arith.constant 0 : i32
    %dma_start3A_149 = tpu.memref_slice %arg9[%dma_start3A_147, %dma_start3A_148] : memref<10240x16xf32, #tpu.memory_space<vmem_shared>> -> memref<10240x16xf32, #tpu.memory_space<vmem_shared>>
    tpu.enqueue_indirect_dma source(%dma_start3A_143 : memref<2048x16xf32, #tpu.memory_space<vmem>>) target(%dma_start3A_149 : memref<10240x16xf32, #tpu.memory_space<vmem_shared>>) offsets(%dma_start3A_146 : memref<2048xi32, #tpu.memory_space<vmem>>) semaphore(%arg11 : memref<!tpu.dma_semaphore, #tpu.memory_space<semaphore_mem>>) {add = true}
    %dma_wait3A_150 = arith.constant 0 : i32
    %dma_wait3A_151 = arith.constant 0 : i32
    %dma_wait3A_152 = arith.constant 0 : i32
    %dma_wait3A_153 = tpu.memref_slice %arg8[%dma_wait3A_150, %dma_wait3A_151, %dma_wait3A_152] : memref<2x2048x16xf32, #tpu.memory_space<vmem>> -> memref<1x2048x16xf32, #tpu.memory_space<vmem>>
    %dma_wait3A_154 = tpu.memref_squeeze %dma_wait3A_153 : memref<1x2048x16xf32, #tpu.memory_space<vmem>> -> memref<2048x16xf32, #tpu.memory_space<vmem>>
    %dma_wait3A_155 = arith.constant 0 : i32
    %dma_wait3A_156 = arith.constant 0 : i32
    %dma_wait3A_157 = tpu.memref_slice %arg2[%dma_wait3A_155, %dma_wait3A_156] : memref<10000x16xf32, #tpu.memory_space<hbm>> -> memref<2048x16xf32, #tpu.memory_space<hbm>>
    %dma_wait3A_158 = arith.constant 0 : i32
    %dma_wait3A_159 = arith.constant 0 : i32
    %dma_wait3A_160 = tpu.memref_slice %arg8[%dma_wait3A_150, %dma_wait3A_158, %dma_wait3A_159] : memref<2x2048x16xf32, #tpu.memory_space<vmem>> -> memref<1x2048x16xf32, #tpu.memory_space<vmem>>
    %dma_wait3A_161 = tpu.memref_squeeze %dma_wait3A_160 : memref<1x2048x16xf32, #tpu.memory_space<vmem>> -> memref<2048x16xf32, #tpu.memory_space<vmem>>
    %dma_wait3A_162 = arith.constant 0 : i32
    %dma_wait3A_163 = arith.constant 0 : i32
    %dma_wait3A_164 = tpu.memref_slice %arg2[%dma_wait3A_162, %dma_wait3A_163] : memref<10000x16xf32, #tpu.memory_space<hbm>> -> memref<2048x16xf32, #tpu.memory_space<hbm>>
    tpu.wait_dma2 semaphore(%arg10 : memref<!tpu.dma_semaphore, #tpu.memory_space<semaphore_mem>>) src(%dma_wait3A_164 : memref<2048x16xf32, #tpu.memory_space<hbm>>) dst(%dma_wait3A_161 : memref<2048x16xf32, #tpu.memory_space<vmem>>)
    %dma_wait3A_165 = arith.constant 0 : i32
    %dma_wait3A_166 = arith.constant 0 : i32
    %dma_wait3A_167 = arith.constant 0 : i32
    %dma_wait3A_168 = tpu.memref_slice %arg8[%dma_wait3A_165, %dma_wait3A_166, %dma_wait3A_167] : memref<2x2048x16xf32, #tpu.memory_space<vmem>> -> memref<1x2048x16xf32, #tpu.memory_space<vmem>>
    %dma_wait3A_169 = tpu.memref_squeeze %dma_wait3A_168 : memref<1x2048x16xf32, #tpu.memory_space<vmem>> -> memref<2048x16xf32, #tpu.memory_space<vmem>>
    %dma_wait3A_170 = arith.constant 0 : i32
    %dma_wait3A_171 = arith.constant 0 : i32
    %dma_wait3A_172 = tpu.memref_slice %arg2[%dma_wait3A_170, %dma_wait3A_171] : memref<10000x16xf32, #tpu.memory_space<hbm>> -> memref<2048x16xf32, #tpu.memory_space<hbm>>
    %dma_wait3A_173 = arith.constant 0 : i32
    %dma_wait3A_174 = arith.constant 0 : i32
    %dma_wait3A_175 = tpu.memref_slice %arg8[%dma_wait3A_165, %dma_wait3A_173, %dma_wait3A_174] : memref<2x2048x16xf32, #tpu.memory_space<vmem>> -> memref<1x2048x16xf32, #tpu.memory_space<vmem>>
    %dma_wait3A_176 = tpu.memref_squeeze %dma_wait3A_175 : memref<1x2048x16xf32, #tpu.memory_space<vmem>> -> memref<2048x16xf32, #tpu.memory_space<vmem>>
    %dma_wait3A_177 = arith.constant 0 : i32
    %dma_wait3A_178 = arith.constant 0 : i32
    %dma_wait3A_179 = tpu.memref_slice %arg2[%dma_wait3A_177, %dma_wait3A_178] : memref<10000x16xf32, #tpu.memory_space<hbm>> -> memref<2048x16xf32, #tpu.memory_space<hbm>>
    tpu.wait_dma2 semaphore(%arg11 : memref<!tpu.dma_semaphore, #tpu.memory_space<semaphore_mem>>) src(%dma_wait3A_179 : memref<2048x16xf32, #tpu.memory_space<hbm>>) dst(%dma_wait3A_176 : memref<2048x16xf32, #tpu.memory_space<vmem>>)
    %add3A_180 = arith.constant 3 : i32
    %add3A_181 = arith.addi %mul3A_6, %add3A_180 : i32
    %mul3A_182 = arith.constant 2048 : i32
    %mul3A_183 = arith.muli %add3A_181, %mul3A_182 : i32
    %run_scoped3A_184 = arith.constant 1 : i32
    %run_scoped3A_185 = arith.constant 0 : i32
    "tpu.region"() ({
      %run_scoped3A_350 = tpu.sem_alloc : memref<!tpu.dma_semaphore, #tpu.memory_space<semaphore_mem>>
      %dma_start3A_351 = arith.constant 0 : i32
      %dma_start3A_352 = tpu.memref_slice %arg7[%run_scoped3A_184, %run_scoped3A_185, %dma_start3A_351] : memref<2x2x2048xi32, #tpu.memory_space<vmem>> -> memref<1x1x2048xi32, #tpu.memory_space<vmem>>
      %dma_start3A_353 = tpu.memref_squeeze %dma_start3A_352 : memref<1x1x2048xi32, #tpu.memory_space<vmem>> -> memref<2048xi32, #tpu.memory_space<vmem>>
      %dma_start3A_354 = tpu.memref_slice %arg3[%mul3A_183] : memref<327680xi32, #tpu.memory_space<hbm>> -> memref<2048xi32, #tpu.memory_space<hbm>>
      %dma_start3A_355 = arith.constant 0 : i32
      %dma_start3A_356 = tpu.memref_slice %arg7[%run_scoped3A_184, %run_scoped3A_185, %dma_start3A_355] : memref<2x2x2048xi32, #tpu.memory_space<vmem>> -> memref<1x1x2048xi32, #tpu.memory_space<vmem>>
      %dma_start3A_357 = tpu.memref_squeeze %dma_start3A_356 : memref<1x1x2048xi32, #tpu.memory_space<vmem>> -> memref<2048xi32, #tpu.memory_space<vmem>>
      %dma_start3A_358 = tpu.memref_slice %arg3[%mul3A_183] : memref<327680xi32, #tpu.memory_space<hbm>> -> memref<2048xi32, #tpu.memory_space<hbm>>
      tpu.enqueue_dma source(%dma_start3A_358 : memref<2048xi32, #tpu.memory_space<hbm>>) target(%dma_start3A_357 : memref<2048xi32, #tpu.memory_space<vmem>>) target_semaphore(%run_scoped3A_350 : memref<!tpu.dma_semaphore, #tpu.memory_space<semaphore_mem>>)
      %dma_wait3A_359 = arith.constant 0 : i32
      %dma_wait3A_360 = tpu.memref_slice %arg7[%run_scoped3A_184, %run_scoped3A_185, %dma_wait3A_359] : memref<2x2x2048xi32, #tpu.memory_space<vmem>> -> memref<1x1x2048xi32, #tpu.memory_space<vmem>>
      %dma_wait3A_361 = tpu.memref_squeeze %dma_wait3A_360 : memref<1x1x2048xi32, #tpu.memory_space<vmem>> -> memref<2048xi32, #tpu.memory_space<vmem>>
      %dma_wait3A_362 = tpu.memref_slice %arg3[%mul3A_183] : memref<327680xi32, #tpu.memory_space<hbm>> -> memref<2048xi32, #tpu.memory_space<hbm>>
      %dma_wait3A_363 = arith.constant 0 : i32
      %dma_wait3A_364 = tpu.memref_slice %arg7[%run_scoped3A_184, %run_scoped3A_185, %dma_wait3A_363] : memref<2x2x2048xi32, #tpu.memory_space<vmem>> -> memref<1x1x2048xi32, #tpu.memory_space<vmem>>
      %dma_wait3A_365 = tpu.memref_squeeze %dma_wait3A_364 : memref<1x1x2048xi32, #tpu.memory_space<vmem>> -> memref<2048xi32, #tpu.memory_space<vmem>>
      %dma_wait3A_366 = tpu.memref_slice %arg3[%mul3A_183] : memref<327680xi32, #tpu.memory_space<hbm>> -> memref<2048xi32, #tpu.memory_space<hbm>>
      tpu.wait_dma2 semaphore(%run_scoped3A_350 : memref<!tpu.dma_semaphore, #tpu.memory_space<semaphore_mem>>) src(%dma_wait3A_366 : memref<2048xi32, #tpu.memory_space<hbm>>) dst(%dma_wait3A_365 : memref<2048xi32, #tpu.memory_space<vmem>>)
      tpu.yield
    }) : () -> ()
    %add3A_186 = arith.constant 3 : i32
    %add3A_187 = arith.addi %mul3A_6, %add3A_186 : i32
    %mul3A_188 = arith.constant 2048 : i32
    %mul3A_189 = arith.muli %add3A_187, %mul3A_188 : i32
    %run_scoped3A_190 = arith.constant 1 : i32
    %run_scoped3A_191 = arith.constant 1 : i32
    "tpu.region"() ({
      %run_scoped3A_350 = tpu.sem_alloc : memref<!tpu.dma_semaphore, #tpu.memory_space<semaphore_mem>>
      %dma_start3A_351 = arith.constant 0 : i32
      %dma_start3A_352 = tpu.memref_slice %arg7[%run_scoped3A_190, %run_scoped3A_191, %dma_start3A_351] : memref<2x2x2048xi32, #tpu.memory_space<vmem>> -> memref<1x1x2048xi32, #tpu.memory_space<vmem>>
      %dma_start3A_353 = tpu.memref_squeeze %dma_start3A_352 : memref<1x1x2048xi32, #tpu.memory_space<vmem>> -> memref<2048xi32, #tpu.memory_space<vmem>>
      %dma_start3A_354 = tpu.memref_slice %arg4[%mul3A_189] : memref<327680xi32, #tpu.memory_space<hbm>> -> memref<2048xi32, #tpu.memory_space<hbm>>
      %dma_start3A_355 = arith.constant 0 : i32
      %dma_start3A_356 = tpu.memref_slice %arg7[%run_scoped3A_190, %run_scoped3A_191, %dma_start3A_355] : memref<2x2x2048xi32, #tpu.memory_space<vmem>> -> memref<1x1x2048xi32, #tpu.memory_space<vmem>>
      %dma_start3A_357 = tpu.memref_squeeze %dma_start3A_356 : memref<1x1x2048xi32, #tpu.memory_space<vmem>> -> memref<2048xi32, #tpu.memory_space<vmem>>
      %dma_start3A_358 = tpu.memref_slice %arg4[%mul3A_189] : memref<327680xi32, #tpu.memory_space<hbm>> -> memref<2048xi32, #tpu.memory_space<hbm>>
      tpu.enqueue_dma source(%dma_start3A_358 : memref<2048xi32, #tpu.memory_space<hbm>>) target(%dma_start3A_357 : memref<2048xi32, #tpu.memory_space<vmem>>) target_semaphore(%run_scoped3A_350 : memref<!tpu.dma_semaphore, #tpu.memory_space<semaphore_mem>>)
      %dma_wait3A_359 = arith.constant 0 : i32
      %dma_wait3A_360 = tpu.memref_slice %arg7[%run_scoped3A_190, %run_scoped3A_191, %dma_wait3A_359] : memref<2x2x2048xi32, #tpu.memory_space<vmem>> -> memref<1x1x2048xi32, #tpu.memory_space<vmem>>
      %dma_wait3A_361 = tpu.memref_squeeze %dma_wait3A_360 : memref<1x1x2048xi32, #tpu.memory_space<vmem>> -> memref<2048xi32, #tpu.memory_space<vmem>>
      %dma_wait3A_362 = tpu.memref_slice %arg4[%mul3A_189] : memref<327680xi32, #tpu.memory_space<hbm>> -> memref<2048xi32, #tpu.memory_space<hbm>>
      %dma_wait3A_363 = arith.constant 0 : i32
      %dma_wait3A_364 = tpu.memref_slice %arg7[%run_scoped3A_190, %run_scoped3A_191, %dma_wait3A_363] : memref<2x2x2048xi32, #tpu.memory_space<vmem>> -> memref<1x1x2048xi32, #tpu.memory_space<vmem>>
      %dma_wait3A_365 = tpu.memref_squeeze %dma_wait3A_364 : memref<1x1x2048xi32, #tpu.memory_space<vmem>> -> memref<2048xi32, #tpu.memory_space<vmem>>
      %dma_wait3A_366 = tpu.memref_slice %arg4[%mul3A_189] : memref<327680xi32, #tpu.memory_space<hbm>> -> memref<2048xi32, #tpu.memory_space<hbm>>
      tpu.wait_dma2 semaphore(%run_scoped3A_350 : memref<!tpu.dma_semaphore, #tpu.memory_space<semaphore_mem>>) src(%dma_wait3A_366 : memref<2048xi32, #tpu.memory_space<hbm>>) dst(%dma_wait3A_365 : memref<2048xi32, #tpu.memory_space<vmem>>)
      tpu.yield
    }) : () -> ()
    %dma_start3A_192 = arith.constant 1 : i32
    %dma_start3A_193 = arith.constant 0 : i32
    %dma_start3A_194 = arith.constant 1 : i32
    %dma_start3A_195 = arith.constant 0 : i32
    %dma_start3A_196 = arith.constant 0 : i32
    %dma_start3A_197 = tpu.memref_slice %arg8[%dma_start3A_194, %dma_start3A_195, %dma_start3A_196] : memref<2x2048x16xf32, #tpu.memory_space<vmem>> -> memref<1x2048x16xf32, #tpu.memory_space<vmem>>
    %dma_start3A_198 = tpu.memref_squeeze %dma_start3A_197 : memref<1x2048x16xf32, #tpu.memory_space<vmem>> -> memref<2048x16xf32, #tpu.memory_space<vmem>>
    %dma_start3A_199 = arith.constant 0 : i32
    %dma_start3A_200 = tpu.memref_slice %arg7[%dma_start3A_192, %dma_start3A_193, %dma_start3A_199] : memref<2x2x2048xi32, #tpu.memory_space<vmem>> -> memref<1x1x2048xi32, #tpu.memory_space<vmem>>
    %dma_start3A_201 = tpu.memref_squeeze %dma_start3A_200 : memref<1x1x2048xi32, #tpu.memory_space<vmem>> -> memref<2048xi32, #tpu.memory_space<vmem>>
    %dma_start3A_202 = arith.constant 0 : i32
    %dma_start3A_203 = arith.constant 0 : i32
    %dma_start3A_204 = tpu.memref_slice %arg2[%dma_start3A_202, %dma_start3A_203] : memref<10000x16xf32, #tpu.memory_space<hbm>> -> memref<10000x16xf32, #tpu.memory_space<hbm>>
    tpu.enqueue_indirect_dma source(%dma_start3A_204 : memref<10000x16xf32, #tpu.memory_space<hbm>>) target(%dma_start3A_198 : memref<2048x16xf32, #tpu.memory_space<vmem>>) offsets(%dma_start3A_201 : memref<2048xi32, #tpu.memory_space<vmem>>) semaphore(%arg10 : memref<!tpu.dma_semaphore, #tpu.memory_space<semaphore_mem>>)
    %dma_start3A_205 = arith.constant 0 : i32
    %dma_start3A_206 = arith.constant 0 : i32
    %dma_start3A_207 = arith.constant 1 : i32
    %dma_start3A_208 = arith.constant 0 : i32
    %dma_start3A_209 = arith.constant 0 : i32
    %dma_start3A_210 = tpu.memref_slice %arg8[%dma_start3A_205, %dma_start3A_208, %dma_start3A_209] : memref<2x2048x16xf32, #tpu.memory_space<vmem>> -> memref<1x2048x16xf32, #tpu.memory_space<vmem>>
    %dma_start3A_211 = tpu.memref_squeeze %dma_start3A_210 : memref<1x2048x16xf32, #tpu.memory_space<vmem>> -> memref<2048x16xf32, #tpu.memory_space<vmem>>
    %dma_start3A_212 = arith.constant 0 : i32
    %dma_start3A_213 = tpu.memref_slice %arg7[%dma_start3A_206, %dma_start3A_207, %dma_start3A_212] : memref<2x2x2048xi32, #tpu.memory_space<vmem>> -> memref<1x1x2048xi32, #tpu.memory_space<vmem>>
    %dma_start3A_214 = tpu.memref_squeeze %dma_start3A_213 : memref<1x1x2048xi32, #tpu.memory_space<vmem>> -> memref<2048xi32, #tpu.memory_space<vmem>>
    %dma_start3A_215 = arith.constant 0 : i32
    %dma_start3A_216 = arith.constant 0 : i32
    %dma_start3A_217 = tpu.memref_slice %arg9[%dma_start3A_215, %dma_start3A_216] : memref<10240x16xf32, #tpu.memory_space<vmem_shared>> -> memref<10240x16xf32, #tpu.memory_space<vmem_shared>>
    tpu.enqueue_indirect_dma source(%dma_start3A_211 : memref<2048x16xf32, #tpu.memory_space<vmem>>) target(%dma_start3A_217 : memref<10240x16xf32, #tpu.memory_space<vmem_shared>>) offsets(%dma_start3A_214 : memref<2048xi32, #tpu.memory_space<vmem>>) semaphore(%arg11 : memref<!tpu.dma_semaphore, #tpu.memory_space<semaphore_mem>>) {add = true}
    %dma_wait3A_218 = arith.constant 0 : i32
    %dma_wait3A_219 = arith.constant 0 : i32
    %dma_wait3A_220 = arith.constant 0 : i32
    %dma_wait3A_221 = tpu.memref_slice %arg8[%dma_wait3A_218, %dma_wait3A_219, %dma_wait3A_220] : memref<2x2048x16xf32, #tpu.memory_space<vmem>> -> memref<1x2048x16xf32, #tpu.memory_space<vmem>>
    %dma_wait3A_222 = tpu.memref_squeeze %dma_wait3A_221 : memref<1x2048x16xf32, #tpu.memory_space<vmem>> -> memref<2048x16xf32, #tpu.memory_space<vmem>>
    %dma_wait3A_223 = arith.constant 0 : i32
    %dma_wait3A_224 = arith.constant 0 : i32
    %dma_wait3A_225 = tpu.memref_slice %arg2[%dma_wait3A_223, %dma_wait3A_224] : memref<10000x16xf32, #tpu.memory_space<hbm>> -> memref<2048x16xf32, #tpu.memory_space<hbm>>
    %dma_wait3A_226 = arith.constant 0 : i32
    %dma_wait3A_227 = arith.constant 0 : i32
    %dma_wait3A_228 = tpu.memref_slice %arg8[%dma_wait3A_218, %dma_wait3A_226, %dma_wait3A_227] : memref<2x2048x16xf32, #tpu.memory_space<vmem>> -> memref<1x2048x16xf32, #tpu.memory_space<vmem>>
    %dma_wait3A_229 = tpu.memref_squeeze %dma_wait3A_228 : memref<1x2048x16xf32, #tpu.memory_space<vmem>> -> memref<2048x16xf32, #tpu.memory_space<vmem>>
    %dma_wait3A_230 = arith.constant 0 : i32
    %dma_wait3A_231 = arith.constant 0 : i32
    %dma_wait3A_232 = tpu.memref_slice %arg2[%dma_wait3A_230, %dma_wait3A_231] : memref<10000x16xf32, #tpu.memory_space<hbm>> -> memref<2048x16xf32, #tpu.memory_space<hbm>>
    tpu.wait_dma2 semaphore(%arg10 : memref<!tpu.dma_semaphore, #tpu.memory_space<semaphore_mem>>) src(%dma_wait3A_232 : memref<2048x16xf32, #tpu.memory_space<hbm>>) dst(%dma_wait3A_229 : memref<2048x16xf32, #tpu.memory_space<vmem>>)
    %dma_wait3A_233 = arith.constant 0 : i32
    %dma_wait3A_234 = arith.constant 0 : i32
    %dma_wait3A_235 = arith.constant 0 : i32
    %dma_wait3A_236 = tpu.memref_slice %arg8[%dma_wait3A_233, %dma_wait3A_234, %dma_wait3A_235] : memref<2x2048x16xf32, #tpu.memory_space<vmem>> -> memref<1x2048x16xf32, #tpu.memory_space<vmem>>
    %dma_wait3A_237 = tpu.memref_squeeze %dma_wait3A_236 : memref<1x2048x16xf32, #tpu.memory_space<vmem>> -> memref<2048x16xf32, #tpu.memory_space<vmem>>
    %dma_wait3A_238 = arith.constant 0 : i32
    %dma_wait3A_239 = arith.constant 0 : i32
    %dma_wait3A_240 = tpu.memref_slice %arg2[%dma_wait3A_238, %dma_wait3A_239] : memref<10000x16xf32, #tpu.memory_space<hbm>> -> memref<2048x16xf32, #tpu.memory_space<hbm>>
    %dma_wait3A_241 = arith.constant 0 : i32
    %dma_wait3A_242 = arith.constant 0 : i32
    %dma_wait3A_243 = tpu.memref_slice %arg8[%dma_wait3A_233, %dma_wait3A_241, %dma_wait3A_242] : memref<2x2048x16xf32, #tpu.memory_space<vmem>> -> memref<1x2048x16xf32, #tpu.memory_space<vmem>>
    %dma_wait3A_244 = tpu.memref_squeeze %dma_wait3A_243 : memref<1x2048x16xf32, #tpu.memory_space<vmem>> -> memref<2048x16xf32, #tpu.memory_space<vmem>>
    %dma_wait3A_245 = arith.constant 0 : i32
    %dma_wait3A_246 = arith.constant 0 : i32
    %dma_wait3A_247 = tpu.memref_slice %arg2[%dma_wait3A_245, %dma_wait3A_246] : memref<10000x16xf32, #tpu.memory_space<hbm>> -> memref<2048x16xf32, #tpu.memory_space<hbm>>
    tpu.wait_dma2 semaphore(%arg11 : memref<!tpu.dma_semaphore, #tpu.memory_space<semaphore_mem>>) src(%dma_wait3A_247 : memref<2048x16xf32, #tpu.memory_space<hbm>>) dst(%dma_wait3A_244 : memref<2048x16xf32, #tpu.memory_space<vmem>>)
    %add3A_248 = arith.constant 4 : i32
    %add3A_249 = arith.addi %mul3A_6, %add3A_248 : i32
    %mul3A_250 = arith.constant 2048 : i32
    %mul3A_251 = arith.muli %add3A_249, %mul3A_250 : i32
    %run_scoped3A_252 = arith.constant 0 : i32
    %run_scoped3A_253 = arith.constant 0 : i32
    "tpu.region"() ({
      %run_scoped3A_350 = tpu.sem_alloc : memref<!tpu.dma_semaphore, #tpu.memory_space<semaphore_mem>>
      %dma_start3A_351 = arith.constant 0 : i32
      %dma_start3A_352 = tpu.memref_slice %arg7[%run_scoped3A_252, %run_scoped3A_253, %dma_start3A_351] : memref<2x2x2048xi32, #tpu.memory_space<vmem>> -> memref<1x1x2048xi32, #tpu.memory_space<vmem>>
      %dma_start3A_353 = tpu.memref_squeeze %dma_start3A_352 : memref<1x1x2048xi32, #tpu.memory_space<vmem>> -> memref<2048xi32, #tpu.memory_space<vmem>>
      %dma_start3A_354 = tpu.memref_slice %arg3[%mul3A_251] : memref<327680xi32, #tpu.memory_space<hbm>> -> memref<2048xi32, #tpu.memory_space<hbm>>
      %dma_start3A_355 = arith.constant 0 : i32
      %dma_start3A_356 = tpu.memref_slice %arg7[%run_scoped3A_252, %run_scoped3A_253, %dma_start3A_355] : memref<2x2x2048xi32, #tpu.memory_space<vmem>> -> memref<1x1x2048xi32, #tpu.memory_space<vmem>>
      %dma_start3A_357 = tpu.memref_squeeze %dma_start3A_356 : memref<1x1x2048xi32, #tpu.memory_space<vmem>> -> memref<2048xi32, #tpu.memory_space<vmem>>
      %dma_start3A_358 = tpu.memref_slice %arg3[%mul3A_251] : memref<327680xi32, #tpu.memory_space<hbm>> -> memref<2048xi32, #tpu.memory_space<hbm>>
      tpu.enqueue_dma source(%dma_start3A_358 : memref<2048xi32, #tpu.memory_space<hbm>>) target(%dma_start3A_357 : memref<2048xi32, #tpu.memory_space<vmem>>) target_semaphore(%run_scoped3A_350 : memref<!tpu.dma_semaphore, #tpu.memory_space<semaphore_mem>>)
      %dma_wait3A_359 = arith.constant 0 : i32
      %dma_wait3A_360 = tpu.memref_slice %arg7[%run_scoped3A_252, %run_scoped3A_253, %dma_wait3A_359] : memref<2x2x2048xi32, #tpu.memory_space<vmem>> -> memref<1x1x2048xi32, #tpu.memory_space<vmem>>
      %dma_wait3A_361 = tpu.memref_squeeze %dma_wait3A_360 : memref<1x1x2048xi32, #tpu.memory_space<vmem>> -> memref<2048xi32, #tpu.memory_space<vmem>>
      %dma_wait3A_362 = tpu.memref_slice %arg3[%mul3A_251] : memref<327680xi32, #tpu.memory_space<hbm>> -> memref<2048xi32, #tpu.memory_space<hbm>>
      %dma_wait3A_363 = arith.constant 0 : i32
      %dma_wait3A_364 = tpu.memref_slice %arg7[%run_scoped3A_252, %run_scoped3A_253, %dma_wait3A_363] : memref<2x2x2048xi32, #tpu.memory_space<vmem>> -> memref<1x1x2048xi32, #tpu.memory_space<vmem>>
      %dma_wait3A_365 = tpu.memref_squeeze %dma_wait3A_364 : memref<1x1x2048xi32, #tpu.memory_space<vmem>> -> memref<2048xi32, #tpu.memory_space<vmem>>
      %dma_wait3A_366 = tpu.memref_slice %arg3[%mul3A_251] : memref<327680xi32, #tpu.memory_space<hbm>> -> memref<2048xi32, #tpu.memory_space<hbm>>
      tpu.wait_dma2 semaphore(%run_scoped3A_350 : memref<!tpu.dma_semaphore, #tpu.memory_space<semaphore_mem>>) src(%dma_wait3A_366 : memref<2048xi32, #tpu.memory_space<hbm>>) dst(%dma_wait3A_365 : memref<2048xi32, #tpu.memory_space<vmem>>)
      tpu.yield
    }) : () -> ()
    %add3A_254 = arith.constant 4 : i32
    %add3A_255 = arith.addi %mul3A_6, %add3A_254 : i32
    %mul3A_256 = arith.constant 2048 : i32
    %mul3A_257 = arith.muli %add3A_255, %mul3A_256 : i32
    %run_scoped3A_258 = arith.constant 0 : i32
    %run_scoped3A_259 = arith.constant 1 : i32
    "tpu.region"() ({
      %run_scoped3A_350 = tpu.sem_alloc : memref<!tpu.dma_semaphore, #tpu.memory_space<semaphore_mem>>
      %dma_start3A_351 = arith.constant 0 : i32
      %dma_start3A_352 = tpu.memref_slice %arg7[%run_scoped3A_258, %run_scoped3A_259, %dma_start3A_351] : memref<2x2x2048xi32, #tpu.memory_space<vmem>> -> memref<1x1x2048xi32, #tpu.memory_space<vmem>>
      %dma_start3A_353 = tpu.memref_squeeze %dma_start3A_352 : memref<1x1x2048xi32, #tpu.memory_space<vmem>> -> memref<2048xi32, #tpu.memory_space<vmem>>
      %dma_start3A_354 = tpu.memref_slice %arg4[%mul3A_257] : memref<327680xi32, #tpu.memory_space<hbm>> -> memref<2048xi32, #tpu.memory_space<hbm>>
      %dma_start3A_355 = arith.constant 0 : i32
      %dma_start3A_356 = tpu.memref_slice %arg7[%run_scoped3A_258, %run_scoped3A_259, %dma_start3A_355] : memref<2x2x2048xi32, #tpu.memory_space<vmem>> -> memref<1x1x2048xi32, #tpu.memory_space<vmem>>
      %dma_start3A_357 = tpu.memref_squeeze %dma_start3A_356 : memref<1x1x2048xi32, #tpu.memory_space<vmem>> -> memref<2048xi32, #tpu.memory_space<vmem>>
      %dma_start3A_358 = tpu.memref_slice %arg4[%mul3A_257] : memref<327680xi32, #tpu.memory_space<hbm>> -> memref<2048xi32, #tpu.memory_space<hbm>>
      tpu.enqueue_dma source(%dma_start3A_358 : memref<2048xi32, #tpu.memory_space<hbm>>) target(%dma_start3A_357 : memref<2048xi32, #tpu.memory_space<vmem>>) target_semaphore(%run_scoped3A_350 : memref<!tpu.dma_semaphore, #tpu.memory_space<semaphore_mem>>)
      %dma_wait3A_359 = arith.constant 0 : i32
      %dma_wait3A_360 = tpu.memref_slice %arg7[%run_scoped3A_258, %run_scoped3A_259, %dma_wait3A_359] : memref<2x2x2048xi32, #tpu.memory_space<vmem>> -> memref<1x1x2048xi32, #tpu.memory_space<vmem>>
      %dma_wait3A_361 = tpu.memref_squeeze %dma_wait3A_360 : memref<1x1x2048xi32, #tpu.memory_space<vmem>> -> memref<2048xi32, #tpu.memory_space<vmem>>
      %dma_wait3A_362 = tpu.memref_slice %arg4[%mul3A_257] : memref<327680xi32, #tpu.memory_space<hbm>> -> memref<2048xi32, #tpu.memory_space<hbm>>
      %dma_wait3A_363 = arith.constant 0 : i32
      %dma_wait3A_364 = tpu.memref_slice %arg7[%run_scoped3A_258, %run_scoped3A_259, %dma_wait3A_363] : memref<2x2x2048xi32, #tpu.memory_space<vmem>> -> memref<1x1x2048xi32, #tpu.memory_space<vmem>>
      %dma_wait3A_365 = tpu.memref_squeeze %dma_wait3A_364 : memref<1x1x2048xi32, #tpu.memory_space<vmem>> -> memref<2048xi32, #tpu.memory_space<vmem>>
      %dma_wait3A_366 = tpu.memref_slice %arg4[%mul3A_257] : memref<327680xi32, #tpu.memory_space<hbm>> -> memref<2048xi32, #tpu.memory_space<hbm>>
      tpu.wait_dma2 semaphore(%run_scoped3A_350 : memref<!tpu.dma_semaphore, #tpu.memory_space<semaphore_mem>>) src(%dma_wait3A_366 : memref<2048xi32, #tpu.memory_space<hbm>>) dst(%dma_wait3A_365 : memref<2048xi32, #tpu.memory_space<vmem>>)
      tpu.yield
    }) : () -> ()
    %dma_start3A_260 = arith.constant 0 : i32
    %dma_start3A_261 = arith.constant 0 : i32
    %dma_start3A_262 = arith.constant 0 : i32
    %dma_start3A_263 = arith.constant 0 : i32
    %dma_start3A_264 = arith.constant 0 : i32
    %dma_start3A_265 = tpu.memref_slice %arg8[%dma_start3A_262, %dma_start3A_263, %dma_start3A_264] : memref<2x2048x16xf32, #tpu.memory_space<vmem>> -> memref<1x2048x16xf32, #tpu.memory_space<vmem>>
    %dma_start3A_266 = tpu.memref_squeeze %dma_start3A_265 : memref<1x2048x16xf32, #tpu.memory_space<vmem>> -> memref<2048x16xf32, #tpu.memory_space<vmem>>
    %dma_start3A_267 = arith.constant 0 : i32
    %dma_start3A_268 = tpu.memref_slice %arg7[%dma_start3A_260, %dma_start3A_261, %dma_start3A_267] : memref<2x2x2048xi32, #tpu.memory_space<vmem>> -> memref<1x1x2048xi32, #tpu.memory_space<vmem>>
    %dma_start3A_269 = tpu.memref_squeeze %dma_start3A_268 : memref<1x1x2048xi32, #tpu.memory_space<vmem>> -> memref<2048xi32, #tpu.memory_space<vmem>>
    %dma_start3A_270 = arith.constant 0 : i32
    %dma_start3A_271 = arith.constant 0 : i32
    %dma_start3A_272 = tpu.memref_slice %arg2[%dma_start3A_270, %dma_start3A_271] : memref<10000x16xf32, #tpu.memory_space<hbm>> -> memref<10000x16xf32, #tpu.memory_space<hbm>>
    tpu.enqueue_indirect_dma source(%dma_start3A_272 : memref<10000x16xf32, #tpu.memory_space<hbm>>) target(%dma_start3A_266 : memref<2048x16xf32, #tpu.memory_space<vmem>>) offsets(%dma_start3A_269 : memref<2048xi32, #tpu.memory_space<vmem>>) semaphore(%arg10 : memref<!tpu.dma_semaphore, #tpu.memory_space<semaphore_mem>>)
    %dma_start3A_273 = arith.constant 1 : i32
    %dma_start3A_274 = arith.constant 1 : i32
    %dma_start3A_275 = arith.constant 1 : i32
    %dma_start3A_276 = arith.constant 0 : i32
    %dma_start3A_277 = arith.constant 0 : i32
    %dma_start3A_278 = tpu.memref_slice %arg8[%dma_start3A_273, %dma_start3A_276, %dma_start3A_277] : memref<2x2048x16xf32, #tpu.memory_space<vmem>> -> memref<1x2048x16xf32, #tpu.memory_space<vmem>>
    %dma_start3A_279 = tpu.memref_squeeze %dma_start3A_278 : memref<1x2048x16xf32, #tpu.memory_space<vmem>> -> memref<2048x16xf32, #tpu.memory_space<vmem>>
    %dma_start3A_280 = arith.constant 0 : i32
    %dma_start3A_281 = tpu.memref_slice %arg7[%dma_start3A_274, %dma_start3A_275, %dma_start3A_280] : memref<2x2x2048xi32, #tpu.memory_space<vmem>> -> memref<1x1x2048xi32, #tpu.memory_space<vmem>>
    %dma_start3A_282 = tpu.memref_squeeze %dma_start3A_281 : memref<1x1x2048xi32, #tpu.memory_space<vmem>> -> memref<2048xi32, #tpu.memory_space<vmem>>
    %dma_start3A_283 = arith.constant 0 : i32
    %dma_start3A_284 = arith.constant 0 : i32
    %dma_start3A_285 = tpu.memref_slice %arg9[%dma_start3A_283, %dma_start3A_284] : memref<10240x16xf32, #tpu.memory_space<vmem_shared>> -> memref<10240x16xf32, #tpu.memory_space<vmem_shared>>
    tpu.enqueue_indirect_dma source(%dma_start3A_279 : memref<2048x16xf32, #tpu.memory_space<vmem>>) target(%dma_start3A_285 : memref<10240x16xf32, #tpu.memory_space<vmem_shared>>) offsets(%dma_start3A_282 : memref<2048xi32, #tpu.memory_space<vmem>>) semaphore(%arg11 : memref<!tpu.dma_semaphore, #tpu.memory_space<semaphore_mem>>) {add = true}
    %dma_wait3A_286 = arith.constant 0 : i32
    %dma_wait3A_287 = arith.constant 0 : i32
    %dma_wait3A_288 = arith.constant 0 : i32
    %dma_wait3A_289 = tpu.memref_slice %arg8[%dma_wait3A_286, %dma_wait3A_287, %dma_wait3A_288] : memref<2x2048x16xf32, #tpu.memory_space<vmem>> -> memref<1x2048x16xf32, #tpu.memory_space<vmem>>
    %dma_wait3A_290 = tpu.memref_squeeze %dma_wait3A_289 : memref<1x2048x16xf32, #tpu.memory_space<vmem>> -> memref<2048x16xf32, #tpu.memory_space<vmem>>
    %dma_wait3A_291 = arith.constant 0 : i32
    %dma_wait3A_292 = arith.constant 0 : i32
    %dma_wait3A_293 = tpu.memref_slice %arg2[%dma_wait3A_291, %dma_wait3A_292] : memref<10000x16xf32, #tpu.memory_space<hbm>> -> memref<2048x16xf32, #tpu.memory_space<hbm>>
    %dma_wait3A_294 = arith.constant 0 : i32
    %dma_wait3A_295 = arith.constant 0 : i32
    %dma_wait3A_296 = tpu.memref_slice %arg8[%dma_wait3A_286, %dma_wait3A_294, %dma_wait3A_295] : memref<2x2048x16xf32, #tpu.memory_space<vmem>> -> memref<1x2048x16xf32, #tpu.memory_space<vmem>>
    %dma_wait3A_297 = tpu.memref_squeeze %dma_wait3A_296 : memref<1x2048x16xf32, #tpu.memory_space<vmem>> -> memref<2048x16xf32, #tpu.memory_space<vmem>>
    %dma_wait3A_298 = arith.constant 0 : i32
    %dma_wait3A_299 = arith.constant 0 : i32
    %dma_wait3A_300 = tpu.memref_slice %arg2[%dma_wait3A_298, %dma_wait3A_299] : memref<10000x16xf32, #tpu.memory_space<hbm>> -> memref<2048x16xf32, #tpu.memory_space<hbm>>
    tpu.wait_dma2 semaphore(%arg10 : memref<!tpu.dma_semaphore, #tpu.memory_space<semaphore_mem>>) src(%dma_wait3A_300 : memref<2048x16xf32, #tpu.memory_space<hbm>>) dst(%dma_wait3A_297 : memref<2048x16xf32, #tpu.memory_space<vmem>>)
    %dma_wait3A_301 = arith.constant 0 : i32
    %dma_wait3A_302 = arith.constant 0 : i32
    %dma_wait3A_303 = arith.constant 0 : i32
    %dma_wait3A_304 = tpu.memref_slice %arg8[%dma_wait3A_301, %dma_wait3A_302, %dma_wait3A_303] : memref<2x2048x16xf32, #tpu.memory_space<vmem>> -> memref<1x2048x16xf32, #tpu.memory_space<vmem>>
    %dma_wait3A_305 = tpu.memref_squeeze %dma_wait3A_304 : memref<1x2048x16xf32, #tpu.memory_space<vmem>> -> memref<2048x16xf32, #tpu.memory_space<vmem>>
    %dma_wait3A_306 = arith.constant 0 : i32
    %dma_wait3A_307 = arith.constant 0 : i32
    %dma_wait3A_308 = tpu.memref_slice %arg2[%dma_wait3A_306, %dma_wait3A_307] : memref<10000x16xf32, #tpu.memory_space<hbm>> -> memref<2048x16xf32, #tpu.memory_space<hbm>>
    %dma_wait3A_309 = arith.constant 0 : i32
    %dma_wait3A_310 = arith.constant 0 : i32
    %dma_wait3A_311 = tpu.memref_slice %arg8[%dma_wait3A_301, %dma_wait3A_309, %dma_wait3A_310] : memref<2x2048x16xf32, #tpu.memory_space<vmem>> -> memref<1x2048x16xf32, #tpu.memory_space<vmem>>
    %dma_wait3A_312 = tpu.memref_squeeze %dma_wait3A_311 : memref<1x2048x16xf32, #tpu.memory_space<vmem>> -> memref<2048x16xf32, #tpu.memory_space<vmem>>
    %dma_wait3A_313 = arith.constant 0 : i32
    %dma_wait3A_314 = arith.constant 0 : i32
    %dma_wait3A_315 = tpu.memref_slice %arg2[%dma_wait3A_313, %dma_wait3A_314] : memref<10000x16xf32, #tpu.memory_space<hbm>> -> memref<2048x16xf32, #tpu.memory_space<hbm>>
    tpu.wait_dma2 semaphore(%arg11 : memref<!tpu.dma_semaphore, #tpu.memory_space<semaphore_mem>>) src(%dma_wait3A_315 : memref<2048x16xf32, #tpu.memory_space<hbm>>) dst(%dma_wait3A_312 : memref<2048x16xf32, #tpu.memory_space<vmem>>)
    %dma_start3A_316 = arith.constant 0 : i32
    %dma_start3A_317 = arith.constant 0 : i32
    %dma_start3A_318 = arith.constant 1 : i32
    %dma_start3A_319 = arith.constant 0 : i32
    %dma_start3A_320 = arith.constant 0 : i32
    %dma_start3A_321 = tpu.memref_slice %arg8[%dma_start3A_316, %dma_start3A_319, %dma_start3A_320] : memref<2x2048x16xf32, #tpu.memory_space<vmem>> -> memref<1x2048x16xf32, #tpu.memory_space<vmem>>
    %dma_start3A_322 = tpu.memref_squeeze %dma_start3A_321 : memref<1x2048x16xf32, #tpu.memory_space<vmem>> -> memref<2048x16xf32, #tpu.memory_space<vmem>>
    %dma_start3A_323 = arith.constant 0 : i32
    %dma_start3A_324 = tpu.memref_slice %arg7[%dma_start3A_317, %dma_start3A_318, %dma_start3A_323] : memref<2x2x2048xi32, #tpu.memory_space<vmem>> -> memref<1x1x2048xi32, #tpu.memory_space<vmem>>
    %dma_start3A_325 = tpu.memref_squeeze %dma_start3A_324 : memref<1x1x2048xi32, #tpu.memory_space<vmem>> -> memref<2048xi32, #tpu.memory_space<vmem>>
    %dma_start3A_326 = arith.constant 0 : i32
    %dma_start3A_327 = arith.constant 0 : i32
    %dma_start3A_328 = tpu.memref_slice %arg9[%dma_start3A_326, %dma_start3A_327] : memref<10240x16xf32, #tpu.memory_space<vmem_shared>> -> memref<10240x16xf32, #tpu.memory_space<vmem_shared>>
    tpu.enqueue_indirect_dma source(%dma_start3A_322 : memref<2048x16xf32, #tpu.memory_space<vmem>>) target(%dma_start3A_328 : memref<10240x16xf32, #tpu.memory_space<vmem_shared>>) offsets(%dma_start3A_325 : memref<2048xi32, #tpu.memory_space<vmem>>) semaphore(%arg11 : memref<!tpu.dma_semaphore, #tpu.memory_space<semaphore_mem>>) {add = true}
    %dma_wait3A_329 = arith.constant 0 : i32
    %dma_wait3A_330 = arith.constant 0 : i32
    %dma_wait3A_331 = arith.constant 0 : i32
    %dma_wait3A_332 = tpu.memref_slice %arg8[%dma_wait3A_329, %dma_wait3A_330, %dma_wait3A_331] : memref<2x2048x16xf32, #tpu.memory_space<vmem>> -> memref<1x2048x16xf32, #tpu.memory_space<vmem>>
    %dma_wait3A_333 = tpu.memref_squeeze %dma_wait3A_332 : memref<1x2048x16xf32, #tpu.memory_space<vmem>> -> memref<2048x16xf32, #tpu.memory_space<vmem>>
    %dma_wait3A_334 = arith.constant 0 : i32
    %dma_wait3A_335 = arith.constant 0 : i32
    %dma_wait3A_336 = tpu.memref_slice %arg2[%dma_wait3A_334, %dma_wait3A_335] : memref<10000x16xf32, #tpu.memory_space<hbm>> -> memref<2048x16xf32, #tpu.memory_space<hbm>>
    %dma_wait3A_337 = arith.constant 0 : i32
    %dma_wait3A_338 = arith.constant 0 : i32
    %dma_wait3A_339 = tpu.memref_slice %arg8[%dma_wait3A_329, %dma_wait3A_337, %dma_wait3A_338] : memref<2x2048x16xf32, #tpu.memory_space<vmem>> -> memref<1x2048x16xf32, #tpu.memory_space<vmem>>
    %dma_wait3A_340 = tpu.memref_squeeze %dma_wait3A_339 : memref<1x2048x16xf32, #tpu.memory_space<vmem>> -> memref<2048x16xf32, #tpu.memory_space<vmem>>
    %dma_wait3A_341 = arith.constant 0 : i32
    %dma_wait3A_342 = arith.constant 0 : i32
    %dma_wait3A_343 = tpu.memref_slice %arg2[%dma_wait3A_341, %dma_wait3A_342] : memref<10000x16xf32, #tpu.memory_space<hbm>> -> memref<2048x16xf32, #tpu.memory_space<hbm>>
    tpu.wait_dma2 semaphore(%arg11 : memref<!tpu.dma_semaphore, #tpu.memory_space<semaphore_mem>>) src(%dma_wait3A_343 : memref<2048x16xf32, #tpu.memory_space<hbm>>) dst(%dma_wait3A_340 : memref<2048x16xf32, #tpu.memory_space<vmem>>)
    %barrier3A_344 = arith.constant 0 : index
    tpu.barrier barrier_id(%barrier3A_344)
    %lt3A_345 = arith.constant 16 : i32
    %lt3A_346 = arith.cmpi slt, %arg1, %lt3A_345 : i32
    %convert_element_type3A_347 = arith.extui %lt3A_346 : i1 to i32
    %cond3A_348 = arith.constant 0 : i32
    %cond3A_349 = arith.cmpi ne, %convert_element_type3A_347, %cond3A_348 : i32
    scf.if %cond3A_349 {
      "tpu.region"() ({
        %run_scoped3A_350 = tpu.sem_alloc : memref<!tpu.dma_semaphore, #tpu.memory_space<semaphore_mem>>
        %dma_start3A_351 = arith.constant 0 : i32
        %dma_start3A_352 = tpu.memref_slice %arg6[%arg0, %mul3A_2, %dma_start3A_351] : memref<2x10240x16xf32, #tpu.memory_space<hbm>> -> memref<1x640x16xf32, #tpu.memory_space<hbm>>
        %dma_start3A_353 = tpu.memref_squeeze %dma_start3A_352 : memref<1x640x16xf32, #tpu.memory_space<hbm>> -> memref<640x16xf32, #tpu.memory_space<hbm>>
        %dma_start3A_354 = arith.constant 0 : i32
        %dma_start3A_355 = tpu.memref_slice %arg9[%mul3A_2, %dma_start3A_354] : memref<10240x16xf32, #tpu.memory_space<vmem_shared>> -> memref<640x16xf32, #tpu.memory_space<vmem_shared>>
        tpu.enqueue_dma source(%dma_start3A_355 : memref<640x16xf32, #tpu.memory_space<vmem_shared>>) target(%dma_start3A_353 : memref<640x16xf32, #tpu.memory_space<hbm>>) target_semaphore(%run_scoped3A_350 : memref<!tpu.dma_semaphore, #tpu.memory_space<semaphore_mem>>)
        %dma_wait3A_356 = arith.constant 0 : i32
        %dma_wait3A_357 = tpu.memref_slice %arg6[%arg0, %mul3A_2, %dma_wait3A_356] : memref<2x10240x16xf32, #tpu.memory_space<hbm>> -> memref<1x640x16xf32, #tpu.memory_space<hbm>>
        %dma_wait3A_358 = tpu.memref_squeeze %dma_wait3A_357 : memref<1x640x16xf32, #tpu.memory_space<hbm>> -> memref<640x16xf32, #tpu.memory_space<hbm>>
        %dma_wait3A_359 = arith.constant 0 : i32
        %dma_wait3A_360 = tpu.memref_slice %arg9[%mul3A_2, %dma_wait3A_359] : memref<10240x16xf32, #tpu.memory_space<vmem_shared>> -> memref<640x16xf32, #tpu.memory_space<vmem_shared>>
        tpu.wait_dma2 semaphore(%run_scoped3A_350 : memref<!tpu.dma_semaphore, #tpu.memory_space<semaphore_mem>>) src(%dma_wait3A_360 : memref<640x16xf32, #tpu.memory_space<vmem_shared>>) dst(%dma_wait3A_358 : memref<640x16xf32, #tpu.memory_space<hbm>>)
        tpu.yield
      }) : () -> ()
    } else {
    }
    return
  }
}

module attributes {stable_mosaic.version = 14 : i64} {
  func.func @body(%arg0: i32, %arg1: memref<2000x128xf32, #tpu.memory_space<vmem>>, %arg2: memref<128x16xf32, #tpu.memory_space<vmem>>, %arg3: memref<2000x16xf32, #tpu.memory_space<vmem>>) attributes {dimension_semantics = [#tpu.dimension_semantics<arbitrary>], iteration_bounds = array<i64: 5>, scalar_prefetch = 0 : i64, scratch_operands = 0 : i64, tpu.core_type = #tpu.core_type<tc>, window_params = [{transform_indices = @transform_0, window_bounds = array<i64: 2000, 128>}, {pipeline_mode = #tpu.pipeline_mode<synchronous>, transform_indices = @transform_1, window_bounds = array<i64: 128, 16>}, {transform_indices = @transform_2, window_bounds = array<i64: 2000, 16>}]} {
    %get3A = arith.constant 0 : index
    %get3A_0 = arith.constant 0 : index
    %get3A_1 = vector.load %arg1[%get3A, %get3A_0] : memref<2000x128xf32, #tpu.memory_space<vmem>>, vector<2000x128xf32>
    %get3A_2 = arith.constant 0 : index
    %get3A_3 = arith.constant 0 : index
    %get3A_4 = vector.load %arg2[%get3A_2, %get3A_3] : memref<128x16xf32, #tpu.memory_space<vmem>>, vector<128x16xf32>
    %dot_general3A = arith.constant dense<0.000000e+00> : vector<2000x16xf32>
    %dot_general3A_5 = tpu.matmul %get3A_1, %get3A_4, %dot_general3A {dimension_numbers = #tpu.dot_dimension_numbers<[1], [0], [0], [1], [0, 0, 1, 1], [], []>, precision = #tpu.contract_precision<fp32>, transpose_lhs_hint = false} : vector<2000x128xf32>, vector<128x16xf32>, vector<2000x16xf32> -> vector<2000x16xf32>
    %swap3A = arith.constant 0 : index
    %swap3A_6 = arith.constant 0 : index
    %swap3A_7 = vector.load %arg3[%swap3A, %swap3A_6] : memref<2000x16xf32, #tpu.memory_space<vmem>>, vector<2000x16xf32>
    tpu.vector_store %arg3[%swap3A, %swap3A_6], %dot_general3A_5 {strides = array<i32>} : memref<2000x16xf32, #tpu.memory_space<vmem>>, vector<2000x16xf32>,
    return
  }
  func.func @transform_0(%arg0: i32) -> (i32, i32) {
    %c0_i32 = arith.constant 0 : i32
    %c0_i32_0 = arith.constant 0 : i32
    return %arg0, %c0_i32 : i32, i32
  }
  func.func @transform_1(%arg0: i32) -> (i32, i32) {
    %c0_i32 = arith.constant 0 : i32
    %c0_i32_0 = arith.constant 0 : i32
    %c0_i32_1 = arith.constant 0 : i32
    return %c0_i32, %c0_i32_0 : i32, i32
  }
  func.func @transform_2(%arg0: i32) -> (i32, i32) {
    %c0_i32 = arith.constant 0 : i32
    %c0_i32_0 = arith.constant 0 : i32
    return %arg0, %c0_i32 : i32, i32
  }
}

module attributes {stable_mosaic.version = 14 : i64} {
  func.func @body(%arg0: memref<2x10240x16xf32, #tpu.memory_space<vmem>>, %arg1: memref<2x10240x16xf32, #tpu.memory_space<vmem>>, %arg2: memref<10000x16xf32, #tpu.memory_space<vmem>>, %arg3: memref<1x16xf32, #tpu.memory_space<vmem>>, %arg4: memref<10000x16xf32, #tpu.memory_space<vmem>>) attributes {dimension_semantics = [], scalar_prefetch = 0 : i64, scratch_operands = 0 : i64, tpu.core_type = #tpu.core_type<tc>} {
    %get3A = arith.constant 0 : index
    %get3A_0 = arith.constant 0 : index
    %get3A_1 = arith.constant 0 : index
    %get3A_2 = vector.load %arg1[%get3A, %get3A_0, %get3A_1] : memref<2x10240x16xf32, #tpu.memory_space<vmem>>, vector<1x10000x1xf32>
    %get3A_3 = vector.shape_cast %get3A_2 : vector<1x10000x1xf32> to vector<10000x1xf32>
    %get3A_4 = arith.constant 1 : index
    %get3A_5 = arith.constant 0 : index
    %get3A_6 = arith.constant 0 : index
    %get3A_7 = vector.load %arg1[%get3A_4, %get3A_5, %get3A_6] : memref<2x10240x16xf32, #tpu.memory_space<vmem>>, vector<1x10000x1xf32>
    %get3A_8 = vector.shape_cast %get3A_7 : vector<1x10000x1xf32> to vector<10000x1xf32>
    %add3A = arith.addf %get3A_3, %get3A_8 : vector<10000x1xf32>
    %add3A_9 = arith.constant 1.000000e+00 : f32
    %add3A_10 = vector.broadcast %add3A_9 : f32 to vector<10000x1xf32>
    %add3A_11 = arith.addf %add3A, %add3A_10 : vector<10000x1xf32>
    %div3A = arith.constant 1.000000e+00 : f32
    %div3A_12 = vector.broadcast %div3A : f32 to vector<10000x1xf32>
    %div3A_13 = arith.divf %div3A_12, %add3A_11 : vector<10000x1xf32>
    %get3A_14 = arith.constant 0 : index
    %get3A_15 = arith.constant 0 : index
    %get3A_16 = arith.constant 0 : index
    %get3A_17 = vector.load %arg0[%get3A_14, %get3A_15, %get3A_16] : memref<2x10240x16xf32, #tpu.memory_space<vmem>>, vector<1x10000x16xf32>
    %get3A_18 = vector.shape_cast %get3A_17 : vector<1x10000x16xf32> to vector<10000x16xf32>
    %get3A_19 = arith.constant 1 : index
    %get3A_20 = arith.constant 0 : index
    %get3A_21 = arith.constant 0 : index
    %get3A_22 = vector.load %arg0[%get3A_19, %get3A_20, %get3A_21] : memref<2x10240x16xf32, #tpu.memory_space<vmem>>, vector<1x10000x16xf32>
    %get3A_23 = vector.shape_cast %get3A_22 : vector<1x10000x16xf32> to vector<10000x16xf32>
    %add3A_24 = arith.addf %get3A_18, %get3A_23 : vector<10000x16xf32>
    %get3A_25 = arith.constant 0 : index
    %get3A_26 = arith.constant 0 : index
    %get3A_27 = vector.load %arg2[%get3A_25, %get3A_26] : memref<10000x16xf32, #tpu.memory_space<vmem>>, vector<10000x16xf32>
    %add3A_28 = arith.addf %add3A_24, %get3A_27 : vector<10000x16xf32>
    %mul3A = vector.broadcast %div3A_13 : vector<10000x1xf32> to vector<10000x16xf32>
    %mul3A_29 = arith.mulf %add3A_28, %mul3A : vector<10000x16xf32>
    %get3A_30 = arith.constant 0 : index
    %get3A_31 = arith.constant 0 : index
    %get3A_32 = vector.load %arg3[%get3A_30, %get3A_31] : memref<1x16xf32, #tpu.memory_space<vmem>>, vector<1x16xf32>
    %add3A_33 = vector.broadcast %get3A_32 : vector<1x16xf32> to vector<10000x16xf32>
    %add3A_34 = arith.addf %mul3A_29, %add3A_33 : vector<10000x16xf32>
    %max3A = arith.constant 0.000000e+00 : f32
    %max3A_35 = vector.broadcast %max3A : f32 to vector<10000x16xf32>
    %max3A_36 = arith.maximumf %add3A_34, %max3A_35 : vector<10000x16xf32>
    %swap3A = arith.constant 0 : index
    %swap3A_37 = arith.constant 0 : index
    %swap3A_38 = vector.load %arg4[%swap3A, %swap3A_37] : memref<10000x16xf32, #tpu.memory_space<vmem>>, vector<10000x16xf32>
    tpu.vector_store %arg4[%swap3A, %swap3A_37], %max3A_36 {strides = array<i32>} : memref<10000x16xf32, #tpu.memory_space<vmem>>, vector<10000x16xf32>,
    return
  }
}

module attributes {stable_mosaic.version = 14 : i64} {
  func.func @body(%arg0: memref<2x10240x16xf32, #tpu.memory_space<vmem>>, %arg1: memref<2x10240x16xf32, #tpu.memory_space<vmem>>, %arg2: memref<10000x16xf32, #tpu.memory_space<vmem>>, %arg3: memref<16x128xf32, #tpu.memory_space<vmem>>, %arg4: memref<256x1xf32, #tpu.memory_space<vmem>>, %arg5: memref<1x128xf32, #tpu.memory_space<vmem>>, %arg6: memref<1x1xf32, #tpu.memory_space<vmem>>, %arg7: memref<10240xf32, #tpu.memory_space<vmem>>, %arg8: memref<10240xf32, #tpu.memory_space<vmem>>) attributes {dimension_semantics = [], scalar_prefetch = 0 : i64, scratch_operands = 0 : i64, tpu.core_type = #tpu.core_type<tc>} {
    %get3A = arith.constant 0 : index
    %get3A_0 = arith.constant 0 : index
    %get3A_1 = arith.constant 0 : index
    %get3A_2 = vector.load %arg1[%get3A, %get3A_0, %get3A_1] : memref<2x10240x16xf32, #tpu.memory_space<vmem>>, vector<1x10000x1xf32>
    %get3A_3 = vector.shape_cast %get3A_2 : vector<1x10000x1xf32> to vector<10000x1xf32>
    %get3A_4 = arith.constant 1 : index
    %get3A_5 = arith.constant 0 : index
    %get3A_6 = arith.constant 0 : index
    %get3A_7 = vector.load %arg1[%get3A_4, %get3A_5, %get3A_6] : memref<2x10240x16xf32, #tpu.memory_space<vmem>>, vector<1x10000x1xf32>
    %get3A_8 = vector.shape_cast %get3A_7 : vector<1x10000x1xf32> to vector<10000x1xf32>
    %add3A = arith.addf %get3A_3, %get3A_8 : vector<10000x1xf32>
    %add3A_9 = arith.constant 1.000000e+00 : f32
    %add3A_10 = vector.broadcast %add3A_9 : f32 to vector<10000x1xf32>
    %add3A_11 = arith.addf %add3A, %add3A_10 : vector<10000x1xf32>
    %div3A = arith.constant 1.000000e+00 : f32
    %div3A_12 = vector.broadcast %div3A : f32 to vector<10000x1xf32>
    %div3A_13 = arith.divf %div3A_12, %add3A_11 : vector<10000x1xf32>
    %get3A_14 = arith.constant 0 : index
    %get3A_15 = arith.constant 0 : index
    %get3A_16 = arith.constant 0 : index
    %get3A_17 = vector.load %arg0[%get3A_14, %get3A_15, %get3A_16] : memref<2x10240x16xf32, #tpu.memory_space<vmem>>, vector<1x10000x16xf32>
    %get3A_18 = vector.shape_cast %get3A_17 : vector<1x10000x16xf32> to vector<10000x16xf32>
    %get3A_19 = arith.constant 1 : index
    %get3A_20 = arith.constant 0 : index
    %get3A_21 = arith.constant 0 : index
    %get3A_22 = vector.load %arg0[%get3A_19, %get3A_20, %get3A_21] : memref<2x10240x16xf32, #tpu.memory_space<vmem>>, vector<1x10000x16xf32>
    %get3A_23 = vector.shape_cast %get3A_22 : vector<1x10000x16xf32> to vector<10000x16xf32>
    %add3A_24 = arith.addf %get3A_18, %get3A_23 : vector<10000x16xf32>
    %get3A_25 = arith.constant 0 : index
    %get3A_26 = arith.constant 0 : index
    %get3A_27 = vector.load %arg2[%get3A_25, %get3A_26] : memref<10000x16xf32, #tpu.memory_space<vmem>>, vector<10000x16xf32>
    %add3A_28 = arith.addf %add3A_24, %get3A_27 : vector<10000x16xf32>
    %mul3A = vector.broadcast %div3A_13 : vector<10000x1xf32> to vector<10000x16xf32>
    %mul3A_29 = arith.mulf %add3A_28, %mul3A : vector<10000x16xf32>
    %get3A_30 = arith.constant 0 : index
    %get3A_31 = arith.constant 0 : index
    %get3A_32 = vector.load %arg3[%get3A_30, %get3A_31] : memref<16x128xf32, #tpu.memory_space<vmem>>, vector<16x128xf32>
    %dot_general3A = arith.constant dense<0.000000e+00> : vector<10000x128xf32>
    %dot_general3A_33 = tpu.matmul %mul3A_29, %get3A_32, %dot_general3A {dimension_numbers = #tpu.dot_dimension_numbers<[1], [0], [0], [1], [0, 0, 1, 1], [], []>, transpose_lhs_hint = false} : vector<10000x16xf32>, vector<16x128xf32>, vector<10000x128xf32> -> vector<10000x128xf32>
    %get3A_34 = arith.constant 0 : index
    %get3A_35 = arith.constant 0 : index
    %get3A_36 = vector.load %arg5[%get3A_34, %get3A_35] : memref<1x128xf32, #tpu.memory_space<vmem>>, vector<1x128xf32>
    %add3A_37 = vector.broadcast %get3A_36 : vector<1x128xf32> to vector<10000x128xf32>
    %add3A_38 = arith.addf %dot_general3A_33, %add3A_37 : vector<10000x128xf32>
    %broadcast_in_dim3A = arith.constant 0.000000e+00 : f32
    %broadcast_in_dim3A_39 = vector.broadcast %broadcast_in_dim3A : f32 to vector<240xf32>
    %get3A_40 = arith.constant 0 : index
    %get3A_41 = arith.constant 0 : index
    %get3A_42 = vector.load %arg4[%get3A_40, %get3A_41] : memref<256x1xf32, #tpu.memory_space<vmem>>, vector<128x1xf32>
    %dot_general3A_43 = arith.constant dense<0.000000e+00> : vector<10000x1xf32>
    %dot_general3A_44 = tpu.matmul %add3A_38, %get3A_42, %dot_general3A_43 {dimension_numbers = #tpu.dot_dimension_numbers<[1], [0], [0], [1], [0, 0, 1, 1], [], []>, transpose_lhs_hint = false} : vector<10000x128xf32>, vector<128x1xf32>, vector<10000x1xf32> -> vector<10000x1xf32>
    %squeeze3A = vector.shape_cast %dot_general3A_44 : vector<10000x1xf32> to vector<10000xf32>
    %get3A_45 = arith.constant 0 : index
    %get3A_46 = arith.constant 0 : index
    %get3A_47 = vector.load %arg6[%get3A_45, %get3A_46] : memref<1x1xf32, #tpu.memory_space<vmem>>, vector<1x1xf32>
    %get3A_48 = vector.extract %get3A_47[0, 0] : f32 from vector<1x1xf32>
    %add3A_49 = vector.broadcast %get3A_48 : f32 to vector<10000xf32>
    %add3A_50 = arith.addf %squeeze3A, %add3A_49 : vector<10000xf32>
    %get3A_51 = arith.constant 128 : index
    %get3A_52 = arith.constant 0 : index
    %get3A_53 = vector.load %arg4[%get3A_51, %get3A_52] : memref<256x1xf32, #tpu.memory_space<vmem>>, vector<128x1xf32>
    %dot_general3A_54 = arith.constant dense<0.000000e+00> : vector<10000x1xf32>
    %dot_general3A_55 = tpu.matmul %add3A_38, %get3A_53, %dot_general3A_54 {dimension_numbers = #tpu.dot_dimension_numbers<[1], [0], [0], [1], [0, 0, 1, 1], [], []>, transpose_lhs_hint = false} : vector<10000x128xf32>, vector<128x1xf32>, vector<10000x1xf32> -> vector<10000x1xf32>
    %squeeze3A_56 = vector.shape_cast %dot_general3A_55 : vector<10000x1xf32> to vector<10000xf32>
    %concatenate3A = tpu.concatenate %add3A_50, %broadcast_in_dim3A_39 in 0 : vector<10000xf32>, vector<240xf32> -> vector<10240xf32>
    %swap3A = arith.constant 0 : index
    %swap3A_57 = vector.load %arg7[%swap3A] : memref<10240xf32, #tpu.memory_space<vmem>>, vector<10240xf32>
    tpu.vector_store %arg7[%swap3A], %concatenate3A {strides = array<i32>} : memref<10240xf32, #tpu.memory_space<vmem>>, vector<10240xf32>,
    %concatenate3A_58 = tpu.concatenate %squeeze3A_56, %broadcast_in_dim3A_39 in 0 : vector<10000xf32>, vector<240xf32> -> vector<10240xf32>
    %swap3A_59 = arith.constant 0 : index
    %swap3A_60 = vector.load %arg8[%swap3A_59] : memref<10240xf32, #tpu.memory_space<vmem>>, vector<10240xf32>
    tpu.vector_store %arg8[%swap3A_59], %concatenate3A_58 {strides = array<i32>} : memref<10240xf32, #tpu.memory_space<vmem>>, vector<10240xf32>,
    return
  }
}

</mosaic_0001>

<sc_bundles>
// kernel: kernel.11.cloned.1.call-start
scs
__scs_entry_jumppad:
0x0: {  	(pc) =	sbr.rel $0x88, $3  }
0x1: {  	(tag) =	ssettag $0x0;
	lr =	simm.s32 $0x1  }
0x2: {  	[smem:$0x3F99] =	sst lr;
	_ =	strace $0xD0000000  }
0x3: {  	_ = 	snop  }
0x4: {  	_ = 	snop  }
0x5: {  	_ = 	snop  }
0x6: {  	_ = 	snop  }
0x7: {  	_ = 	snop  }
__scs_overlays_trampoline_lowered:
0x8: {  	[smem:$0x3FA8] =	sst s0  }
0x9: {  	[smem:$0x3FA9] =	sst s1  }
0xa: {  	[smem:$0x3FAA] =	sst s2  }
0xb: {  	[smem:$0x3FAB] =	sst s3  }
0xc: {  	[smem:$0x3FAC] =	sst s4  }
0xd: {  	[smem:$0x3FAD] =	sst s5  }
0xe: {  	[smem:$0x3FAE] =	sst s6  }
0xf: {  	[smem:$0x3FAF] =	sst s7  }
0x10: {  	[smem:$0x3FB0] =	sst s8  }
0x11: {  	[smem:$0x3FB1] =	sst s9;
	s0 =	simm.s32 @!p0 $0x0  }
0x12: {  	s1 =	sld [smem:$0x3F97];
	s0 =	simm.s32 @p0 $0x1  }
0x13: {  	[smem:$0x3FB2] =	sst s0;
	s0 =	simm.s32 @!p1 $0x0  }
0x14: {  	s2 =	sld [smem:$0x3F96];
	s0 =	simm.s32 @p1 $0x1  }
0x15: {  	[smem:$0x3FB3] =	sst s0;
	s0 =	simm.s32 @!p2 $0x0  }
0x16: {  	s3 =	sld [smem:$0x3FDB];
	s0 =	simm.s32 @p2 $0x1  }
0x17: {  	s4 =	simm.s32 $0x1BF5;
	[smem:$0x3FB5] =	sst s0  }
0x18: {  	s0 =	sld [smem:$0x3F98];
	_ =	swait.ge [sflag:s4], $0x0  }
0x19: {  	s7 =	sld [smem:$0x3F99]  }
0x1a: {  	s8 =	sadd.s32 $0xFFFFE003, lr  }
0x1b: {  	s9 =	sadd.s32 $0xFFFFFEF7, lr;
	s5 =	simm.s32 $0xFFFFFFFF;
	p2 =	slt.u32 s8, $0xFFFFF086  }
0x1c: {  	p1 =	slt.u32 s9, $0xF7A;
	s5 =	simm.s32 @!p2 $0x0  }
0x1d: {  	s5 =	simm.s32 @p1 $0x1;
	p0 =	seq.s32 s7, s2  }
0x1e: {  	s7 =	smul.u32 @!p0 $0xF7A, s2;
	p2 =	seq.s32 @!p0 s5, $0x0  }
0x1f: {  	s9 =	smul.u32 $0xF7A, s1;
	s8 =	simm.s32 @!p0 $0x1BF5;
	p2 =	por !p2, p0  }
0x20: {  	[sflag:s8] =	ssyncset.s32 @!p0 $0xFFFFF086;
	s6 =	sadd.s32 @!p0 s3, s7;
	s7 =	simm.s32 @!p0 $0x108  }
0x21: {  	s3 =	sadd.s32 s3, s9;
	s6 =	sadd.s32 @!p0 $0x88, s6;
	s7 =	simm.s32 @p2 $0x1082  }
0x22: {  	[simem:s7], [sflag:s8] =	dma.local @!p0 [hbm:s6], $0xF7A  }
0x23: {  	s9 =	sor.u32 $0xD0000000, s2;
	s6 =	simm.s32 $0x108;
	_ =	swait.ge @!p0 [sflag:s8], $0x0  }
0x24: {  	s3 =	sadd.s32 $0x88, s3;
	s6 =	simm.s32 @!p1 $0x1082;
	[sflag:s4] =	ssyncset.s32 $0xFFFFF086  }
0x25: {  	[simem:s6], [sflag:s4] =	dma.local [hbm:s3], $0xF7A  }
0x26: {  	[smem:$0x3F99] =	sst s1;
	(tag) =	ssettag s2;
	_ =	strace s9  }
0x27: {  	s1 =	sld [smem:$0x3FA9]  }
0x28: {  	s2 =	sld [smem:$0x3FAA]  }
0x29: {  	s4 =	sld [smem:$0x3FAC]  }
0x2a: {  	p0 =	seq.s32 s5, $0x0;
	s5 =	sld [smem:$0x3FAD]  }
0x2b: {  	s6 =	sld [smem:$0x3FAE]  }
0x2c: {  	s7 =	sld [smem:$0x3FAF]  }
0x2d: {  	s3 =	simm.s32 $0x108;
	s8 =	sld [smem:$0x3FB0]  }
0x2e: {  	s3 =	simm.s32 @!p0 $0x1082;
	s9 =	sld [smem:$0x3FB1]  }
0x2f: {  	lr =	sadd.s32 s0, s3;
	s0 =	sld [smem:$0x3FA8]  }
0x30: {  	s3 =	sld [smem:$0x3FAB]  }
0x31: {  	[smem:$0x3FB4] =	sst s10  }
0x32: {  	s10 =	sld [smem:$0x3FB2];
	_ =	sdelay $0x3  }
0x33: {  	p0 =	seq.s32 s10, $0x1;
	s10 =	sld [smem:$0x3FB4];
	_ =	sdelay $0x3  }
0x34: {  	[smem:$0x3FB4] =	sst s10  }
0x35: {  	s10 =	sld [smem:$0x3FB3];
	_ =	sdelay $0x3  }
0x36: {  	p1 =	seq.s32 s10, $0x1;
	s10 =	sld [smem:$0x3FB4];
	_ =	sdelay $0x3  }
0x37: {  	[smem:$0x3FB4] =	sst s10  }
0x38: {  	s10 =	sld [smem:$0x3FB5]  }
0x39: {  	_ = 	snop;
	(pc) =	sbr.ind lr, $3  }
0x3a: {  	_ = 	snop  }
0x3b: {  	_ = 	snop  }
0x3c: {  	p2 =	seq.s32 s10, $0x1;
	s10 =	sld [smem:$0x3FB4]  }
0x3d: {  	_ =	shalt  }
0x3e: {  	_ =	shalt  }
0x3f: {  	_ =	shalt  }
0x40: {  	_ =	shalt  }
0x41: {  	_ =	shalt  }
0x42: {  	_ =	shalt  }
0x43: {  	_ =	shalt  }
0x44: {  	_ =	shalt  }
0x45: {  	_ =	shalt  }
0x46: {  	_ =	shalt  }
0x47: {  	_ =	shalt  }
0x48: {  	_ =	shalt  }
0x49: {  	_ =	shalt  }
0x4a: {  	_ =	shalt  }
0x4b: {  	_ =	shalt  }
0x4c: {  	_ =	shalt  }
0x4d: {  	_ =	shalt  }
0x4e: {  	_ =	shalt  }
0x4f: {  	_ =	shalt  }
0x50: {  	_ =	shalt  }
0x51: {  	_ =	shalt  }
0x52: {  	_ =	shalt  }
0x53: {  	_ =	shalt  }
0x54: {  	_ =	shalt  }
0x55: {  	_ =	shalt  }
0x56: {  	_ =	shalt  }
0x57: {  	_ =	shalt  }
0x58: {  	_ =	shalt  }
0x59: {  	_ =	shalt  }
0x5a: {  	_ =	shalt  }
0x5b: {  	_ =	shalt  }
0x5c: {  	_ =	shalt  }
0x5d: {  	_ =	shalt  }
0x5e: {  	_ =	shalt  }
0x5f: {  	_ =	shalt  }
0x60: {  	_ =	shalt  }
0x61: {  	_ =	shalt  }
0x62: {  	_ =	shalt  }
0x63: {  	_ =	shalt  }
0x64: {  	_ =	shalt  }
0x65: {  	_ =	shalt  }
0x66: {  	_ =	shalt  }
0x67: {  	_ =	shalt  }
0x68: {  	_ =	shalt  }
0x69: {  	_ =	shalt  }
0x6a: {  	_ =	shalt  }
0x6b: {  	_ =	shalt  }
0x6c: {  	_ =	shalt  }
0x6d: {  	_ =	shalt  }
0x6e: {  	_ =	shalt  }
0x6f: {  	_ =	shalt  }
0x70: {  	_ =	shalt  }
0x71: {  	_ =	shalt  }
0x72: {  	_ =	shalt  }
0x73: {  	_ =	shalt  }
0x74: {  	_ =	shalt  }
0x75: {  	_ =	shalt  }
0x76: {  	_ =	shalt  }
0x77: {  	_ =	shalt  }
0x78: {  	_ =	shalt  }
0x79: {  	_ =	shalt  }
0x7a: {  	_ =	shalt  }
0x7b: {  	_ =	shalt  }
0x7c: {  	_ =	shalt  }
0x7d: {  	_ =	shalt  }
0x7e: {  	_ =	shalt  }
0x7f: {  	_ =	shalt  }
0x80: {  	_ =	shalt  }
0x81: {  	_ =	shalt  }
0x82: {  	_ =	shalt  }
0x83: {  	_ =	shalt  }
0x84: {  	_ =	shalt  }
0x85: {  	_ =	shalt  }
0x86: {  	_ =	shalt  }
0x87: {  	_ =	shalt  }
.Lfunc_end0:
.L_simem_size_0:
called_computation.1_lowered:
.L_overlay_start_0:
0x88: {  	s2 =	sld [smem:$0x3FD9]  }
0x89: {  	s3 =	sld [smem:$0x3FFE];
	_ =	sdelay $0x1  }
0x8a: {  	s1 =	srdreg.scid  }
0x8b: {  	s0 =	sand.u32 $0x1, s1  }
0x8c: {  	s17 =	sshll.u32 s0, $0xA;
	s2 =	sadd.s32 s3, s2  }
0x8d: {  	s2 =	sadd.s32 s2, s17  }
0x8e: {  	[smem:$0x3FC0] =	sst s2  }
0x8f: {  	_ = 	snop  }
0x90: {  	s2 =	sld [smem:$0x3FD0];
	(tm) =	ssettm $0x1  }
0x91: {  	s18 =	sld [smem:$0x3FFB];
	_ =	sdelay $0x3  }
0x92: {  	_ =	strace s18  }
0x93: {  	s3 =	sld [smem:$0x3FFC];
	_ =	sdelay $0x3  }
0x94: {  	_ =	strace s3  }
0x95: {  	s3 =	sld [smem:$0x3FFD];
	_ =	sdelay $0x3  }
0x96: {  	_ =	strace s3  }
0x97: {  	_ =	strace $0x8FFFFFFF  }
0x98: {  	s19 =	sld [smem:$0x3FDB];
	_ =	sdelay $0x1  }
0x99: {  	s4 =	simm.s32 $_scs_section_size  }
0x9a: {  	s5 =	simm.s32 $_size__tile_overlayer_lowered;
	s6 =	simm.s32 $_tile_overlayer_lowered  }
0x9b: {  	s22 =	simm.s32 $0x1BFF;
	s21 =	sshll.u32 s6, $0x1;
	s3 =	sadd.s32 s4, s19  }
0x9c: {  	s7 =	simm.s32 $0x0;
	s20 =	sshll.u32 s5, $0x1;
	s5 =	sadd.s32 s21, s3  }
0x9d: {  	[timem:s7], [sflag:s22] =	dma.local [hbm:s5], s20  }
0x9e: {  	_ =	swait.ge [sflag:s22], s20  }
0x9f: {  	s4 =	ssub.s32 $0x0, s20;
	[sflag:s22] =	ssyncset.done $0x0  }
0xa0: {  	[sflag:s22] =	ssyncadd.s32 s4;
	_ =	sdelay $0x1  }
0xa1: {  	s23 =	simm.s32 $0x1B8B  }
0xa2: {  	_ =	swait.ge [sflag:s23], $0x1  }
0xa3: {  	[sflag:s23] =	ssyncset.done $0x0  }
0xa4: {  	s25 =	simm.s32 $0x1B8E;
	s24 =	sld [smem:$0x3FFE];
	[sflag:s23] =	ssyncadd.s32 $0xFFFFFFFF  }
0xa5: {  	s26 =	simm.s32 $execute0_lowered;
	[smem:$0x3FD2] =	sst s25  }
0xa6: {  	s5 =	sshll.u32 s26, $0x1;
	_ =	strace $0x80000049;
	[dreg:$0x1] =	wrdreg $0xFFFFFFFF  }
0xa7: {  	s28 =	simm.s32 $_size_execute0_lowered;
	s3 =	sadd.s32 s3, s5;
	[dreg:$0x0] =	wrdreg $0x0  }
0xa8: {  	s5 =	sshll.u32 s28, $0x1;
	[dreg:$0x2] =	wrdreg s3  }
0xa9: {  	[dreg:$0x3] =	wrdreg s5  }
0xaa: {  	[dreg:$0x4] =	wrdreg $0xC0  }
0xab: {  	_ =	task [dreg:s7], $0x5FFFF  }
0xac: {  	[dreg:$0x1] =	wrdreg $0xFFFFFFFF  }
0xad: {  	[dreg:$0x0] =	wrdreg $0x60  }
0xae: {  	[dreg:$0x2] =	wrdreg s2  }
0xaf: {  	[dreg:$0x3] =	wrdreg s24  }
0xb0: {  	[dreg:$0x4] =	wrdreg $0x120000  }
0xb1: {  	[dreg:$0x5] =	wrdreg $0x9  }
0xb2: {  	_ =	task.clear_ibuf [dreg:s7], $0x6FFFF;
	_ =	strace $0x90000049  }
0xb3: {  	s29 =	simm.s32 $0x9;
	_ =	strace $0x8000004B  }
0xb4: {  	_ =	swait.ge [sflag:s29], $0x1  }
0xb5: {  	[sflag:s29] =	ssyncadd.s32 $0xFFFFFFFF  }
0xb6: {  	_ =	strace $0x9000004B  }
0xb7: {  	_ =	sfence  }
0xb8: {  	s30 =	sld [smem:$0x0];
	_ =	sdelay $0x2  }
0xb9: {  	s31 =	sshll.u32 s1, $0xD;
	s1 =	sshrl.u32 s1, $0x2  }
0xba: {  	s3 =	sand.u32 $0x4000, s31;
	s1 =	sadd.s32 s1, s30  }
0xbb: {  	s0 =	sor.u32 s3, s0;
	s1 =	sshll.u32 s1, $0x11  }
0xbc: {  	s0 =	sor.u32 s1, s0  }
0xbd: {  	s0 =	sadd.s32 $0x8F2B, s0  }
0xbe: {  	[sflag:s0] =	ssyncadd.remote.s32 $0x1  }
0xbf: {  	_ =	sfence.sel $0xFFFF  }
0xc0: {  	[dreg:$0x0] =	wrdreg $0xFFFFFFFF;
	(pc) =	sbr.abs _section_cstart, $3  }
0xc1: {  	[dreg:$0x1] =	wrdreg $0xFFFFFFFF  }
0xc2: {  	_ =	task.clear_ibuf [dreg:s7], $0x2FFFF;
	_ =	strace $0x9FFFFFFF  }
0xc3: {  	(tm) =	ssettm $0x7FFFFFFF  }
tec
execute0_lowered:
.L_overlay_start_1:
0x0: {  	(tag) =	ssettag $0x1  }
0x1: {  	s2 =	rddreg [dreg:$0x0]  }
0x2: {  	s26 =	rddreg [dreg:$0x1]  }
0x3: {  	s3 =	rddreg [dreg:$0x2];
	s1 =	stileid.u32  }
0x4: {  	s0 =	rddreg [dreg:$0x3];
	s4 =	simm.s32 $0x0;
	s6 =	smul.u32 $0xA000, s1  }
0x5: {  	s7 =	srdreg.scid;
	[smem:$0x7FF] =	sst s4;
	s5 =	sadd.s32 $0x16800, s26  }
0x6: {  	s28 =	sand.u32 $0x1, s7;
	s30 =	sshll.u32 s1, $0x6;
	s6 =	sshrl.u32 s6, $0x2  }
0x7: {  	s7 =	simm.s32 $0x3;
	_ =	strace $0x8000004A;
	s25 =	sadd.s32 s6, s3  }
0x8: {  	s9 =	sshll.u32 s28, $0x4;
	s6 =	sor.u32 $0x1C03, s30;
	s8 =	sshrl.u32 s25, $0x3  }
0x9: {  	[spmem:s8], [sflag:s6] =	dma.local [hbm:s5], $0x500  }
0xa: {  	s12 =	sor.u32 s1, s9;
	_ =	swait.ge [sflag:s7], $0x500  }
0xb: {  	s10 =	smul.u32 $0x500, s12;
	[sflag:s7] =	ssyncset.done $0x0  }
0xc: {  	s24 =	sadd.s32 $0xC800, s26;
	[sflag:s7] =	ssyncadd.s32 $0xFFFFFB00  }
0xd: {  	s9 =	sadd.s32 s24, s10;
	[bflag:$0x0] =	sbarrier.arrive $0xFFFF  }
0xe: {  	[tilespmem:s4], [sflag:$0x3] =	stream.linear.gather [hbm4b:s9+s4], $0x800, $0x38;
	[tilespmem:$0x14800] =	vst v63  }
0xf: {  	_ =	swait.ge [sflag:s7], $0x800  }
0x10: {  	s25 =	sadd.s32 $0x2800, s26;
	[sflag:s7] =	ssyncset.done $0x0  }
0x11: {  	s11 =	simm.s32 $0x800;
	s10 =	sadd.s32 s25, s10;
	[sflag:s7] =	ssyncadd.s32 $0xFFFFF800  }
0x12: {  	[tilespmem:s11], [sflag:$0x3] =	stream.linear.gather [hbm4b:s10+s4], $0x800, $0x38;
	[tilespmem:$0x14800] =	vst v63  }
0x13: {  	_ =	swait.ge [sflag:s7], $0x800  }
0x14: {  	s13 =	simm.s32 $0x1;
	[sflag:s7] =	ssyncset.done $0x0  }
0x15: {  	s14 =	smul.u32 $0x2800, s12;
	s12 =	simm.s32 $0x2000;
	[sflag:s7] =	ssyncadd.s32 $0xFFFFF800  }
0x16: {  	[tilespmem:s12], [sflag:$0x1] =	stream.indirect.gather [hbm4b:s2+s11], $0x10, s4, s11, $0xb8;
	[tilespmem:$0x14800] =	vst v63  }
0x17: {  	s29 =	sshrl.u32 s14, $0x3;
	_ =	swait.ge [sflag:s13], $0x8000  }
0x18: {  	s16 =	sadd.s32 $0x100, s29;
	[sflag:s13] =	ssyncset.done $0x0  }
0x19: {  	s15 =	simm.s32 $0x1000;
	s14 =	sadd.s32 s24, s16;
	[sflag:s13] =	ssyncadd.s32 $0xFFFF8000  }
0x1a: {  	[tilespmem:s15], [sflag:$0x3] =	stream.linear.gather [hbm4b:s14+s4], $0x800, $0x38;
	[tilespmem:$0x14800] =	vst v63  }
0x1b: {  	_ =	swait.ge [sflag:s7], $0x800  }
0x1c: {  	[sflag:s7] =	ssyncset.done $0x0  }
0x1d: {  	s17 =	simm.s32 $0x1800;
	s16 =	sadd.s32 s25, s16;
	[sflag:s7] =	ssyncadd.s32 $0xFFFFF800  }
0x1e: {  	[tilespmem:s17], [sflag:$0x3] =	stream.linear.gather [hbm4b:s16+s4], $0x800, $0x38;
	[tilespmem:$0x14800] =	vst v63  }
0x1f: {  	_ =	swait.ge [sflag:s7], $0x800  }
0x20: {  	[sflag:s7] =	ssyncset.done $0x0  }
0x21: {  	s18 =	simm.s32 $0xA000;
	[sflag:s7] =	ssyncadd.s32 $0xFFFFF800  }
0x22: {  	[tilespmem:s18], [sflag:$0x1] =	stream.indirect.gather [hbm4b:s2+s11], $0x10, s15, s11, $0xb8;
	[tilespmem:$0x14800] =	vst v63  }
0x23: {  	_ = 	snop  }
0x24: {  	[spmem:s3] =	stream.indirect.scatter.add.f32 [tilespmem:s12], [sflag:$0x2], $0x10, s11, s11, $0xb8;
	[tilespmem:$0x14800] =	vst v63  }
0x25: {  	_ =	swait.ge [sflag:s13], $0x8000  }
0x26: {  	[sflag:s13] =	ssyncset.done $0x0  }
0x27: {  	s19 =	simm.s32 $0x2;
	[sflag:s13] =	ssyncadd.s32 $0xFFFF8000  }
0x28: {  	_ =	swait.ge [sflag:s19], $0x8000  }
0x29: {  	s21 =	sadd.s32 $0x200, s29;
	[sflag:s19] =	ssyncset.done $0x0  }
0x2a: {  	s20 =	sadd.s32 s24, s21;
	[sflag:s19] =	ssyncadd.s32 $0xFFFF8000  }
0x2b: {  	[tilespmem:s4], [sflag:$0x3] =	stream.linear.gather [hbm4b:s20+s4], $0x800, $0x38;
	[tilespmem:$0x14800] =	vst v63  }
0x2c: {  	_ =	swait.ge [sflag:s7], $0x800  }
0x2d: {  	[sflag:s7] =	ssyncset.done $0x0  }
0x2e: {  	s21 =	sadd.s32 s25, s21;
	[sflag:s7] =	ssyncadd.s32 $0xFFFFF800  }
0x2f: {  	[tilespmem:s11], [sflag:$0x3] =	stream.linear.gather [hbm4b:s21+s4], $0x800, $0x38;
	[tilespmem:$0x14800] =	vst v63  }
0x30: {  	_ =	swait.ge [sflag:s7], $0x800  }
0x31: {  	[sflag:s7] =	ssyncset.done $0x0  }
0x32: {  	[sflag:s7] =	ssyncadd.s32 $0xFFFFF800  }
0x33: {  	[tilespmem:s12], [sflag:$0x1] =	stream.indirect.gather [hbm4b:s2+s11], $0x10, s4, s11, $0xb8;
	[tilespmem:$0x14800] =	vst v63  }
0x34: {  	_ = 	snop  }
0x35: {  	[spmem:s3] =	stream.indirect.scatter.add.f32 [tilespmem:s18], [sflag:$0x2], $0x10, s17, s11, $0xb8;
	[tilespmem:$0x14800] =	vst v63  }
0x36: {  	_ =	swait.ge [sflag:s13], $0x8000  }
0x37: {  	[sflag:s13] =	ssyncset.done $0x0  }
0x38: {  	[sflag:s13] =	ssyncadd.s32 $0xFFFF8000  }
0x39: {  	_ =	swait.ge [sflag:s19], $0x8000  }
0x3a: {  	s23 =	sadd.s32 $0x300, s29;
	[sflag:s19] =	ssyncset.done $0x0  }
0x3b: {  	s22 =	sadd.s32 s24, s23;
	[sflag:s19] =	ssyncadd.s32 $0xFFFF8000  }
0x3c: {  	[tilespmem:s15], [sflag:$0x3] =	stream.linear.gather [hbm4b:s22+s4], $0x800, $0x38;
	[tilespmem:$0x14800] =	vst v63  }
0x3d: {  	_ =	swait.ge [sflag:s7], $0x800  }
0x3e: {  	[sflag:s7] =	ssyncset.done $0x0  }
0x3f: {  	s23 =	sadd.s32 s25, s23;
	[sflag:s7] =	ssyncadd.s32 $0xFFFFF800  }
0x40: {  	[tilespmem:s17], [sflag:$0x3] =	stream.linear.gather [hbm4b:s23+s4], $0x800, $0x38;
	[tilespmem:$0x14800] =	vst v63  }
0x41: {  	_ =	swait.ge [sflag:s7], $0x800  }
0x42: {  	[sflag:s7] =	ssyncset.done $0x0  }
0x43: {  	[sflag:s7] =	ssyncadd.s32 $0xFFFFF800  }
0x44: {  	[tilespmem:s18], [sflag:$0x1] =	stream.indirect.gather [hbm4b:s2+s11], $0x10, s15, s11, $0xb8;
	[tilespmem:$0x14800] =	vst v63  }
0x45: {  	_ = 	snop  }
0x46: {  	[spmem:s3] =	stream.indirect.scatter.add.f32 [tilespmem:s12], [sflag:$0x2], $0x10, s11, s11, $0xb8;
	[tilespmem:$0x14800] =	vst v63  }
0x47: {  	_ =	swait.ge [sflag:s13], $0x8000  }
0x48: {  	[sflag:s13] =	ssyncset.done $0x0  }
0x49: {  	[sflag:s13] =	ssyncadd.s32 $0xFFFF8000  }
0x4a: {  	_ =	swait.ge [sflag:s19], $0x8000  }
0x4b: {  	s29 =	sadd.s32 $0x400, s29;
	[sflag:s19] =	ssyncset.done $0x0  }
0x4c: {  	s24 =	sadd.s32 s24, s29;
	[sflag:s19] =	ssyncadd.s32 $0xFFFF8000  }
0x4d: {  	[tilespmem:s4], [sflag:$0x3] =	stream.linear.gather [hbm4b:s24+s4], $0x800, $0x38;
	[tilespmem:$0x14800] =	vst v63  }
0x4e: {  	_ =	swait.ge [sflag:s7], $0x800  }
0x4f: {  	[sflag:s7] =	ssyncset.done $0x0  }
0x50: {  	s25 =	sadd.s32 s25, s29;
	[sflag:s7] =	ssyncadd.s32 $0xFFFFF800  }
0x51: {  	[tilespmem:s11], [sflag:$0x3] =	stream.linear.gather [hbm4b:s25+s4], $0x800, $0x38;
	[tilespmem:$0x14800] =	vst v63  }
0x52: {  	_ =	swait.ge [sflag:s7], $0x800  }
0x53: {  	[sflag:s7] =	ssyncset.done $0x0  }
0x54: {  	[sflag:s7] =	ssyncadd.s32 $0xFFFFF800  }
0x55: {  	[tilespmem:s12], [sflag:$0x1] =	stream.indirect.gather [hbm4b:s2+s11], $0x10, s4, s11, $0xb8;
	[tilespmem:$0x14800] =	vst v63  }
0x56: {  	_ = 	snop  }
0x57: {  	[spmem:s3] =	stream.indirect.scatter.add.f32 [tilespmem:s18], [sflag:$0x2], $0x10, s17, s11, $0xb8;
	[tilespmem:$0x14800] =	vst v63  }
0x58: {  	_ =	swait.ge [sflag:s13], $0x8000  }
0x59: {  	[sflag:s13] =	ssyncset.done $0x0  }
0x5a: {  	s30 =	smul.u32 $0x2800, s1;
	[sflag:s13] =	ssyncadd.s32 $0xFFFF8000  }
0x5b: {  	s29 =	smul.u32 $0x28000, s28;
	s28 =	ssub.s32 $0x2, s28;
	_ =	swait.ge [sflag:s19], $0x8000  }
0x5c: {  	s31 =	sshrl.u32 s28, $0x1;
	[sflag:s19] =	ssyncset.done $0x0  }
0x5d: {  	s29 =	sadd.s32 s30, s29;
	s28 =	ssub.s32 s28, s31;
	[sflag:s19] =	ssyncadd.s32 $0xFFFF8000  }
0x5e: {  	[spmem:s3] =	stream.indirect.scatter.add.f32 [tilespmem:s12], [sflag:$0x2], $0x10, s11, s11, $0xb8;
	[tilespmem:$0x14800] =	vst v63  }
0x5f: {  	s29 =	sshrl.u32 s29, $0x3;
	s31 =	smax.u32 s28, $0x1;
	_ =	swait.ge [sflag:s19], $0x8000  }
0x60: {  	s26 =	sadd.s32 s29, s26;
	p0 =	sne.s32 s31, $0x1;
	[sflag:s19] =	ssyncset.done $0x0  }
.Ltmp0:
0x61: {  	s29 =	sadd.s32 s30, s3;
	[sflag:s19] =	ssyncadd.s32 $0xFFFF8000;
	(pc) =	sbr.rel @!p0 .LBB2_2-.Ltmp0, $4  }
0x62: {  	s26 =	sadd.s32 $0x16E00, s26;
	s28 =	sshrl.u32 s29, $0x3;
	[bflag:$0x0] =	sbarrier.arrive $0xFFFF  }
0x63: {  	[hbm:s26], [sflag:s6] =	dma.local [spmem:s28], $0x500  }
0x64: {  	_ =	swait.ge [sflag:s7], $0x500  }
0x65: {  	s29 =	sadd.s32 $0xFFFFFFFF, s31;
	[sflag:s7] =	ssyncset.done $0x0  }
.LBB2_1:
0x66: {  	p0 =	sne.s32 s29, $0x1;
	s29 =	sadd.s32 $0xFFFFFFFF, s29;
	[sflag:s7] =	ssyncadd.s32 $0xFFFFFB00  }
0x67: {  	[spmem:s8], [sflag:s6] =	dma.local [hbm:s5], $0x500  }
0x68: {  	_ =	swait.ge [sflag:s7], $0x500  }
0x69: {  	[sflag:s7] =	ssyncset.done $0x0  }
0x6a: {  	[sflag:s7] =	ssyncadd.s32 $0xFFFFFB00  }
0x6b: {  	[bflag:$0x0] =	sbarrier.arrive $0xFFFF  }
0x6c: {  	[tilespmem:s4], [sflag:$0x3] =	stream.linear.gather [hbm4b:s9+s4], $0x800, $0x38;
	[tilespmem:$0x14800] =	vst v63  }
0x6d: {  	_ =	swait.ge [sflag:s7], $0x800  }
0x6e: {  	[sflag:s7] =	ssyncset.done $0x0  }
0x6f: {  	[sflag:s7] =	ssyncadd.s32 $0xFFFFF800  }
0x70: {  	[tilespmem:s11], [sflag:$0x3] =	stream.linear.gather [hbm4b:s10+s4], $0x800, $0x38;
	[tilespmem:$0x14800] =	vst v63  }
0x71: {  	_ =	swait.ge [sflag:s7], $0x800  }
0x72: {  	[sflag:s7] =	ssyncset.done $0x0  }
0x73: {  	[sflag:s7] =	ssyncadd.s32 $0xFFFFF800  }
0x74: {  	[tilespmem:s12], [sflag:$0x1] =	stream.indirect.gather [hbm4b:s2+s11], $0x10, s4, s11, $0xb8;
	[tilespmem:$0x14800] =	vst v63  }
0x75: {  	_ =	swait.ge [sflag:s13], $0x8000  }
0x76: {  	[sflag:s13] =	ssyncset.done $0x0  }
0x77: {  	[sflag:s13] =	ssyncadd.s32 $0xFFFF8000  }
0x78: {  	[tilespmem:s15], [sflag:$0x3] =	stream.linear.gather [hbm4b:s14+s4], $0x800, $0x38;
	[tilespmem:$0x14800] =	vst v63  }
0x79: {  	_ =	swait.ge [sflag:s7], $0x800  }
0x7a: {  	[sflag:s7] =	ssyncset.done $0x0  }
0x7b: {  	[sflag:s7] =	ssyncadd.s32 $0xFFFFF800  }
0x7c: {  	[tilespmem:s17], [sflag:$0x3] =	stream.linear.gather [hbm4b:s16+s4], $0x800, $0x38;
	[tilespmem:$0x14800] =	vst v63  }
0x7d: {  	_ =	swait.ge [sflag:s7], $0x800  }
0x7e: {  	[sflag:s7] =	ssyncset.done $0x0  }
0x7f: {  	[sflag:s7] =	ssyncadd.s32 $0xFFFFF800  }
0x80: {  	[tilespmem:s18], [sflag:$0x1] =	stream.indirect.gather [hbm4b:s2+s11], $0x10, s15, s11, $0xb8;
	[tilespmem:$0x14800] =	vst v63  }
0x81: {  	_ = 	snop  }
0x82: {  	[spmem:s3] =	stream.indirect.scatter.add.f32 [tilespmem:s12], [sflag:$0x2], $0x10, s11, s11, $0xb8;
	[tilespmem:$0x14800] =	vst v63  }
0x83: {  	_ =	swait.ge [sflag:s13], $0x8000  }
0x84: {  	[sflag:s13] =	ssyncset.done $0x0  }
0x85: {  	[sflag:s13] =	ssyncadd.s32 $0xFFFF8000  }
0x86: {  	_ =	swait.ge [sflag:s19], $0x8000  }
0x87: {  	[sflag:s19] =	ssyncset.done $0x0  }
0x88: {  	[sflag:s19] =	ssyncadd.s32 $0xFFFF8000  }
0x89: {  	[tilespmem:s4], [sflag:$0x3] =	stream.linear.gather [hbm4b:s20+s4], $0x800, $0x38;
	[tilespmem:$0x14800] =	vst v63  }
0x8a: {  	_ =	swait.ge [sflag:s7], $0x800  }
0x8b: {  	[sflag:s7] =	ssyncset.done $0x0  }
0x8c: {  	[sflag:s7] =	ssyncadd.s32 $0xFFFFF800  }
0x8d: {  	[tilespmem:s11], [sflag:$0x3] =	stream.linear.gather [hbm4b:s21+s4], $0x800, $0x38;
	[tilespmem:$0x14800] =	vst v63  }
0x8e: {  	_ =	swait.ge [sflag:s7], $0x800  }
0x8f: {  	[sflag:s7] =	ssyncset.done $0x0  }
0x90: {  	[sflag:s7] =	ssyncadd.s32 $0xFFFFF800  }
0x91: {  	[tilespmem:s12], [sflag:$0x1] =	stream.indirect.gather [hbm4b:s2+s11], $0x10, s4, s11, $0xb8;
	[tilespmem:$0x14800] =	vst v63  }
0x92: {  	_ = 	snop  }
0x93: {  	[spmem:s3] =	stream.indirect.scatter.add.f32 [tilespmem:s18], [sflag:$0x2], $0x10, s17, s11, $0xb8;
	[tilespmem:$0x14800] =	vst v63  }
0x94: {  	_ =	swait.ge [sflag:s13], $0x8000  }
0x95: {  	[sflag:s13] =	ssyncset.done $0x0  }
0x96: {  	[sflag:s13] =	ssyncadd.s32 $0xFFFF8000  }
0x97: {  	_ =	swait.ge [sflag:s19], $0x8000  }
0x98: {  	[sflag:s19] =	ssyncset.done $0x0  }
0x99: {  	[sflag:s19] =	ssyncadd.s32 $0xFFFF8000  }
0x9a: {  	[tilespmem:s15], [sflag:$0x3] =	stream.linear.gather [hbm4b:s22+s4], $0x800, $0x38;
	[tilespmem:$0x14800] =	vst v63  }
0x9b: {  	_ =	swait.ge [sflag:s7], $0x800  }
0x9c: {  	[sflag:s7] =	ssyncset.done $0x0  }
0x9d: {  	[sflag:s7] =	ssyncadd.s32 $0xFFFFF800  }
0x9e: {  	[tilespmem:s17], [sflag:$0x3] =	stream.linear.gather [hbm4b:s23+s4], $0x800, $0x38;
	[tilespmem:$0x14800] =	vst v63  }
0x9f: {  	_ =	swait.ge [sflag:s7], $0x800  }
0xa0: {  	[sflag:s7] =	ssyncset.done $0x0  }
0xa1: {  	[sflag:s7] =	ssyncadd.s32 $0xFFFFF800  }
0xa2: {  	[tilespmem:s18], [sflag:$0x1] =	stream.indirect.gather [hbm4b:s2+s11], $0x10, s15, s11, $0xb8;
	[tilespmem:$0x14800] =	vst v63  }
0xa3: {  	_ = 	snop  }
0xa4: {  	[spmem:s3] =	stream.indirect.scatter.add.f32 [tilespmem:s12], [sflag:$0x2], $0x10, s11, s11, $0xb8;
	[tilespmem:$0x14800] =	vst v63  }
0xa5: {  	_ =	swait.ge [sflag:s13], $0x8000  }
0xa6: {  	[sflag:s13] =	ssyncset.done $0x0  }
0xa7: {  	[sflag:s13] =	ssyncadd.s32 $0xFFFF8000  }
0xa8: {  	_ =	swait.ge [sflag:s19], $0x8000  }
0xa9: {  	[sflag:s19] =	ssyncset.done $0x0  }
0xaa: {  	[sflag:s19] =	ssyncadd.s32 $0xFFFF8000  }
0xab: {  	[tilespmem:s4], [sflag:$0x3] =	stream.linear.gather [hbm4b:s24+s4], $0x800, $0x38;
	[tilespmem:$0x14800] =	vst v63  }
0xac: {  	_ =	swait.ge [sflag:s7], $0x800  }
0xad: {  	[sflag:s7] =	ssyncset.done $0x0  }
0xae: {  	[sflag:s7] =	ssyncadd.s32 $0xFFFFF800  }
0xaf: {  	[tilespmem:s11], [sflag:$0x3] =	stream.linear.gather [hbm4b:s25+s4], $0x800, $0x38;
	[tilespmem:$0x14800] =	vst v63  }
0xb0: {  	_ =	swait.ge [sflag:s7], $0x800  }
0xb1: {  	[sflag:s7] =	ssyncset.done $0x0  }
0xb2: {  	[sflag:s7] =	ssyncadd.s32 $0xFFFFF800  }
0xb3: {  	[tilespmem:s12], [sflag:$0x1] =	stream.indirect.gather [hbm4b:s2+s11], $0x10, s4, s11, $0xb8;
	[tilespmem:$0x14800] =	vst v63  }
0xb4: {  	_ = 	snop  }
0xb5: {  	[spmem:s3] =	stream.indirect.scatter.add.f32 [tilespmem:s18], [sflag:$0x2], $0x10, s17, s11, $0xb8;
	[tilespmem:$0x14800] =	vst v63  }
0xb6: {  	_ =	swait.ge [sflag:s13], $0x8000  }
0xb7: {  	[sflag:s13] =	ssyncset.done $0x0  }
0xb8: {  	[sflag:s13] =	ssyncadd.s32 $0xFFFF8000  }
0xb9: {  	_ =	swait.ge [sflag:s19], $0x8000  }
0xba: {  	[sflag:s19] =	ssyncset.done $0x0  }
0xbb: {  	[sflag:s19] =	ssyncadd.s32 $0xFFFF8000  }
0xbc: {  	[spmem:s3] =	stream.indirect.scatter.add.f32 [tilespmem:s12], [sflag:$0x2], $0x10, s11, s11, $0xb8;
	[tilespmem:$0x14800] =	vst v63  }
0xbd: {  	_ =	swait.ge [sflag:s19], $0x8000  }
0xbe: {  	[sflag:s19] =	ssyncset.done $0x0  }
.Ltmp1:
0xbf: {  	[sflag:s19] =	ssyncadd.s32 $0xFFFF8000;
	(pc) =	sbr.rel @p0 .LBB2_1-.Ltmp1, $4  }
0xc0: {  	[bflag:$0x0] =	sbarrier.arrive $0xFFFF  }
0xc1: {  	[hbm:s26], [sflag:s6] =	dma.local [spmem:s28], $0x500  }
0xc2: {  	_ =	swait.ge [sflag:s7], $0x500  }
0xc3: {  	[sflag:s7] =	ssyncset.done $0x0  }
.LBB2_2:
0xc4: {  	[sflag:s7] =	ssyncadd.s32 $0xFFFFFB00  }
0xc5: {  	_ =	sfence.sel $0x180000  }
0xc6: {  	[bflag:$0x0] =	sbarrier.arrive $0xFFFF  }
0xc7: {  	p0 =	sne.s32 s1, $0x0;
	_ =	strace $0x9000004A  }
0xc8: {  	s0 =	sadd.s32 @!p0 $0x100000, s0;
	[bflag:$0x2] =	sbarrier.arrive $0xFFFF  }
0xc9: {  	[sflag:s0] =	ssyncadd.tile.s32 @!p0 $0x1;
	_ =	shalt  }
.Lfunc_end2:
_tile_overlayer_lowered:
.L_overlay_start_2:
0xca: {  	(tag) =	ssettag $0x2  }
0xcb: {  	s0 =	rddreg [dreg:$0x0];
	s2 =	stileid.u32  }
0xcc: {  	s1 =	rddreg [dreg:$0x1];
	p0 =	sne.s32 s2, $0x0  }
0xcd: {  	s3 =	rddreg [dreg:$0x2];
	[bflag:$0x3] =	sbarrier.arrive $0xFFFF;
	s2 =	simm.s32 @!p0 $0x1C03  }
0xce: {  	[timem:s3], [sflag:s2] =	dma.local @!p0 [hbm:s0], s1  }
0xcf: {  	s0 =	simm.s32 @!p0 $0x3  }
0xd0: {  	_ =	swait.ge @!p0 [sflag:s0], s1  }
0xd1: {  	s1 =	ssub.s32 @!p0 $0x0, s1;
	[sflag:s0] =	ssyncset.done @!p0 $0x0  }
0xd2: {  	[sflag:s0] =	ssyncadd.s32 @!p0 s1  }
0xd3: {  	[bflag:$0x3] =	sbarrier.arrive $0xFFFF  }
0xd4: {  	_ =	shalt  }

// kernel: kernel.14.cloned.1.call-start
scs
__scs_entry_jumppad:
0x0: {  	(pc) =	sbr.rel $0x88, $3  }
0x1: {  	(tag) =	ssettag $0x0;
	lr =	simm.s32 $0x1  }
0x2: {  	[smem:$0x3F99] =	sst lr;
	_ =	strace $0xD0000000  }
0x3: {  	_ = 	snop  }
0x4: {  	_ = 	snop  }
0x5: {  	_ = 	snop  }
0x6: {  	_ = 	snop  }
0x7: {  	_ = 	snop  }
__scs_overlays_trampoline_lowered:
0x8: {  	[smem:$0x3FA8] =	sst s0  }
0x9: {  	[smem:$0x3FA9] =	sst s1  }
0xa: {  	[smem:$0x3FAA] =	sst s2  }
0xb: {  	[smem:$0x3FAB] =	sst s3  }
0xc: {  	[smem:$0x3FAC] =	sst s4  }
0xd: {  	[smem:$0x3FAD] =	sst s5  }
0xe: {  	[smem:$0x3FAE] =	sst s6  }
0xf: {  	[smem:$0x3FAF] =	sst s7  }
0x10: {  	[smem:$0x3FB0] =	sst s8  }
0x11: {  	[smem:$0x3FB1] =	sst s9;
	s0 =	simm.s32 @!p0 $0x0  }
0x12: {  	s1 =	sld [smem:$0x3F97];
	s0 =	simm.s32 @p0 $0x1  }
0x13: {  	[smem:$0x3FB2] =	sst s0;
	s0 =	simm.s32 @!p1 $0x0  }
0x14: {  	s2 =	sld [smem:$0x3F96];
	s0 =	simm.s32 @p1 $0x1  }
0x15: {  	[smem:$0x3FB3] =	sst s0;
	s0 =	simm.s32 @!p2 $0x0  }
0x16: {  	s3 =	sld [smem:$0x3FDB];
	s0 =	simm.s32 @p2 $0x1  }
0x17: {  	s4 =	simm.s32 $0x1BF5;
	[smem:$0x3FB5] =	sst s0  }
0x18: {  	s0 =	sld [smem:$0x3F98];
	_ =	swait.ge [sflag:s4], $0x0  }
0x19: {  	s7 =	sld [smem:$0x3F99]  }
0x1a: {  	s8 =	sadd.s32 $0xFFFFE003, lr  }
0x1b: {  	s9 =	sadd.s32 $0xFFFFFEF7, lr;
	s5 =	simm.s32 $0xFFFFFFFF;
	p2 =	slt.u32 s8, $0xFFFFF086  }
0x1c: {  	p1 =	slt.u32 s9, $0xF7A;
	s5 =	simm.s32 @!p2 $0x0  }
0x1d: {  	s5 =	simm.s32 @p1 $0x1;
	p0 =	seq.s32 s7, s2  }
0x1e: {  	s7 =	smul.u32 @!p0 $0xF7A, s2;
	p2 =	seq.s32 @!p0 s5, $0x0  }
0x1f: {  	s9 =	smul.u32 $0xF7A, s1;
	s8 =	simm.s32 @!p0 $0x1BF5;
	p2 =	por !p2, p0  }
0x20: {  	[sflag:s8] =	ssyncset.s32 @!p0 $0xFFFFF086;
	s6 =	sadd.s32 @!p0 s3, s7;
	s7 =	simm.s32 @!p0 $0x108  }
0x21: {  	s3 =	sadd.s32 s3, s9;
	s6 =	sadd.s32 @!p0 $0x88, s6;
	s7 =	simm.s32 @p2 $0x1082  }
0x22: {  	[simem:s7], [sflag:s8] =	dma.local @!p0 [hbm:s6], $0xF7A  }
0x23: {  	s9 =	sor.u32 $0xD0000000, s2;
	s6 =	simm.s32 $0x108;
	_ =	swait.ge @!p0 [sflag:s8], $0x0  }
0x24: {  	s3 =	sadd.s32 $0x88, s3;
	s6 =	simm.s32 @!p1 $0x1082;
	[sflag:s4] =	ssyncset.s32 $0xFFFFF086  }
0x25: {  	[simem:s6], [sflag:s4] =	dma.local [hbm:s3], $0xF7A  }
0x26: {  	[smem:$0x3F99] =	sst s1;
	(tag) =	ssettag s2;
	_ =	strace s9  }
0x27: {  	s1 =	sld [smem:$0x3FA9]  }
0x28: {  	s2 =	sld [smem:$0x3FAA]  }
0x29: {  	s4 =	sld [smem:$0x3FAC]  }
0x2a: {  	p0 =	seq.s32 s5, $0x0;
	s5 =	sld [smem:$0x3FAD]  }
0x2b: {  	s6 =	sld [smem:$0x3FAE]  }
0x2c: {  	s7 =	sld [smem:$0x3FAF]  }
0x2d: {  	s3 =	simm.s32 $0x108;
	s8 =	sld [smem:$0x3FB0]  }
0x2e: {  	s3 =	simm.s32 @!p0 $0x1082;
	s9 =	sld [smem:$0x3FB1]  }
0x2f: {  	lr =	sadd.s32 s0, s3;
	s0 =	sld [smem:$0x3FA8]  }
0x30: {  	s3 =	sld [smem:$0x3FAB]  }
0x31: {  	[smem:$0x3FB4] =	sst s10  }
0x32: {  	s10 =	sld [smem:$0x3FB2];
	_ =	sdelay $0x3  }
0x33: {  	p0 =	seq.s32 s10, $0x1;
	s10 =	sld [smem:$0x3FB4];
	_ =	sdelay $0x3  }
0x34: {  	[smem:$0x3FB4] =	sst s10  }
0x35: {  	s10 =	sld [smem:$0x3FB3];
	_ =	sdelay $0x3  }
0x36: {  	p1 =	seq.s32 s10, $0x1;
	s10 =	sld [smem:$0x3FB4];
	_ =	sdelay $0x3  }
0x37: {  	[smem:$0x3FB4] =	sst s10  }
0x38: {  	s10 =	sld [smem:$0x3FB5]  }
0x39: {  	_ = 	snop;
	(pc) =	sbr.ind lr, $3  }
0x3a: {  	_ = 	snop  }
0x3b: {  	_ = 	snop  }
0x3c: {  	p2 =	seq.s32 s10, $0x1;
	s10 =	sld [smem:$0x3FB4]  }
0x3d: {  	_ =	shalt  }
0x3e: {  	_ =	shalt  }
0x3f: {  	_ =	shalt  }
0x40: {  	_ =	shalt  }
0x41: {  	_ =	shalt  }
0x42: {  	_ =	shalt  }
0x43: {  	_ =	shalt  }
0x44: {  	_ =	shalt  }
0x45: {  	_ =	shalt  }
0x46: {  	_ =	shalt  }
0x47: {  	_ =	shalt  }
0x48: {  	_ =	shalt  }
0x49: {  	_ =	shalt  }
0x4a: {  	_ =	shalt  }
0x4b: {  	_ =	shalt  }
0x4c: {  	_ =	shalt  }
0x4d: {  	_ =	shalt  }
0x4e: {  	_ =	shalt  }
0x4f: {  	_ =	shalt  }
0x50: {  	_ =	shalt  }
0x51: {  	_ =	shalt  }
0x52: {  	_ =	shalt  }
0x53: {  	_ =	shalt  }
0x54: {  	_ =	shalt  }
0x55: {  	_ =	shalt  }
0x56: {  	_ =	shalt  }
0x57: {  	_ =	shalt  }
0x58: {  	_ =	shalt  }
0x59: {  	_ =	shalt  }
0x5a: {  	_ =	shalt  }
0x5b: {  	_ =	shalt  }
0x5c: {  	_ =	shalt  }
0x5d: {  	_ =	shalt  }
0x5e: {  	_ =	shalt  }
0x5f: {  	_ =	shalt  }
0x60: {  	_ =	shalt  }
0x61: {  	_ =	shalt  }
0x62: {  	_ =	shalt  }
0x63: {  	_ =	shalt  }
0x64: {  	_ =	shalt  }
0x65: {  	_ =	shalt  }
0x66: {  	_ =	shalt  }
0x67: {  	_ =	shalt  }
0x68: {  	_ =	shalt  }
0x69: {  	_ =	shalt  }
0x6a: {  	_ =	shalt  }
0x6b: {  	_ =	shalt  }
0x6c: {  	_ =	shalt  }
0x6d: {  	_ =	shalt  }
0x6e: {  	_ =	shalt  }
0x6f: {  	_ =	shalt  }
0x70: {  	_ =	shalt  }
0x71: {  	_ =	shalt  }
0x72: {  	_ =	shalt  }
0x73: {  	_ =	shalt  }
0x74: {  	_ =	shalt  }
0x75: {  	_ =	shalt  }
0x76: {  	_ =	shalt  }
0x77: {  	_ =	shalt  }
0x78: {  	_ =	shalt  }
0x79: {  	_ =	shalt  }
0x7a: {  	_ =	shalt  }
0x7b: {  	_ =	shalt  }
0x7c: {  	_ =	shalt  }
0x7d: {  	_ =	shalt  }
0x7e: {  	_ =	shalt  }
0x7f: {  	_ =	shalt  }
0x80: {  	_ =	shalt  }
0x81: {  	_ =	shalt  }
0x82: {  	_ =	shalt  }
0x83: {  	_ =	shalt  }
0x84: {  	_ =	shalt  }
0x85: {  	_ =	shalt  }
0x86: {  	_ =	shalt  }
0x87: {  	_ =	shalt  }
.Lfunc_end0:
.L_simem_size_0:
called_computation.2_lowered:
.L_overlay_start_0:
0x88: {  	s2 =	sld [smem:$0x3FD9]  }
0x89: {  	s3 =	sld [smem:$0x3FFE];
	_ =	sdelay $0x1  }
0x8a: {  	s1 =	srdreg.scid  }
0x8b: {  	s0 =	sand.u32 $0x1, s1  }
0x8c: {  	s17 =	sshll.u32 s0, $0xA;
	s2 =	sadd.s32 s3, s2  }
0x8d: {  	s2 =	sadd.s32 s2, s17  }
0x8e: {  	[smem:$0x3FC0] =	sst s2  }
0x8f: {  	_ = 	snop  }
0x90: {  	s2 =	sld [smem:$0x3FD0];
	(tm) =	ssettm $0x1  }
0x91: {  	s18 =	sld [smem:$0x3FFB];
	_ =	sdelay $0x3  }
0x92: {  	_ =	strace s18  }
0x93: {  	s3 =	sld [smem:$0x3FFC];
	_ =	sdelay $0x3  }
0x94: {  	_ =	strace s3  }
0x95: {  	s3 =	sld [smem:$0x3FFD];
	_ =	sdelay $0x3  }
0x96: {  	_ =	strace s3  }
0x97: {  	_ =	strace $0x8FFFFFFF  }
0x98: {  	s19 =	sld [smem:$0x3FDB];
	_ =	sdelay $0x1  }
0x99: {  	s4 =	simm.s32 $_scs_section_size  }
0x9a: {  	s5 =	simm.s32 $_size__tile_overlayer_lowered;
	s6 =	simm.s32 $_tile_overlayer_lowered  }
0x9b: {  	s22 =	simm.s32 $0x1BFF;
	s21 =	sshll.u32 s6, $0x1;
	s3 =	sadd.s32 s4, s19  }
0x9c: {  	s7 =	simm.s32 $0x0;
	s20 =	sshll.u32 s5, $0x1;
	s5 =	sadd.s32 s21, s3  }
0x9d: {  	[timem:s7], [sflag:s22] =	dma.local [hbm:s5], s20  }
0x9e: {  	_ =	swait.ge [sflag:s22], s20  }
0x9f: {  	s4 =	ssub.s32 $0x0, s20;
	[sflag:s22] =	ssyncset.done $0x0  }
0xa0: {  	[sflag:s22] =	ssyncadd.s32 s4;
	_ =	sdelay $0x1  }
0xa1: {  	s23 =	simm.s32 $0x1B8B  }
0xa2: {  	_ =	swait.ge [sflag:s23], $0x1  }
0xa3: {  	[sflag:s23] =	ssyncset.done $0x0  }
0xa4: {  	s25 =	simm.s32 $0x1B8E;
	s24 =	sld [smem:$0x3FFE];
	[sflag:s23] =	ssyncadd.s32 $0xFFFFFFFF  }
0xa5: {  	s26 =	simm.s32 $execute0_lowered;
	[smem:$0x3FD2] =	sst s25  }
0xa6: {  	s5 =	sshll.u32 s26, $0x1;
	_ =	strace $0x8000004C;
	[dreg:$0x1] =	wrdreg $0xFFFFFFFF  }
0xa7: {  	s28 =	simm.s32 $_size_execute0_lowered;
	s3 =	sadd.s32 s3, s5;
	[dreg:$0x0] =	wrdreg $0x0  }
0xa8: {  	s5 =	sshll.u32 s28, $0x1;
	[dreg:$0x2] =	wrdreg s3  }
0xa9: {  	[dreg:$0x3] =	wrdreg s5  }
0xaa: {  	[dreg:$0x4] =	wrdreg $0xC0  }
0xab: {  	_ =	task [dreg:s7], $0x5FFFF  }
0xac: {  	[dreg:$0x1] =	wrdreg $0xFFFFFFFF  }
0xad: {  	[dreg:$0x0] =	wrdreg $0x60  }
0xae: {  	[dreg:$0x2] =	wrdreg s2  }
0xaf: {  	[dreg:$0x3] =	wrdreg s24  }
0xb0: {  	[dreg:$0x4] =	wrdreg $0x9  }
0xb1: {  	_ =	task.clear_ibuf [dreg:s7], $0x5FFFF;
	_ =	strace $0x9000004C  }
0xb2: {  	s29 =	simm.s32 $0x9;
	_ =	strace $0x8000004E  }
0xb3: {  	_ =	swait.ge [sflag:s29], $0x1  }
0xb4: {  	[sflag:s29] =	ssyncadd.s32 $0xFFFFFFFF  }
0xb5: {  	_ =	strace $0x9000004E  }
0xb6: {  	_ =	sfence  }
0xb7: {  	s30 =	sld [smem:$0x0];
	_ =	sdelay $0x2  }
0xb8: {  	s31 =	sshll.u32 s1, $0xD;
	s1 =	sshrl.u32 s1, $0x2  }
0xb9: {  	s3 =	sand.u32 $0x4000, s31;
	s1 =	sadd.s32 s1, s30  }
0xba: {  	s0 =	sor.u32 s3, s0;
	s1 =	sshll.u32 s1, $0x11  }
0xbb: {  	s0 =	sor.u32 s1, s0  }
0xbc: {  	s0 =	sadd.s32 $0x8F2B, s0  }
0xbd: {  	[sflag:s0] =	ssyncadd.remote.s32 $0x1  }
0xbe: {  	_ =	sfence.sel $0xFFFF  }
0xbf: {  	[dreg:$0x0] =	wrdreg $0xFFFFFFFF;
	(pc) =	sbr.abs _section_cstart, $3  }
0xc0: {  	[dreg:$0x1] =	wrdreg $0xFFFFFFFF  }
0xc1: {  	_ =	task.clear_ibuf [dreg:s7], $0x2FFFF;
	_ =	strace $0x9FFFFFFF  }
0xc2: {  	(tm) =	ssettm $0x7FFFFFFF  }
0xc3: {  	_ =	shalt  }
tec
execute0_lowered:
.L_overlay_start_1:
0x0: {  	(tag) =	ssettag $0x1  }
0x1: {  	s1 =	rddreg [dreg:$0x0]  }
0x2: {  	s8 =	rddreg [dreg:$0x1];
	s2 =	srdreg.scid  }
0x3: {  	s0 =	rddreg [dreg:$0x2];
	s3 =	simm.s32 $0x0;
	s11 =	simm.s32 $0x1  }
0x4: {  	s12 =	simm.s32 $0x2800;
	s13 =	simm.s32 $0x5000;
	s14 =	simm.s32 $0x5800  }
0x5: {  	s15 =	simm.s32 $0x6000;
	s16 =	simm.s32 $0x0;
	s4 =	sand.u32 $0x1, s2  }
0x6: {  	[smem:$0x7FF] =	sst s3;
	s2 =	stileid.u32;
	s5 =	sshll.u32 s4, $0x4  }
0x7: {  	s6 =	sadd.s32 $0xC800, s8;
	s9 =	ssub.s32 $0x2, s4;
	s5 =	sor.u32 s2, s5  }
0x8: {  	s7 =	sadd.s32 $0x2800, s8;
	s10 =	sshrl.u32 s9, $0x1;
	s5 =	smul.u32 $0x5, s5  }
0x9: {  	_ =	strace $0x8000004D;
	s4 =	sadd.s32 $0x16800, s8;
	s10 =	ssub.s32 s9, s10  }
0xa: {  	s8 =	sadd.s32 $0x16E00, s8;
	s10 =	smax.u32 s10, $0x1;
	s9 =	sadd.s32 $0x5, s5  }
.LBB2_1:
0xb: {  	[tilespmem:s3], [sflag:$0x1] =	stream.linear.gather [hbm4b:s1+s3], $0x2800, $0x38;
	[tilespmem:$0x6800] =	vst v63  }
0xc: {  	_ =	swait.ge [sflag:s11], $0x2800  }
0xd: {  	[sflag:s11] =	ssyncset.done $0x0  }
0xe: {  	[sflag:s11] =	ssyncadd.s32 $0xFFFFD800  }
0xf: {  	[tilespmem:s12], [sflag:$0x1] =	stream.linear.gather [hbm4b:s4+s3], $0x2800, $0x38;
	[tilespmem:$0x6800] =	vst v63  }
0x10: {  	_ =	swait.ge [sflag:s11], $0x2800  }
0x11: {  	[sflag:s11] =	ssyncset.done $0x0  }
0x12: {  	s17 =	smov.u32 s5;
	[sflag:s11] =	ssyncadd.s32 $0xFFFFD800  }
.LBB2_2:
0x13: {  	s18 =	sshll.u32 s17, $0x8  }
0x14: {  	s20 =	simm.s32 $0x0;
	s19 =	sadd.s32 s6, s18  }
0x15: {  	[tilespmem:s13], [sflag:$0x1] =	stream.linear.gather [hbm4b:s19+s20], $0x800, $0x38;
	[tilespmem:$0x6800] =	vst v63  }
0x16: {  	_ =	swait.ge [sflag:s11], $0x800  }
0x17: {  	[sflag:s11] =	ssyncset.done $0x0  }
0x18: {  	s31 =	sadd.s32 s7, s18;
	[sflag:s11] =	ssyncadd.s32 $0xFFFFF800  }
0x19: {  	[tilespmem:s14], [sflag:$0x1] =	stream.linear.gather [hbm4b:s31+s20], $0x800, $0x38;
	[tilespmem:$0x6800] =	vst v63  }
0x1a: {  	_ =	swait.ge [sflag:s11], $0x800  }
0x1b: {  	[sflag:s11] =	ssyncset.done $0x0  }
0x1c: {  	s19 =	simm.s32 $0x0;
	[sflag:s11] =	ssyncadd.s32 $0xFFFFF800  }
0x1d: {  	v0 =	vld [tilespmem:s19+$0x5800]  }
0x1e: {  	v1 =	vld [tilespmem:s19+$0x5000];
	_ =	sdelay $0x6  }
0x1f: {  	v0 =	vld.idx.msk [tilespmem:v0+s12+$0x0], $0xffff  }
0x20: {  	s20 =	simm.s32 $0x10;
	v2 =	vld.idx.msk [tilespmem:v1+s3+$0x0], $0xffff  }
0x21: {  	s21 =	simm.s32 $0x80;
	v1 =	vld [tilespmem:s20+$0x5800]  }
.LBB2_3:
0x22: {  	p0 =	sne.s32 s21, $0x1FC0;
	v3 =	vld [tilespmem:s20+$0x5000];
	_ =	sdelay $0x3  }
0x23: {  	v0 =	vadd.f32 v0, v2  }
.Ltmp0:
0x24: {  	(pc) =	sbr.rel @p0 .LBB2_3-.Ltmp0, $4  }
0x25: {  	[tilespmem:s19+$0x6000] =	vst v0;
	s19 =	smov.u32 s20  }
0x26: {  	v0 =	vld.idx.msk [tilespmem:v1+s12+$0x0], $0xffff  }
0x27: {  	s20 =	sshra.s32 s21, $0x2;
	v2 =	vld.idx.msk [tilespmem:v3+s3+$0x0], $0xffff  }
0x28: {  	s21 =	sadd.s32 $0x40, s21;
	v1 =	vld [tilespmem:s20+$0x5800]  }
0x29: {  	_ = 	snop  }
0x2a: {  	v3 =	vld [tilespmem:s20+$0x5000];
	_ =	sdelay $0x3  }
0x2b: {  	v0 =	vadd.f32 v0, v2;
	_ =	sdelay $0x1  }
0x2c: {  	[tilespmem:s19+$0x6000] =	vst v0  }
0x2d: {  	v0 =	vld.idx.msk [tilespmem:v1+s12+$0x0], $0xffff  }
0x2e: {  	v63 =	vld.idx.msk [tilespmem:v3+s3+$0x0], $0xffff;
	_ =	sdelay $0x4  }
0x2f: {  	s17 =	sadd.s32 $0x1, s17;
	v0 =	vadd.f32 v0, v63  }
0x30: {  	p0 =	slt.u32 s17, s9  }
.Ltmp1:
0x31: {  	s18 =	sadd.s32 s8, s18;
	[tilespmem:s20+$0x6000] =	vst v0;
	(pc) =	sbr.rel @p0 .LBB2_2-.Ltmp1, $4  }
0x32: {  	[hbm4b:s18+s3] =	stream.linear.scatter [tilespmem:s15], [sflag:$0x1], $0x800, $0x38;
	[tilespmem:$0x6800] =	vst v63  }
0x33: {  	_ =	swait.ge [sflag:s11], $0x800  }
0x34: {  	[sflag:s11] =	ssyncset.done $0x0  }
0x35: {  	[sflag:s11] =	ssyncadd.s32 $0xFFFFF800  }
0x36: {  	s16 =	sadd.s32 $0x1, s16  }
0x37: {  	p0 =	sne.s32 s16, s10  }
.Ltmp2:
0x38: {  	_ = 	snop;
	(pc) =	sbr.rel @p0 .LBB2_1-.Ltmp2, $1  }
0x39: {  	_ =	sdelay $0x3  }
0x3a: {  	_ =	sfence.sel $0x180000  }
0x3b: {  	[bflag:$0x0] =	sbarrier.arrive $0xFFFF  }
0x3c: {  	p0 =	sne.s32 s2, $0x0;
	_ =	strace $0x9000004D  }
0x3d: {  	s0 =	sadd.s32 @!p0 $0x100000, s0;
	[bflag:$0x2] =	sbarrier.arrive $0xFFFF  }
0x3e: {  	[sflag:s0] =	ssyncadd.tile.s32 @!p0 $0x1;
	_ =	shalt  }
.Lfunc_end2:
_tile_overlayer_lowered:
.L_overlay_start_2:
0x3f: {  	(tag) =	ssettag $0x2  }
0x40: {  	s0 =	rddreg [dreg:$0x0];
	s2 =	stileid.u32  }
0x41: {  	s1 =	rddreg [dreg:$0x1];
	p0 =	sne.s32 s2, $0x0  }
0x42: {  	s3 =	rddreg [dreg:$0x2];
	[bflag:$0x3] =	sbarrier.arrive $0xFFFF;
	s2 =	simm.s32 @!p0 $0x1C01  }
0x43: {  	[timem:s3], [sflag:s2] =	dma.local @!p0 [hbm:s0], s1  }
0x44: {  	s0 =	simm.s32 @!p0 $0x1  }
0x45: {  	_ =	swait.ge @!p0 [sflag:s0], s1  }
0x46: {  	s1 =	ssub.s32 @!p0 $0x0, s1;
	[sflag:s0] =	ssyncset.done @!p0 $0x0  }
0x47: {  	[sflag:s0] =	ssyncadd.s32 @!p0 s1  }
0x48: {  	[bflag:$0x3] =	sbarrier.arrive $0xFFFF  }
0x49: {  	_ =	shalt  }

// kernel: kernel.8.cloned.1.call-start
scs
__scs_entry_jumppad:
0x0: {  	(pc) =	sbr.rel $0x88, $3  }
0x1: {  	(tag) =	ssettag $0x0;
	lr =	simm.s32 $0x1  }
0x2: {  	[smem:$0x3F99] =	sst lr;
	_ =	strace $0xD0000000  }
0x3: {  	_ = 	snop  }
0x4: {  	_ = 	snop  }
0x5: {  	_ = 	snop  }
0x6: {  	_ = 	snop  }
0x7: {  	_ = 	snop  }
__scs_overlays_trampoline_lowered:
0x8: {  	[smem:$0x3FA8] =	sst s0  }
0x9: {  	[smem:$0x3FA9] =	sst s1  }
0xa: {  	[smem:$0x3FAA] =	sst s2  }
0xb: {  	[smem:$0x3FAB] =	sst s3  }
0xc: {  	[smem:$0x3FAC] =	sst s4  }
0xd: {  	[smem:$0x3FAD] =	sst s5  }
0xe: {  	[smem:$0x3FAE] =	sst s6  }
0xf: {  	[smem:$0x3FAF] =	sst s7  }
0x10: {  	[smem:$0x3FB0] =	sst s8  }
0x11: {  	[smem:$0x3FB1] =	sst s9;
	s0 =	simm.s32 @!p0 $0x0  }
0x12: {  	s1 =	sld [smem:$0x3F97];
	s0 =	simm.s32 @p0 $0x1  }
0x13: {  	[smem:$0x3FB2] =	sst s0;
	s0 =	simm.s32 @!p1 $0x0  }
0x14: {  	s2 =	sld [smem:$0x3F96];
	s0 =	simm.s32 @p1 $0x1  }
0x15: {  	[smem:$0x3FB3] =	sst s0;
	s0 =	simm.s32 @!p2 $0x0  }
0x16: {  	s3 =	sld [smem:$0x3FDB];
	s0 =	simm.s32 @p2 $0x1  }
0x17: {  	s4 =	simm.s32 $0x1BF5;
	[smem:$0x3FB5] =	sst s0  }
0x18: {  	s0 =	sld [smem:$0x3F98];
	_ =	swait.ge [sflag:s4], $0x0  }
0x19: {  	s7 =	sld [smem:$0x3F99]  }
0x1a: {  	s8 =	sadd.s32 $0xFFFFE003, lr  }
0x1b: {  	s9 =	sadd.s32 $0xFFFFFEF7, lr;
	s5 =	simm.s32 $0xFFFFFFFF;
	p2 =	slt.u32 s8, $0xFFFFF086  }
0x1c: {  	p1 =	slt.u32 s9, $0xF7A;
	s5 =	simm.s32 @!p2 $0x0  }
0x1d: {  	s5 =	simm.s32 @p1 $0x1;
	p0 =	seq.s32 s7, s2  }
0x1e: {  	s7 =	smul.u32 @!p0 $0xF7A, s2;
	p2 =	seq.s32 @!p0 s5, $0x0  }
0x1f: {  	s9 =	smul.u32 $0xF7A, s1;
	s8 =	simm.s32 @!p0 $0x1BF5;
	p2 =	por !p2, p0  }
0x20: {  	[sflag:s8] =	ssyncset.s32 @!p0 $0xFFFFF086;
	s6 =	sadd.s32 @!p0 s3, s7;
	s7 =	simm.s32 @!p0 $0x108  }
0x21: {  	s3 =	sadd.s32 s3, s9;
	s6 =	sadd.s32 @!p0 $0x88, s6;
	s7 =	simm.s32 @p2 $0x1082  }
0x22: {  	[simem:s7], [sflag:s8] =	dma.local @!p0 [hbm:s6], $0xF7A  }
0x23: {  	s9 =	sor.u32 $0xD0000000, s2;
	s6 =	simm.s32 $0x108;
	_ =	swait.ge @!p0 [sflag:s8], $0x0  }
0x24: {  	s3 =	sadd.s32 $0x88, s3;
	s6 =	simm.s32 @!p1 $0x1082;
	[sflag:s4] =	ssyncset.s32 $0xFFFFF086  }
0x25: {  	[simem:s6], [sflag:s4] =	dma.local [hbm:s3], $0xF7A  }
0x26: {  	[smem:$0x3F99] =	sst s1;
	(tag) =	ssettag s2;
	_ =	strace s9  }
0x27: {  	s1 =	sld [smem:$0x3FA9]  }
0x28: {  	s2 =	sld [smem:$0x3FAA]  }
0x29: {  	s4 =	sld [smem:$0x3FAC]  }
0x2a: {  	p0 =	seq.s32 s5, $0x0;
	s5 =	sld [smem:$0x3FAD]  }
0x2b: {  	s6 =	sld [smem:$0x3FAE]  }
0x2c: {  	s7 =	sld [smem:$0x3FAF]  }
0x2d: {  	s3 =	simm.s32 $0x108;
	s8 =	sld [smem:$0x3FB0]  }
0x2e: {  	s3 =	simm.s32 @!p0 $0x1082;
	s9 =	sld [smem:$0x3FB1]  }
0x2f: {  	lr =	sadd.s32 s0, s3;
	s0 =	sld [smem:$0x3FA8]  }
0x30: {  	s3 =	sld [smem:$0x3FAB]  }
0x31: {  	[smem:$0x3FB4] =	sst s10  }
0x32: {  	s10 =	sld [smem:$0x3FB2];
	_ =	sdelay $0x3  }
0x33: {  	p0 =	seq.s32 s10, $0x1;
	s10 =	sld [smem:$0x3FB4];
	_ =	sdelay $0x3  }
0x34: {  	[smem:$0x3FB4] =	sst s10  }
0x35: {  	s10 =	sld [smem:$0x3FB3];
	_ =	sdelay $0x3  }
0x36: {  	p1 =	seq.s32 s10, $0x1;
	s10 =	sld [smem:$0x3FB4];
	_ =	sdelay $0x3  }
0x37: {  	[smem:$0x3FB4] =	sst s10  }
0x38: {  	s10 =	sld [smem:$0x3FB5]  }
0x39: {  	_ = 	snop;
	(pc) =	sbr.ind lr, $3  }
0x3a: {  	_ = 	snop  }
0x3b: {  	_ = 	snop  }
0x3c: {  	p2 =	seq.s32 s10, $0x1;
	s10 =	sld [smem:$0x3FB4]  }
0x3d: {  	_ =	shalt  }
0x3e: {  	_ =	shalt  }
0x3f: {  	_ =	shalt  }
0x40: {  	_ =	shalt  }
0x41: {  	_ =	shalt  }
0x42: {  	_ =	shalt  }
0x43: {  	_ =	shalt  }
0x44: {  	_ =	shalt  }
0x45: {  	_ =	shalt  }
0x46: {  	_ =	shalt  }
0x47: {  	_ =	shalt  }
0x48: {  	_ =	shalt  }
0x49: {  	_ =	shalt  }
0x4a: {  	_ =	shalt  }
0x4b: {  	_ =	shalt  }
0x4c: {  	_ =	shalt  }
0x4d: {  	_ =	shalt  }
0x4e: {  	_ =	shalt  }
0x4f: {  	_ =	shalt  }
0x50: {  	_ =	shalt  }
0x51: {  	_ =	shalt  }
0x52: {  	_ =	shalt  }
0x53: {  	_ =	shalt  }
0x54: {  	_ =	shalt  }
0x55: {  	_ =	shalt  }
0x56: {  	_ =	shalt  }
0x57: {  	_ =	shalt  }
0x58: {  	_ =	shalt  }
0x59: {  	_ =	shalt  }
0x5a: {  	_ =	shalt  }
0x5b: {  	_ =	shalt  }
0x5c: {  	_ =	shalt  }
0x5d: {  	_ =	shalt  }
0x5e: {  	_ =	shalt  }
0x5f: {  	_ =	shalt  }
0x60: {  	_ =	shalt  }
0x61: {  	_ =	shalt  }
0x62: {  	_ =	shalt  }
0x63: {  	_ =	shalt  }
0x64: {  	_ =	shalt  }
0x65: {  	_ =	shalt  }
0x66: {  	_ =	shalt  }
0x67: {  	_ =	shalt  }
0x68: {  	_ =	shalt  }
0x69: {  	_ =	shalt  }
0x6a: {  	_ =	shalt  }
0x6b: {  	_ =	shalt  }
0x6c: {  	_ =	shalt  }
0x6d: {  	_ =	shalt  }
0x6e: {  	_ =	shalt  }
0x6f: {  	_ =	shalt  }
0x70: {  	_ =	shalt  }
0x71: {  	_ =	shalt  }
0x72: {  	_ =	shalt  }
0x73: {  	_ =	shalt  }
0x74: {  	_ =	shalt  }
0x75: {  	_ =	shalt  }
0x76: {  	_ =	shalt  }
0x77: {  	_ =	shalt  }
0x78: {  	_ =	shalt  }
0x79: {  	_ =	shalt  }
0x7a: {  	_ =	shalt  }
0x7b: {  	_ =	shalt  }
0x7c: {  	_ =	shalt  }
0x7d: {  	_ =	shalt  }
0x7e: {  	_ =	shalt  }
0x7f: {  	_ =	shalt  }
0x80: {  	_ =	shalt  }
0x81: {  	_ =	shalt  }
0x82: {  	_ =	shalt  }
0x83: {  	_ =	shalt  }
0x84: {  	_ =	shalt  }
0x85: {  	_ =	shalt  }
0x86: {  	_ =	shalt  }
0x87: {  	_ =	shalt  }
.Lfunc_end0:
.L_simem_size_0:
called_computation_lowered:
.L_overlay_start_0:
0x88: {  	s2 =	sld [smem:$0x3FD9]  }
0x89: {  	s3 =	sld [smem:$0x3FFE];
	_ =	sdelay $0x1  }
0x8a: {  	s1 =	srdreg.scid  }
0x8b: {  	s0 =	sand.u32 $0x1, s1  }
0x8c: {  	s17 =	sshll.u32 s0, $0xA;
	s2 =	sadd.s32 s3, s2  }
0x8d: {  	s2 =	sadd.s32 s2, s17  }
0x8e: {  	[smem:$0x3FC0] =	sst s2  }
0x8f: {  	_ = 	snop  }
0x90: {  	s2 =	sld [smem:$0x3FD0];
	(tm) =	ssettm $0x1  }
0x91: {  	s18 =	sld [smem:$0x3FFB];
	_ =	sdelay $0x3  }
0x92: {  	_ =	strace s18  }
0x93: {  	s3 =	sld [smem:$0x3FFC];
	_ =	sdelay $0x3  }
0x94: {  	_ =	strace s3  }
0x95: {  	s3 =	sld [smem:$0x3FFD];
	_ =	sdelay $0x3  }
0x96: {  	_ =	strace s3  }
0x97: {  	_ =	strace $0x8FFFFFFF  }
0x98: {  	s19 =	sld [smem:$0x3FDB];
	_ =	sdelay $0x1  }
0x99: {  	s4 =	simm.s32 $_scs_section_size  }
0x9a: {  	s5 =	simm.s32 $_size__tile_overlayer_lowered;
	s6 =	simm.s32 $_tile_overlayer_lowered  }
0x9b: {  	s22 =	simm.s32 $0x1BFF;
	s21 =	sshll.u32 s6, $0x1;
	s3 =	sadd.s32 s4, s19  }
0x9c: {  	s7 =	simm.s32 $0x0;
	s20 =	sshll.u32 s5, $0x1;
	s5 =	sadd.s32 s21, s3  }
0x9d: {  	[timem:s7], [sflag:s22] =	dma.local [hbm:s5], s20  }
0x9e: {  	_ =	swait.ge [sflag:s22], s20  }
0x9f: {  	s4 =	ssub.s32 $0x0, s20;
	[sflag:s22] =	ssyncset.done $0x0  }
0xa0: {  	[sflag:s22] =	ssyncadd.s32 s4;
	_ =	sdelay $0x1  }
0xa1: {  	s23 =	simm.s32 $0x1B8B  }
0xa2: {  	_ =	swait.ge [sflag:s23], $0x1  }
0xa3: {  	[sflag:s23] =	ssyncset.done $0x0  }
0xa4: {  	s25 =	simm.s32 $0x1B8E;
	s24 =	sld [smem:$0x3FFE];
	[sflag:s23] =	ssyncadd.s32 $0xFFFFFFFF  }
0xa5: {  	s26 =	simm.s32 $execute0_lowered;
	[smem:$0x3FD2] =	sst s25  }
0xa6: {  	s5 =	sshll.u32 s26, $0x1;
	_ =	strace $0x80000046;
	[dreg:$0x1] =	wrdreg $0xFFFFFFFF  }
0xa7: {  	s28 =	simm.s32 $_size_execute0_lowered;
	s3 =	sadd.s32 s3, s5;
	[dreg:$0x0] =	wrdreg $0x0  }
0xa8: {  	s5 =	sshll.u32 s28, $0x1;
	[dreg:$0x2] =	wrdreg s3  }
0xa9: {  	[dreg:$0x3] =	wrdreg s5  }
0xaa: {  	[dreg:$0x4] =	wrdreg $0xC0  }
0xab: {  	_ =	task [dreg:s7], $0x5FFFF  }
0xac: {  	[dreg:$0x1] =	wrdreg $0xFFFFFFFF  }
0xad: {  	[dreg:$0x0] =	wrdreg $0x60  }
0xae: {  	[dreg:$0x2] =	wrdreg s2  }
0xaf: {  	[dreg:$0x3] =	wrdreg s24  }
0xb0: {  	[dreg:$0x4] =	wrdreg $0x120000  }
0xb1: {  	[dreg:$0x5] =	wrdreg $0x1C8000  }
0xb2: {  	[dreg:$0x6] =	wrdreg $0x9  }
0xb3: {  	_ =	task.clear_ibuf [dreg:s7], $0x7FFFF;
	_ =	strace $0x90000046  }
0xb4: {  	s29 =	simm.s32 $0x9;
	_ =	strace $0x80000048  }
0xb5: {  	_ =	swait.ge [sflag:s29], $0x1  }
0xb6: {  	[sflag:s29] =	ssyncadd.s32 $0xFFFFFFFF  }
0xb7: {  	_ =	strace $0x90000048  }
0xb8: {  	_ =	sfence  }
0xb9: {  	s30 =	sld [smem:$0x0];
	_ =	sdelay $0x2  }
0xba: {  	s31 =	sshll.u32 s1, $0xD;
	s1 =	sshrl.u32 s1, $0x2  }
0xbb: {  	s3 =	sand.u32 $0x4000, s31;
	s1 =	sadd.s32 s1, s30  }
0xbc: {  	s0 =	sor.u32 s3, s0;
	s1 =	sshll.u32 s1, $0x11  }
0xbd: {  	s0 =	sor.u32 s1, s0  }
0xbe: {  	s0 =	sadd.s32 $0x8F2B, s0  }
0xbf: {  	[sflag:s0] =	ssyncadd.remote.s32 $0x1  }
0xc0: {  	_ =	sfence.sel $0xFFFF  }
0xc1: {  	[dreg:$0x0] =	wrdreg $0xFFFFFFFF;
	(pc) =	sbr.abs _section_cstart, $3  }
0xc2: {  	[dreg:$0x1] =	wrdreg $0xFFFFFFFF  }
0xc3: {  	_ =	task.clear_ibuf [dreg:s7], $0x2FFFF;
	_ =	strace $0x9FFFFFFF  }
0xc4: {  	(tm) =	ssettm $0x7FFFFFFF  }
0xc5: {  	_ =	shalt  }
tec
execute0_lowered:
.L_overlay_start_1:
0x0: {  	(tag) =	ssettag $0x1  }
0x1: {  	s1 =	rddreg [dreg:$0x0]  }
0x2: {  	s0 =	rddreg [dreg:$0x1]  }
0x3: {  	s3 =	rddreg [dreg:$0x2]  }
0x4: {  	s4 =	rddreg [dreg:$0x3];
	s13 =	stileid.u32  }
0x5: {  	s5 =	simm.s32 $0x0;
	s8 =	simm.s32 $0x3;
	s30 =	smul.u32 $0x2800, s13  }
0x6: {  	[smem:$0x7FF] =	sst s5;
	s6 =	sadd.s32 $0x16800, s0;
	s2 =	sadd.s32 $0x16E00, s0  }
0x7: {  	s7 =	sshll.u32 s13, $0x6;
	_ =	strace $0x80000047;
	s24 =	sadd.s32 s30, s3  }
0x8: {  	[dreg:$0x5] =	wrdreg s2;
	s7 =	sor.u32 $0x1C03, s7;
	s9 =	sshrl.u32 s24, $0x3  }
0x9: {  	[spmem:s9], [sflag:s7] =	dma.local [hbm:s6], $0x500  }
0xa: {  	_ =	swait.ge [sflag:s8], $0x500  }
0xb: {  	s25 =	sadd.s32 s30, s4;
	[sflag:s8] =	ssyncset.done $0x0  }
0xc: {  	s10 =	sshrl.u32 s25, $0x3;
	[sflag:s8] =	ssyncadd.s32 $0xFFFFFB00  }
0xd: {  	[spmem:s10], [sflag:s7] =	dma.local [hbm:s6], $0x500  }
0xe: {  	s26 =	srdreg.scid;
	_ =	swait.ge [sflag:s8], $0x500  }
0xf: {  	s11 =	simm.s32 $0x14800;
	s31 =	sand.u32 $0x1, s26;
	[sflag:s8] =	ssyncset.done $0x0  }
0x10: {  	s2 =	sshll.u32 s31, $0x4;
	s12 =	rddreg [dreg:$0x5];
	[sflag:s8] =	ssyncadd.s32 $0xFFFFFB00  }
0x11: {  	[tilespmem:s11], [sflag:$0x3] =	stream.linear.gather [hbm4b:s12+s5], $0x8000, $0x38;
	[tilespmem:$0x1F000] =	vst v63  }
0x12: {  	s2 =	sor.u32 s13, s2;
	_ =	swait.ge [sflag:s8], $0x8000  }
0x13: {  	s13 =	smul.u32 $0x500, s2;
	[sflag:s8] =	ssyncset.done $0x0  }
0x14: {  	s28 =	sadd.s32 $0xC800, s0;
	[sflag:s8] =	ssyncadd.s32 $0xFFFF8000  }
0x15: {  	s12 =	sadd.s32 s28, s13;
	[bflag:$0x0] =	sbarrier.arrive $0xFFFF  }
0x16: {  	[tilespmem:s5], [sflag:$0x3] =	stream.linear.gather [hbm4b:s12+s5], $0x800, $0x38;
	[tilespmem:$0x1F000] =	vst v63  }
0x17: {  	_ =	swait.ge [sflag:s8], $0x800  }
0x18: {  	s29 =	sadd.s32 $0x2800, s0;
	[sflag:s8] =	ssyncset.done $0x0  }
0x19: {  	s14 =	simm.s32 $0x800;
	s13 =	sadd.s32 s29, s13;
	[sflag:s8] =	ssyncadd.s32 $0xFFFFF800  }
0x1a: {  	[tilespmem:s14], [sflag:$0x3] =	stream.linear.gather [hbm4b:s13+s5], $0x800, $0x38;
	[tilespmem:$0x1F000] =	vst v63  }
0x1b: {  	_ =	swait.ge [sflag:s8], $0x800  }
0x1c: {  	s15 =	simm.s32 $0x2000;
	[sflag:s8] =	ssyncset.done $0x0  }
0x1d: {  	s16 =	simm.s32 $0x1;
	s2 =	smul.u32 $0x2800, s2;
	[sflag:s8] =	ssyncadd.s32 $0xFFFFF800  }
0x1e: {  	[tilespmem:s15], [sflag:$0x1] =	stream.indirect.gather [hbm4b:s1+s14], $0x10, s5, s14, $0xb8;
	[tilespmem:$0x1F000] =	vst v63  }
0x1f: {  	s2 =	sshrl.u32 s2, $0x3;
	_ =	swait.ge [sflag:s16], $0x8000  }
0x20: {  	s19 =	sadd.s32 $0x100, s2;
	[sflag:s16] =	ssyncset.done $0x0  }
0x21: {  	s18 =	simm.s32 $0x1000;
	s17 =	sadd.s32 s28, s19;
	[sflag:s16] =	ssyncadd.s32 $0xFFFF8000  }
0x22: {  	[tilespmem:s18], [sflag:$0x3] =	stream.linear.gather [hbm4b:s17+s5], $0x800, $0x38;
	[tilespmem:$0x1F000] =	vst v63  }
0x23: {  	_ =	swait.ge [sflag:s8], $0x800  }
0x24: {  	[sflag:s8] =	ssyncset.done $0x0  }
0x25: {  	s20 =	simm.s32 $0x1800;
	s19 =	sadd.s32 s29, s19;
	[sflag:s8] =	ssyncadd.s32 $0xFFFFF800  }
0x26: {  	[tilespmem:s20], [sflag:$0x3] =	stream.linear.gather [hbm4b:s19+s5], $0x800, $0x38;
	[tilespmem:$0x1F000] =	vst v63  }
0x27: {  	_ =	swait.ge [sflag:s8], $0x800  }
0x28: {  	[sflag:s8] =	ssyncset.done $0x0  }
0x29: {  	s21 =	simm.s32 $0xA000;
	[sflag:s8] =	ssyncadd.s32 $0xFFFFF800  }
0x2a: {  	[tilespmem:s21], [sflag:$0x1] =	stream.indirect.gather [hbm4b:s1+s14], $0x10, s18, s14, $0xb8;
	[tilespmem:$0x1F000] =	vst v63  }
0x2b: {  	_ = 	snop  }
0x2c: {  	[spmem:s3] =	stream.indirect.scatter.add.f32 [tilespmem:s15], [sflag:$0x2], $0x10, s14, s14, $0xb8;
	[tilespmem:$0x1F000] =	vst v63  }
0x2d: {  	_ = 	snop  }
0x2e: {  	[spmem:s4] =	stream.indirect.scatter.add.f32 [tilespmem:s11], [sflag:$0x2], $0x10, s14, s14, $0xb8;
	[tilespmem:$0x1F000] =	vst v63  }
0x2f: {  	_ =	swait.ge [sflag:s16], $0x8000  }
0x30: {  	[sflag:s16] =	ssyncset.done $0x0  }
0x31: {  	s22 =	simm.s32 $0x2;
	[sflag:s16] =	ssyncadd.s32 $0xFFFF8000  }
0x32: {  	_ =	swait.ge [sflag:s22], $0x8000  }
0x33: {  	[sflag:s22] =	ssyncset.done $0x0  }
0x34: {  	[sflag:s22] =	ssyncadd.s32 $0xFFFF8000  }
0x35: {  	_ =	swait.ge [sflag:s22], $0x8000  }
0x36: {  	s24 =	sadd.s32 $0x200, s2;
	[sflag:s22] =	ssyncset.done $0x0  }
0x37: {  	s23 =	sadd.s32 s28, s24;
	[sflag:s22] =	ssyncadd.s32 $0xFFFF8000  }
0x38: {  	[tilespmem:s5], [sflag:$0x3] =	stream.linear.gather [hbm4b:s23+s5], $0x800, $0x38;
	[tilespmem:$0x1F000] =	vst v63  }
0x39: {  	_ =	swait.ge [sflag:s8], $0x800  }
0x3a: {  	[sflag:s8] =	ssyncset.done $0x0  }
0x3b: {  	s24 =	sadd.s32 s29, s24;
	[sflag:s8] =	ssyncadd.s32 $0xFFFFF800  }
0x3c: {  	[tilespmem:s14], [sflag:$0x3] =	stream.linear.gather [hbm4b:s24+s5], $0x800, $0x38;
	[tilespmem:$0x1F000] =	vst v63  }
0x3d: {  	_ =	swait.ge [sflag:s8], $0x800  }
0x3e: {  	[sflag:s8] =	ssyncset.done $0x0  }
0x3f: {  	[sflag:s8] =	ssyncadd.s32 $0xFFFFF800  }
0x40: {  	[tilespmem:s15], [sflag:$0x1] =	stream.indirect.gather [hbm4b:s1+s14], $0x10, s5, s14, $0xb8;
	[tilespmem:$0x1F000] =	vst v63  }
0x41: {  	_ = 	snop  }
0x42: {  	[spmem:s3] =	stream.indirect.scatter.add.f32 [tilespmem:s21], [sflag:$0x2], $0x10, s20, s14, $0xb8;
	[tilespmem:$0x1F000] =	vst v63  }
0x43: {  	_ = 	snop  }
0x44: {  	[spmem:s4] =	stream.indirect.scatter.add.f32 [tilespmem:s11], [sflag:$0x2], $0x10, s20, s14, $0xb8;
	[tilespmem:$0x1F000] =	vst v63  }
0x45: {  	_ =	swait.ge [sflag:s16], $0x8000  }
0x46: {  	[sflag:s16] =	ssyncset.done $0x0  }
0x47: {  	[sflag:s16] =	ssyncadd.s32 $0xFFFF8000  }
0x48: {  	_ =	swait.ge [sflag:s22], $0x8000  }
0x49: {  	[sflag:s22] =	ssyncset.done $0x0  }
0x4a: {  	[sflag:s22] =	ssyncadd.s32 $0xFFFF8000  }
0x4b: {  	_ =	swait.ge [sflag:s22], $0x8000  }
0x4c: {  	s26 =	sadd.s32 $0x300, s2;
	[sflag:s22] =	ssyncset.done $0x0  }
0x4d: {  	s25 =	sadd.s32 s28, s26;
	[sflag:s22] =	ssyncadd.s32 $0xFFFF8000  }
0x4e: {  	[tilespmem:s18], [sflag:$0x3] =	stream.linear.gather [hbm4b:s25+s5], $0x800, $0x38;
	[tilespmem:$0x1F000] =	vst v63  }
0x4f: {  	_ =	swait.ge [sflag:s8], $0x800  }
0x50: {  	[sflag:s8] =	ssyncset.done $0x0  }
0x51: {  	s26 =	sadd.s32 s29, s26;
	[sflag:s8] =	ssyncadd.s32 $0xFFFFF800  }
0x52: {  	[tilespmem:s20], [sflag:$0x3] =	stream.linear.gather [hbm4b:s26+s5], $0x800, $0x38;
	[tilespmem:$0x1F000] =	vst v63  }
0x53: {  	_ =	swait.ge [sflag:s8], $0x800  }
0x54: {  	[sflag:s8] =	ssyncset.done $0x0  }
0x55: {  	[sflag:s8] =	ssyncadd.s32 $0xFFFFF800  }
0x56: {  	[tilespmem:s21], [sflag:$0x1] =	stream.indirect.gather [hbm4b:s1+s14], $0x10, s18, s14, $0xb8;
	[tilespmem:$0x1F000] =	vst v63  }
0x57: {  	_ = 	snop  }
0x58: {  	[spmem:s3] =	stream.indirect.scatter.add.f32 [tilespmem:s15], [sflag:$0x2], $0x10, s14, s14, $0xb8;
	[tilespmem:$0x1F000] =	vst v63  }
0x59: {  	_ = 	snop  }
0x5a: {  	[spmem:s4] =	stream.indirect.scatter.add.f32 [tilespmem:s11], [sflag:$0x2], $0x10, s14, s14, $0xb8;
	[tilespmem:$0x1F000] =	vst v63  }
0x5b: {  	_ =	swait.ge [sflag:s16], $0x8000  }
0x5c: {  	[sflag:s16] =	ssyncset.done $0x0  }
0x5d: {  	[sflag:s16] =	ssyncadd.s32 $0xFFFF8000  }
0x5e: {  	_ =	swait.ge [sflag:s22], $0x8000  }
0x5f: {  	[sflag:s22] =	ssyncset.done $0x0  }
0x60: {  	[sflag:s22] =	ssyncadd.s32 $0xFFFF8000  }
0x61: {  	_ =	swait.ge [sflag:s22], $0x8000  }
0x62: {  	s2 =	sadd.s32 $0x400, s2;
	[sflag:s22] =	ssyncset.done $0x0  }
0x63: {  	s28 =	sadd.s32 s28, s2;
	[sflag:s22] =	ssyncadd.s32 $0xFFFF8000  }
0x64: {  	[tilespmem:s5], [sflag:$0x3] =	stream.linear.gather [hbm4b:s28+s5], $0x800, $0x38;
	[tilespmem:$0x1F000] =	vst v63  }
0x65: {  	_ =	swait.ge [sflag:s8], $0x800  }
0x66: {  	[sflag:s8] =	ssyncset.done $0x0  }
0x67: {  	s29 =	sadd.s32 s29, s2;
	[sflag:s8] =	ssyncadd.s32 $0xFFFFF800  }
0x68: {  	[tilespmem:s14], [sflag:$0x3] =	stream.linear.gather [hbm4b:s29+s5], $0x800, $0x38;
	[tilespmem:$0x1F000] =	vst v63  }
0x69: {  	_ =	swait.ge [sflag:s8], $0x800  }
0x6a: {  	[sflag:s8] =	ssyncset.done $0x0  }
0x6b: {  	[sflag:s8] =	ssyncadd.s32 $0xFFFFF800  }
0x6c: {  	[tilespmem:s15], [sflag:$0x1] =	stream.indirect.gather [hbm4b:s1+s14], $0x10, s5, s14, $0xb8;
	[tilespmem:$0x1F000] =	vst v63  }
0x6d: {  	_ = 	snop  }
0x6e: {  	[spmem:s3] =	stream.indirect.scatter.add.f32 [tilespmem:s21], [sflag:$0x2], $0x10, s20, s14, $0xb8;
	[tilespmem:$0x1F000] =	vst v63  }
0x6f: {  	_ = 	snop  }
0x70: {  	[spmem:s4] =	stream.indirect.scatter.add.f32 [tilespmem:s11], [sflag:$0x2], $0x10, s20, s14, $0xb8;
	[tilespmem:$0x1F000] =	vst v63  }
0x71: {  	_ =	swait.ge [sflag:s16], $0x8000  }
0x72: {  	[sflag:s16] =	ssyncset.done $0x0  }
0x73: {  	[sflag:s16] =	ssyncadd.s32 $0xFFFF8000  }
0x74: {  	_ =	swait.ge [sflag:s22], $0x8000  }
0x75: {  	[sflag:s22] =	ssyncset.done $0x0  }
0x76: {  	[sflag:s22] =	ssyncadd.s32 $0xFFFF8000  }
0x77: {  	_ =	swait.ge [sflag:s22], $0x8000  }
0x78: {  	[sflag:s22] =	ssyncset.done $0x0  }
0x79: {  	[sflag:s22] =	ssyncadd.s32 $0xFFFF8000  }
0x7a: {  	[spmem:s3] =	stream.indirect.scatter.add.f32 [tilespmem:s15], [sflag:$0x2], $0x10, s14, s14, $0xb8;
	[tilespmem:$0x1F000] =	vst v63  }
0x7b: {  	s2 =	smul.u32 $0x28000, s31  }
0x7c: {  	[spmem:s4] =	stream.indirect.scatter.add.f32 [tilespmem:s11], [sflag:$0x2], $0x10, s14, s14, $0xb8;
	[tilespmem:$0x1F000] =	vst v63  }
0x7d: {  	_ =	swait.ge [sflag:s22], $0x8000  }
0x7e: {  	s2 =	sadd.s32 s30, s2;
	[sflag:s22] =	ssyncset.done $0x0  }
0x7f: {  	s2 =	sshrl.u32 s2, $0x3;
	[sflag:s22] =	ssyncadd.s32 $0xFFFF8000  }
0x80: {  	s0 =	sadd.s32 s2, s0;
	s2 =	ssub.s32 $0x2, s31;
	_ =	swait.ge [sflag:s22], $0x8000  }
0x81: {  	s31 =	sshrl.u32 s2, $0x1;
	[sflag:s22] =	ssyncset.done $0x0  }
0x82: {  	s2 =	ssub.s32 s2, s31;
	[sflag:s22] =	ssyncadd.s32 $0xFFFF8000  }
0x83: {  	s30 =	sadd.s32 $0x21E00, s0;
	s2 =	smax.u32 s2, $0x1;
	[bflag:$0x0] =	sbarrier.arrive $0xFFFF  }
0x84: {  	[hbm:s30], [sflag:s7] =	dma.local [spmem:s9], $0x500  }
0x85: {  	p0 =	sne.s32 s2, $0x1;
	_ =	swait.ge [sflag:s8], $0x500  }
.Ltmp0:
0x86: {  	[sflag:s8] =	ssyncset.done $0x0;
	(pc) =	sbr.rel @!p0 .LBB2_2-.Ltmp0, $4  }
0x87: {  	s31 =	sadd.s32 $0x17E00, s0;
	[sflag:s8] =	ssyncadd.s32 $0xFFFFFB00  }
0x88: {  	[hbm:s31], [sflag:s7] =	dma.local [spmem:s10], $0x500  }
0x89: {  	_ =	swait.ge [sflag:s8], $0x500  }
0x8a: {  	s0 =	sadd.s32 $0xFFFFFFFF, s2;
	[sflag:s8] =	ssyncset.done $0x0  }
.LBB2_1:
0x8b: {  	[sflag:s8] =	ssyncadd.s32 $0xFFFFFB00  }
0x8c: {  	[spmem:s9], [sflag:s7] =	dma.local [hbm:s6], $0x500  }
0x8d: {  	_ =	swait.ge [sflag:s8], $0x500  }
0x8e: {  	[sflag:s8] =	ssyncset.done $0x0  }
0x8f: {  	[sflag:s8] =	ssyncadd.s32 $0xFFFFFB00  }
0x90: {  	[spmem:s10], [sflag:s7] =	dma.local [hbm:s6], $0x500  }
0x91: {  	_ =	swait.ge [sflag:s8], $0x500  }
0x92: {  	[sflag:s8] =	ssyncset.done $0x0  }
0x93: {  	s2 =	rddreg [dreg:$0x5];
	[sflag:s8] =	ssyncadd.s32 $0xFFFFFB00  }
0x94: {  	[tilespmem:s11], [sflag:$0x3] =	stream.linear.gather [hbm4b:s2+s5], $0x8000, $0x38;
	[tilespmem:$0x1F000] =	vst v63  }
0x95: {  	_ =	swait.ge [sflag:s8], $0x8000  }
0x96: {  	[sflag:s8] =	ssyncset.done $0x0  }
0x97: {  	[sflag:s8] =	ssyncadd.s32 $0xFFFF8000  }
0x98: {  	[bflag:$0x0] =	sbarrier.arrive $0xFFFF  }
0x99: {  	[tilespmem:s5], [sflag:$0x3] =	stream.linear.gather [hbm4b:s12+s5], $0x800, $0x38;
	[tilespmem:$0x1F000] =	vst v63  }
0x9a: {  	_ =	swait.ge [sflag:s8], $0x800  }
0x9b: {  	[sflag:s8] =	ssyncset.done $0x0  }
0x9c: {  	[sflag:s8] =	ssyncadd.s32 $0xFFFFF800  }
0x9d: {  	[tilespmem:s14], [sflag:$0x3] =	stream.linear.gather [hbm4b:s13+s5], $0x800, $0x38;
	[tilespmem:$0x1F000] =	vst v63  }
0x9e: {  	_ =	swait.ge [sflag:s8], $0x800  }
0x9f: {  	[sflag:s8] =	ssyncset.done $0x0  }
0xa0: {  	[sflag:s8] =	ssyncadd.s32 $0xFFFFF800  }
0xa1: {  	[tilespmem:s15], [sflag:$0x1] =	stream.indirect.gather [hbm4b:s1+s14], $0x10, s5, s14, $0xb8;
	[tilespmem:$0x1F000] =	vst v63  }
0xa2: {  	_ =	swait.ge [sflag:s16], $0x8000  }
0xa3: {  	[sflag:s16] =	ssyncset.done $0x0  }
0xa4: {  	[sflag:s16] =	ssyncadd.s32 $0xFFFF8000  }
0xa5: {  	[tilespmem:s18], [sflag:$0x3] =	stream.linear.gather [hbm4b:s17+s5], $0x800, $0x38;
	[tilespmem:$0x1F000] =	vst v63  }
0xa6: {  	_ =	swait.ge [sflag:s8], $0x800  }
0xa7: {  	[sflag:s8] =	ssyncset.done $0x0  }
0xa8: {  	[sflag:s8] =	ssyncadd.s32 $0xFFFFF800  }
0xa9: {  	[tilespmem:s20], [sflag:$0x3] =	stream.linear.gather [hbm4b:s19+s5], $0x800, $0x38;
	[tilespmem:$0x1F000] =	vst v63  }
0xaa: {  	_ =	swait.ge [sflag:s8], $0x800  }
0xab: {  	[sflag:s8] =	ssyncset.done $0x0  }
0xac: {  	[sflag:s8] =	ssyncadd.s32 $0xFFFFF800  }
0xad: {  	[tilespmem:s21], [sflag:$0x1] =	stream.indirect.gather [hbm4b:s1+s14], $0x10, s18, s14, $0xb8;
	[tilespmem:$0x1F000] =	vst v63  }
0xae: {  	_ = 	snop  }
0xaf: {  	[spmem:s3] =	stream.indirect.scatter.add.f32 [tilespmem:s15], [sflag:$0x2], $0x10, s14, s14, $0xb8;
	[tilespmem:$0x1F000] =	vst v63  }
0xb0: {  	_ = 	snop  }
0xb1: {  	[spmem:s4] =	stream.indirect.scatter.add.f32 [tilespmem:s11], [sflag:$0x2], $0x10, s14, s14, $0xb8;
	[tilespmem:$0x1F000] =	vst v63  }
0xb2: {  	_ =	swait.ge [sflag:s16], $0x8000  }
0xb3: {  	[sflag:s16] =	ssyncset.done $0x0  }
0xb4: {  	[sflag:s16] =	ssyncadd.s32 $0xFFFF8000  }
0xb5: {  	_ =	swait.ge [sflag:s22], $0x8000  }
0xb6: {  	[sflag:s22] =	ssyncset.done $0x0  }
0xb7: {  	[sflag:s22] =	ssyncadd.s32 $0xFFFF8000  }
0xb8: {  	_ =	swait.ge [sflag:s22], $0x8000  }
0xb9: {  	[sflag:s22] =	ssyncset.done $0x0  }
0xba: {  	[sflag:s22] =	ssyncadd.s32 $0xFFFF8000  }
0xbb: {  	[tilespmem:s5], [sflag:$0x3] =	stream.linear.gather [hbm4b:s23+s5], $0x800, $0x38;
	[tilespmem:$0x1F000] =	vst v63  }
0xbc: {  	_ =	swait.ge [sflag:s8], $0x800  }
0xbd: {  	[sflag:s8] =	ssyncset.done $0x0  }
0xbe: {  	[sflag:s8] =	ssyncadd.s32 $0xFFFFF800  }
0xbf: {  	[tilespmem:s14], [sflag:$0x3] =	stream.linear.gather [hbm4b:s24+s5], $0x800, $0x38;
	[tilespmem:$0x1F000] =	vst v63  }
0xc0: {  	_ =	swait.ge [sflag:s8], $0x800  }
0xc1: {  	[sflag:s8] =	ssyncset.done $0x0  }
0xc2: {  	[sflag:s8] =	ssyncadd.s32 $0xFFFFF800  }
0xc3: {  	[tilespmem:s15], [sflag:$0x1] =	stream.indirect.gather [hbm4b:s1+s14], $0x10, s5, s14, $0xb8;
	[tilespmem:$0x1F000] =	vst v63  }
0xc4: {  	_ = 	snop  }
0xc5: {  	[spmem:s3] =	stream.indirect.scatter.add.f32 [tilespmem:s21], [sflag:$0x2], $0x10, s20, s14, $0xb8;
	[tilespmem:$0x1F000] =	vst v63  }
0xc6: {  	_ = 	snop  }
0xc7: {  	[spmem:s4] =	stream.indirect.scatter.add.f32 [tilespmem:s11], [sflag:$0x2], $0x10, s20, s14, $0xb8;
	[tilespmem:$0x1F000] =	vst v63  }
0xc8: {  	_ =	swait.ge [sflag:s16], $0x8000  }
0xc9: {  	[sflag:s16] =	ssyncset.done $0x0  }
0xca: {  	[sflag:s16] =	ssyncadd.s32 $0xFFFF8000  }
0xcb: {  	_ =	swait.ge [sflag:s22], $0x8000  }
0xcc: {  	[sflag:s22] =	ssyncset.done $0x0  }
0xcd: {  	[sflag:s22] =	ssyncadd.s32 $0xFFFF8000  }
0xce: {  	_ =	swait.ge [sflag:s22], $0x8000  }
0xcf: {  	[sflag:s22] =	ssyncset.done $0x0  }
0xd0: {  	[sflag:s22] =	ssyncadd.s32 $0xFFFF8000  }
0xd1: {  	[tilespmem:s18], [sflag:$0x3] =	stream.linear.gather [hbm4b:s25+s5], $0x800, $0x38;
	[tilespmem:$0x1F000] =	vst v63  }
0xd2: {  	_ =	swait.ge [sflag:s8], $0x800  }
0xd3: {  	[sflag:s8] =	ssyncset.done $0x0  }
0xd4: {  	[sflag:s8] =	ssyncadd.s32 $0xFFFFF800  }
0xd5: {  	[tilespmem:s20], [sflag:$0x3] =	stream.linear.gather [hbm4b:s26+s5], $0x800, $0x38;
	[tilespmem:$0x1F000] =	vst v63  }
0xd6: {  	_ =	swait.ge [sflag:s8], $0x800  }
0xd7: {  	[sflag:s8] =	ssyncset.done $0x0  }
0xd8: {  	[sflag:s8] =	ssyncadd.s32 $0xFFFFF800  }
0xd9: {  	[tilespmem:s21], [sflag:$0x1] =	stream.indirect.gather [hbm4b:s1+s14], $0x10, s18, s14, $0xb8;
	[tilespmem:$0x1F000] =	vst v63  }
0xda: {  	_ = 	snop  }
0xdb: {  	[spmem:s3] =	stream.indirect.scatter.add.f32 [tilespmem:s15], [sflag:$0x2], $0x10, s14, s14, $0xb8;
	[tilespmem:$0x1F000] =	vst v63  }
0xdc: {  	_ = 	snop  }
0xdd: {  	[spmem:s4] =	stream.indirect.scatter.add.f32 [tilespmem:s11], [sflag:$0x2], $0x10, s14, s14, $0xb8;
	[tilespmem:$0x1F000] =	vst v63  }
0xde: {  	_ =	swait.ge [sflag:s16], $0x8000  }
0xdf: {  	[sflag:s16] =	ssyncset.done $0x0  }
0xe0: {  	[sflag:s16] =	ssyncadd.s32 $0xFFFF8000  }
0xe1: {  	_ =	swait.ge [sflag:s22], $0x8000  }
0xe2: {  	[sflag:s22] =	ssyncset.done $0x0  }
0xe3: {  	[sflag:s22] =	ssyncadd.s32 $0xFFFF8000  }
0xe4: {  	_ =	swait.ge [sflag:s22], $0x8000  }
0xe5: {  	[sflag:s22] =	ssyncset.done $0x0  }
0xe6: {  	[sflag:s22] =	ssyncadd.s32 $0xFFFF8000  }
0xe7: {  	[tilespmem:s5], [sflag:$0x3] =	stream.linear.gather [hbm4b:s28+s5], $0x800, $0x38;
	[tilespmem:$0x1F000] =	vst v63  }
0xe8: {  	_ =	swait.ge [sflag:s8], $0x800  }
0xe9: {  	[sflag:s8] =	ssyncset.done $0x0  }
0xea: {  	[sflag:s8] =	ssyncadd.s32 $0xFFFFF800  }
0xeb: {  	[tilespmem:s14], [sflag:$0x3] =	stream.linear.gather [hbm4b:s29+s5], $0x800, $0x38;
	[tilespmem:$0x1F000] =	vst v63  }
0xec: {  	_ =	swait.ge [sflag:s8], $0x800  }
0xed: {  	[sflag:s8] =	ssyncset.done $0x0  }
0xee: {  	[sflag:s8] =	ssyncadd.s32 $0xFFFFF800  }
0xef: {  	[tilespmem:s15], [sflag:$0x1] =	stream.indirect.gather [hbm4b:s1+s14], $0x10, s5, s14, $0xb8;
	[tilespmem:$0x1F000] =	vst v63  }
0xf0: {  	_ = 	snop  }
0xf1: {  	[spmem:s3] =	stream.indirect.scatter.add.f32 [tilespmem:s21], [sflag:$0x2], $0x10, s20, s14, $0xb8;
	[tilespmem:$0x1F000] =	vst v63  }
0xf2: {  	_ = 	snop  }
0xf3: {  	[spmem:s4] =	stream.indirect.scatter.add.f32 [tilespmem:s11], [sflag:$0x2], $0x10, s20, s14, $0xb8;
	[tilespmem:$0x1F000] =	vst v63  }
0xf4: {  	_ =	swait.ge [sflag:s16], $0x8000  }
0xf5: {  	[sflag:s16] =	ssyncset.done $0x0  }
0xf6: {  	[sflag:s16] =	ssyncadd.s32 $0xFFFF8000  }
0xf7: {  	_ =	swait.ge [sflag:s22], $0x8000  }
0xf8: {  	[sflag:s22] =	ssyncset.done $0x0  }
0xf9: {  	[sflag:s22] =	ssyncadd.s32 $0xFFFF8000  }
0xfa: {  	_ =	swait.ge [sflag:s22], $0x8000  }
0xfb: {  	[sflag:s22] =	ssyncset.done $0x0  }
0xfc: {  	[sflag:s22] =	ssyncadd.s32 $0xFFFF8000  }
0xfd: {  	[spmem:s3] =	stream.indirect.scatter.add.f32 [tilespmem:s15], [sflag:$0x2], $0x10, s14, s14, $0xb8;
	[tilespmem:$0x1F000] =	vst v63  }
0xfe: {  	_ = 	snop  }
0xff: {  	[spmem:s4] =	stream.indirect.scatter.add.f32 [tilespmem:s11], [sflag:$0x2], $0x10, s14, s14, $0xb8;
	[tilespmem:$0x1F000] =	vst v63  }
0x100: {  	_ =	swait.ge [sflag:s22], $0x8000  }
0x101: {  	[sflag:s22] =	ssyncset.done $0x0  }
0x102: {  	[sflag:s22] =	ssyncadd.s32 $0xFFFF8000  }
0x103: {  	_ =	swait.ge [sflag:s22], $0x8000  }
0x104: {  	[sflag:s22] =	ssyncset.done $0x0  }
0x105: {  	[sflag:s22] =	ssyncadd.s32 $0xFFFF8000  }
0x106: {  	[bflag:$0x0] =	sbarrier.arrive $0xFFFF  }
0x107: {  	[hbm:s30], [sflag:s7] =	dma.local [spmem:s9], $0x500  }
0x108: {  	p0 =	sne.s32 s0, $0x1;
	_ =	swait.ge [sflag:s8], $0x500  }
.Ltmp1:
0x109: {  	[sflag:s8] =	ssyncset.done $0x0;
	(pc) =	sbr.rel @p0 .LBB2_1-.Ltmp1, $4  }
0x10a: {  	[sflag:s8] =	ssyncadd.s32 $0xFFFFFB00  }
0x10b: {  	[hbm:s31], [sflag:s7] =	dma.local [spmem:s10], $0x500  }
0x10c: {  	_ =	swait.ge [sflag:s8], $0x500  }
0x10d: {  	s0 =	sadd.s32 $0xFFFFFFFF, s0;
	[sflag:s8] =	ssyncset.done $0x0  }
.LBB2_2:
0x10e: {  	[sflag:s8] =	ssyncadd.s32 $0xFFFFFB00  }
0x10f: {  	_ =	sfence.sel $0x180000  }
0x110: {  	[bflag:$0x0] =	sbarrier.arrive $0xFFFF  }
0x111: {  	_ =	strace $0x90000047  }
0x112: {  	s0 =	stileid.u32;
	[bflag:$0x2] =	sbarrier.arrive $0xFFFF  }
0x113: {  	p0 =	sne.s32 s0, $0x0;
	s0 =	rddreg [dreg:$0x4]  }
0x114: {  	s0 =	sadd.s32 @!p0 $0x100000, s0  }
0x115: {  	[sflag:s0] =	ssyncadd.tile.s32 @!p0 $0x1;
	_ =	shalt  }
.Lfunc_end2:
_tile_overlayer_lowered:
.L_overlay_start_2:
0x116: {  	(tag) =	ssettag $0x2  }
0x117: {  	s0 =	rddreg [dreg:$0x0];
	s2 =	stileid.u32  }
0x118: {  	s1 =	rddreg [dreg:$0x1];
	p0 =	sne.s32 s2, $0x0  }
0x119: {  	s3 =	rddreg [dreg:$0x2];
	[bflag:$0x3] =	sbarrier.arrive $0xFFFF;
	s2 =	simm.s32 @!p0 $0x1C03  }
0x11a: {  	[timem:s3], [sflag:s2] =	dma.local @!p0 [hbm:s0], s1  }
0x11b: {  	s0 =	simm.s32 @!p0 $0x3  }
0x11c: {  	_ =	swait.ge @!p0 [sflag:s0], s1  }
0x11d: {  	s1 =	ssub.s32 @!p0 $0x0, s1;
	[sflag:s0] =	ssyncset.done @!p0 $0x0  }
0x11e: {  	[sflag:s0] =	ssyncadd.s32 @!p0 s1  }
0x11f: {  	[bflag:$0x3] =	sbarrier.arrive $0xFFFF  }
0x120: {  	_ =	shalt  }

</sc_bundles>
